<compile_context>
chip_gen: v7x
topology: tpu7x:2x2x1
jax: 0.10.2.dev20260603
libtpu: 0.0.44.dev20260713+nightly
codegen_flags: <defaults>
</compile_context>

<pallas_src>
import functools

import jax
import jax.numpy as jnp
from jax import lax
from jax.experimental import pallas as pl
from jax.experimental.pallas import tpu as pltpu
from jax.experimental.pallas import tpu_sc as plsc

R = 256
C = 512
K = 20
BIG = 1e30
IDX_BIG = 1e9

HIGH = lax.Precision.HIGHEST


def _dot(a, b, dims, precision=HIGH):
    return lax.dot_general(a, b, (dims, ((), ())),
                           precision=precision,
                           preferred_element_type=jnp.float32)


def _knn_proj_kernel(starts_ref, ncr_ref, xbf_ref, xf_ref, sqc_ref, sqr_ref,
                     rs_ref, re_ref, w1m_ref, w1b_ref, b1_ref,
                     topi_ref, a_ref, b_ref, dist_scr):
    blk = pl.program_id(0)
    start = starts_ref[blk]
    ncr = ncr_ref[blk]

    xr_b = xbf_ref[pl.ds(pl.multiple_of(blk * R, R), R), :]
    rs = rs_ref[0, 0:1, :]
    re = re_ref[0, 0:1, :]
    sqr = sqr_ref[0, 0:1, :]

    xr = xf_ref[pl.ds(pl.multiple_of(blk * R, R), R), :]
    a_ref[:] = _dot(xr, w1m_ref[:], ((1,), (0,))) + b1_ref[:]
    b_ref[:] = _dot(xr, w1b_ref[:], ((1,), (0,)))

    sub = lax.broadcasted_iota(jnp.int32, (C, 1), 0).astype(jnp.float32)

    def fill(c, _):
        off = start + c * C
        xc_c = xbf_ref[pl.ds(pl.multiple_of(off, C), C), :]
        d0 = _dot(xc_c, xr_b, ((1,), (1,)), precision=None)
        sqc = sqc_ref[pl.ds(pl.multiple_of(off, C), C), :]
        d = (sqr + sqc) - 2.0 * d0
        gi = off.astype(jnp.float32) + sub
        valid = (gi >= rs) & (gi < re)
        dist_scr[pl.ds(pl.multiple_of(c * C, C), C), :] = jnp.where(valid, d, BIG)
        return 0

    lax.fori_loop(0, ncr, fill, 0, unroll=False)

    m_prev = jnp.full((1, R), -jnp.inf, jnp.float32)
    i_prev = jnp.full((1, R), -1.0, jnp.float32)
    rows = []
    for _ in range(K):
        def scan(c, carry):
            bv, bi = carry
            v = dist_scr[pl.ds(pl.multiple_of(c * C, C), C), :]
            gi = (start + c * C).astype(jnp.float32) + sub
            ok = (v > m_prev) | ((v == m_prev) & (gi > i_prev))
            vv = jnp.where(ok, v, jnp.inf)
            cm = jnp.min(vv, axis=0, keepdims=True)
            ci = jnp.min(jnp.where(vv == cm, gi, IDX_BIG), axis=0,
                         keepdims=True)
            take = (cm < bv) | ((cm == bv) & (ci < bi))
            return jnp.where(take, cm, bv), jnp.where(take, ci, bi)

        m_prev, i_prev = lax.fori_loop(
            0, ncr, scan,
            (jnp.full((1, R), jnp.inf, jnp.float32),
             jnp.full((1, R), IDX_BIG, jnp.float32)),
            unroll=False)
        rows.append(i_prev)

    topi_ref[0, 0:1, :] = jnp.concatenate(rows, axis=1)


def _sc_gather(table, idx):
    nrows = idx.shape[0]
    depth = table.shape[1]
    info = plsc.get_sparse_core_info()
    nw = info.num_cores * info.num_subcores
    b_per_w = nrows // nw
    ch = 320
    assert b_per_w % ch == 0

    mesh = plsc.VectorSubcoreMesh(core_axis_name="c", subcore_axis_name="s")

    @functools.partial(
        pl.kernel, mesh=mesh,
        out_type=jax.ShapeDtypeStruct((nrows, depth), table.dtype),
        scratch_types=[
            pltpu.VMEM((ch,), jnp.int32),
            pltpu.VMEM((ch, depth), table.dtype),
            pltpu.SemaphoreType.DMA,
        ],
    )
    def k(table_hbm, idx_hbm, out_hbm, idx_v, rows_v, sem):
        wid = lax.axis_index("s") * info.num_cores + lax.axis_index("c")
        base = wid * b_per_w

        def body(i, _):
            off = base + i * ch
            pltpu.sync_copy(idx_hbm.at[pl.ds(off, ch)], idx_v)
            pltpu.async_copy(table_hbm.at[idx_v], rows_v, sem).wait()
            pltpu.sync_copy(rows_v, out_hbm.at[pl.ds(off, ch)])
            return 0

        lax.fori_loop(0, b_per_w // ch, body, 0)

    return k(table, idx)


def _edge_mlp_kernel(a_ref, g_ref, w2_ref, b2_ref, out_ref):
    a = a_ref[:]
    a_stack = jnp.concatenate([a] * K, axis=0)
    gv = g_ref[:, 0:64]
    h = jnp.maximum(a_stack + gv, 0.0)
    o2 = _dot(h, w2_ref[:], ((1,), (0,)))
    out = o2[0:R, :]
    for k in range(1, K):
        out = jnp.maximum(out, o2[k * R:(k + 1) * R, :])

    out_ref[:] = out + b2_ref[:]


def kernel(x, batch, W1, b1, W2, b2, _debug_parts=False):
    n, d = x.shape
    n_pad = ((n + C - 1) // C) * C
    nb = n_pad // R

    pad_id = batch[-1] + 1
    x_pad = jnp.pad(x, ((0, n_pad - n), (0, 0)))
    batch_pad = jnp.concatenate(
        [batch, jnp.full((n_pad - n,), pad_id, batch.dtype)])

    x_bf = x_pad.astype(jnp.bfloat16)
    sq = jnp.sum(x_pad * x_pad, axis=1)
    sq_col = sq[:, None]

    iota = jnp.arange(n_pad, dtype=jnp.int32)
    is_start = jnp.concatenate(
        [jnp.ones((1,), bool), batch_pad[1:] != batch_pad[:-1]])
    is_end = jnp.concatenate(
        [batch_pad[1:] != batch_pad[:-1], jnp.ones((1,), bool)])
    rs_all = lax.cummax(jnp.where(is_start, iota, 0))
    re_all = lax.cummin(jnp.where(is_end, iota + 1, n_pad)[::-1])[::-1]
    start_blk = rs_all.reshape(nb, R)[:, 0].astype(jnp.int32)
    end_blk = re_all.reshape(nb, R)[:, -1].astype(jnp.int32)
    start_al = (start_blk // C) * C
    ncr = (end_blk - start_al + C - 1) // C

    def row_tiles(v):
        return jnp.broadcast_to(
            v.astype(jnp.float32).reshape(nb, 1, R), (nb, 8, R))

    rs_t = row_tiles(rs_all)
    re_t = row_tiles(re_all)
    sqr_t = row_tiles(sq)

    W1m = W1[:d] - W1[d:]
    W1b = W1[d:]
    b1r = b1[None, :]
    b2r = b2[None, :]

    smem = pl.BlockSpec(memory_space=pltpu.SMEM)
    full = pl.BlockSpec(memory_space=pltpu.VMEM)

    grid = (nb,)
    topi, A, B = pl.pallas_call(
        _knn_proj_kernel,
        grid=grid,
        in_specs=[
            smem, smem,
            full, full, full,
            pl.BlockSpec((1, 8, R), lambda b: (b, 0, 0)),
            pl.BlockSpec((1, 8, R), lambda b: (b, 0, 0)),
            pl.BlockSpec((1, 8, R), lambda b: (b, 0, 0)),
            full, full, full,
        ],
        out_specs=[
            pl.BlockSpec((1, 8, K * R), lambda b: (b, 0, 0)),
            pl.BlockSpec((R, 64), lambda b: (b, 0)),
            pl.BlockSpec((R, 64), lambda b: (b, 0)),
        ],
        out_shape=[
            jax.ShapeDtypeStruct((nb, 8, K * R), jnp.float32),
            jax.ShapeDtypeStruct((n_pad, 64), jnp.float32),
            jax.ShapeDtypeStruct((n_pad, 64), jnp.float32),
        ],
        scratch_shapes=[pltpu.VMEM((n_pad, R), jnp.float32)],
    )(start_al, ncr, x_bf, x_pad, sq_col, sqr_t, rs_t, re_t, W1m, W1b, b1r)

    B128 = jnp.pad(B, ((0, 0), (0, 64)))

    idx_flat = topi[:, 0, :].reshape(-1).astype(jnp.int32)
    G = _sc_gather(B128, idx_flat)

    out = pl.pallas_call(
        _edge_mlp_kernel,
        grid=grid,
        in_specs=[
            pl.BlockSpec((R, 64), lambda b: (b, 0)),
            pl.BlockSpec((K * R, 128), lambda b: (b, 0)),
            full, full,
        ],
        out_specs=pl.BlockSpec((R, 128), lambda b: (b, 0)),
        out_shape=jax.ShapeDtypeStruct((n_pad, 128), jnp.float32),
    )(A, G, W2, b2r)

    if _debug_parts:
        topi_nk = topi[:, 0, :].reshape(nb, K, R).transpose(0, 2, 1)
        return out[:n], topi_nk.reshape(n_pad, K), A, B
    return out[:n]

# --- scband reference (transcript-rebuilt; emitter-appended) ---
"""Pipeline reference for scband-edge-conv-block-13864154431840 (READ-ONLY COPY).

The authoritative reference and input builder live on the scoring server;
editing this copy changes nothing except your own understanding.
"""

import jax, jax.numpy as jnp
import numpy as np

N = 10000
D_IN = 128
D_OUT = 128
H = 64
K = 20
NUM_GRAPHS = 16


def setup_inputs(seed: int = 0) -> dict:
    key = jax.random.key(seed)
    k1, k2, k3, k4, k5, k6 = jax.random.split(key, 6)
    x = jax.random.normal(k1, (N, D_IN), dtype=jnp.float32)
    # sorted segment ids: which graph each node belongs to (jax default int32)
    batch = jnp.sort(jax.random.randint(k2, (N,), 0, NUM_GRAPHS, dtype=jnp.int32))
    # MLP params: Linear(2*in, 64) -> ReLU -> Linear(64, out)
    W1 = jax.random.normal(k3, (2 * D_IN, H), dtype=jnp.float32) * (1.0 / np.sqrt(2 * D_IN))
    b1 = jnp.zeros((H,), dtype=jnp.float32)
    W2 = jax.random.normal(k4, (H, D_OUT), dtype=jnp.float32) * (1.0 / np.sqrt(H))
    b2 = jnp.zeros((D_OUT,), dtype=jnp.float32)
    return {"x": x, "batch": batch, "W1": W1, "b1": b1, "W2": W2, "b2": b2}


def _knn_idx(x, batch, k):
    # pairwise squared distances, masked so neighbors stay within the same graph
    sq = jnp.sum(x * x, axis=1)
    dist = sq[:, None] + sq[None, :] - 2.0 * (x @ x.T)
    mask = batch[:, None] != batch[None, :]
    dist = jnp.where(mask, jnp.inf, dist)
    # k nearest (smallest distance) per node; self included (dist 0), as in torch_cluster.knn
    _, idx = jax.lax.top_k(-dist, k)
    return idx  # [N, k]


def reference(x, batch, W1, b1, W2, b2):
    idx = _knn_idx(x, batch, K)            # [N, K] int
    x_j = x[idx]                            # gather neighbor features [N, K, D]
    x_i = jnp.broadcast_to(x[:, None, :], x_j.shape)
    feat = jnp.concatenate([x_i, x_j - x_i], axis=-1)  # [N, K, 2D]
    h = jax.nn.relu(feat @ W1 + b1)         # [N, K, H]
    h = h @ W2 + b2                          # [N, K, D_OUT]
    out = jnp.max(h, axis=1)                 # max aggregation over neighbors
    return out

if __name__ == "__main__":
    import jax
    _d = setup_inputs()
    print(jax.jit(kernel)(*tuple(_d.values())))

</pallas_src>

<mosaic_0001>
#map = affine_map<(d0, d1) -> (0, 0)>
#map1 = affine_map<(d0, d1) -> (0)>
module attributes {stable_mosaic.version = 14 : i64} {
  func.func @k(%arg0: i32, %arg1: i32, %arg2: memref<10240x128xf32, #tpu.memory_space<hbm>>, %arg3: memref<204800xi32, #tpu.memory_space<hbm>>, %arg4: memref<204800x128xf32, #tpu.memory_space<hbm>>, %arg5: memref<320xi32, #tpu.memory_space<vmem>>, %arg6: memref<320x128xf32, #tpu.memory_space<vmem>>, %arg7: memref<!tpu.dma_semaphore, #tpu.memory_space<semaphore_mem>>) attributes {dimension_semantics = [#tpu.dimension_semantics<core_parallel>, #tpu.dimension_semantics<subcore_parallel>], iteration_bounds = array<i64: 2, 16>, scalar_prefetch = 0 : i64, scratch_operands = 3 : i64, tpu.core_type = #tpu.core_type<sc_vector_subcore>, window_params = [{transform_indices = #map}, {transform_indices = #map1}, {transform_indices = #map}]} {
    %mul3A = arith.constant 2 : i32
    %mul3A_0 = arith.muli %arg1, %mul3A : i32
    %add3A = arith.addi %mul3A_0, %arg0 : i32
    %mul3A_1 = arith.constant 6400 : i32
    %mul3A_2 = arith.muli %add3A, %mul3A_1 : i32
    %scan3A = arith.constant 0 : i32
    %scan3A_3 = arith.constant 0 : i32
    %scan3A_4 = arith.constant 20 : i32
    %scan3A_5 = arith.addi %scan3A_3, %scan3A_4 : i32
    %scan3A_6 = arith.constant 1 : i32
    %scan3A_7 = scf.for %scan3A_9 = %scan3A_3 to %scan3A_5 step %scan3A_6 iter_args(%scan3A_10 = %scan3A) -> (i32)  : i32 {
      %mul3A_11 = arith.constant 320 : i32
      %mul3A_12 = arith.muli %scan3A_9, %mul3A_11 : i32
      %add3A_13 = arith.addi %mul3A_2, %mul3A_12 : i32
      "tpu.region"() ({
        %run_scoped3A = tpu.sem_alloc : memref<!tpu.dma_semaphore, #tpu.memory_space<semaphore_mem>>
        %dma_start3A_19 = tpu.memref_slice %arg3[%add3A_13] : memref<204800xi32, #tpu.memory_space<hbm>> -> memref<320xi32, #tpu.memory_space<hbm>>
        %dma_start3A_20 = tpu.memref_slice %arg3[%add3A_13] : memref<204800xi32, #tpu.memory_space<hbm>> -> memref<320xi32, #tpu.memory_space<hbm>>
        tpu.enqueue_dma source(%dma_start3A_20 : memref<320xi32, #tpu.memory_space<hbm>>) target(%arg5 : memref<320xi32, #tpu.memory_space<vmem>>) target_semaphore(%run_scoped3A : memref<!tpu.dma_semaphore, #tpu.memory_space<semaphore_mem>>)
        %dma_wait3A_21 = tpu.memref_slice %arg3[%add3A_13] : memref<204800xi32, #tpu.memory_space<hbm>> -> memref<320xi32, #tpu.memory_space<hbm>>
        %dma_wait3A_22 = tpu.memref_slice %arg3[%add3A_13] : memref<204800xi32, #tpu.memory_space<hbm>> -> memref<320xi32, #tpu.memory_space<hbm>>
        tpu.wait_dma2 semaphore(%run_scoped3A : memref<!tpu.dma_semaphore, #tpu.memory_space<semaphore_mem>>) src(%dma_wait3A_22 : memref<320xi32, #tpu.memory_space<hbm>>) dst(%arg5 : memref<320xi32, #tpu.memory_space<vmem>>)
        tpu.yield
      }) : () -> ()
      %dma_start3A = arith.constant 0 : i32
      %dma_start3A_14 = arith.constant 0 : i32
      %dma_start3A_15 = tpu.memref_slice %arg2[%dma_start3A, %dma_start3A_14] : memref<10240x128xf32, #tpu.memory_space<hbm>> -> memref<10240x128xf32, #tpu.memory_space<hbm>>
      tpu.enqueue_indirect_dma source(%dma_start3A_15 : memref<10240x128xf32, #tpu.memory_space<hbm>>) target(%arg6 : memref<320x128xf32, #tpu.memory_space<vmem>>) offsets(%arg5 : memref<320xi32, #tpu.memory_space<vmem>>) semaphore(%arg7 : memref<!tpu.dma_semaphore, #tpu.memory_space<semaphore_mem>>)
      %dma_wait3A = arith.constant 0 : i32
      %dma_wait3A_16 = arith.constant 0 : i32
      %dma_wait3A_17 = tpu.memref_slice %arg2[%dma_wait3A, %dma_wait3A_16] : memref<10240x128xf32, #tpu.memory_space<hbm>> -> memref<10240x128xf32, #tpu.memory_space<hbm>>
      tpu.wait_indirect_dma semaphore(%arg7 : memref<!tpu.dma_semaphore, #tpu.memory_space<semaphore_mem>>) src(%dma_wait3A_17 : memref<10240x128xf32, #tpu.memory_space<hbm>>) dst(%arg6 : memref<320x128xf32, #tpu.memory_space<vmem>>)
      "tpu.region"() ({
        %run_scoped3A = tpu.sem_alloc : memref<!tpu.dma_semaphore, #tpu.memory_space<semaphore_mem>>
        %dma_start3A_19 = arith.constant 0 : i32
        %dma_start3A_20 = tpu.memref_slice %arg4[%add3A_13, %dma_start3A_19] : memref<204800x128xf32, #tpu.memory_space<hbm>> -> memref<320x128xf32, #tpu.memory_space<hbm>>
        %dma_start3A_21 = arith.constant 0 : i32
        %dma_start3A_22 = tpu.memref_slice %arg4[%add3A_13, %dma_start3A_21] : memref<204800x128xf32, #tpu.memory_space<hbm>> -> memref<320x128xf32, #tpu.memory_space<hbm>>
        tpu.enqueue_dma source(%arg6 : memref<320x128xf32, #tpu.memory_space<vmem>>) target(%dma_start3A_22 : memref<320x128xf32, #tpu.memory_space<hbm>>) target_semaphore(%run_scoped3A : memref<!tpu.dma_semaphore, #tpu.memory_space<semaphore_mem>>)
        %dma_wait3A_23 = arith.constant 0 : i32
        %dma_wait3A_24 = tpu.memref_slice %arg4[%add3A_13, %dma_wait3A_23] : memref<204800x128xf32, #tpu.memory_space<hbm>> -> memref<320x128xf32, #tpu.memory_space<hbm>>
        %dma_wait3A_25 = arith.constant 0 : i32
        %dma_wait3A_26 = tpu.memref_slice %arg4[%add3A_13, %dma_wait3A_25] : memref<204800x128xf32, #tpu.memory_space<hbm>> -> memref<320x128xf32, #tpu.memory_space<hbm>>
        tpu.wait_dma2 semaphore(%run_scoped3A : memref<!tpu.dma_semaphore, #tpu.memory_space<semaphore_mem>>) src(%arg6 : memref<320x128xf32, #tpu.memory_space<vmem>>) dst(%dma_wait3A_26 : memref<320x128xf32, #tpu.memory_space<hbm>>)
        tpu.yield
      }) : () -> ()
      %scan3A_18 = arith.constant 0 : i32
      scf.yield %scan3A_18 : i32
    }
    %scan3A_8 = arith.constant 20 : i32
    return
  }
}

module attributes {stable_mosaic.version = 14 : i64} {
  func.func @_knn_proj_kernel(%arg0: i32, %arg1: memref<40xi32, #tpu.memory_space<smem>>, %arg2: memref<40xi32, #tpu.memory_space<smem>>, %arg3: memref<10240x128xbf16, #tpu.memory_space<vmem>>, %arg4: memref<10240x128xf32, #tpu.memory_space<vmem>>, %arg5: memref<10240x1xf32, #tpu.memory_space<vmem>>, %arg6: memref<1x8x256xf32, #tpu.memory_space<vmem>>, %arg7: memref<1x8x256xf32, #tpu.memory_space<vmem>>, %arg8: memref<1x8x256xf32, #tpu.memory_space<vmem>>, %arg9: memref<128x64xf32, #tpu.memory_space<vmem>>, %arg10: memref<128x64xf32, #tpu.memory_space<vmem>>, %arg11: memref<1x64xf32, #tpu.memory_space<vmem>>, %arg12: memref<1x8x5120xf32, #tpu.memory_space<vmem>>, %arg13: memref<256x64xf32, #tpu.memory_space<vmem>>, %arg14: memref<256x64xf32, #tpu.memory_space<vmem>>, %arg15: memref<10240x256xf32, #tpu.memory_space<vmem>>) attributes {dimension_semantics = [#tpu.dimension_semantics<arbitrary>], iteration_bounds = array<i64: 40>, scalar_prefetch = 0 : i64, scratch_operands = 1 : i64, tpu.core_type = #tpu.core_type<tc>, window_params = [{transform_indices = @transform_0, window_bounds = array<i64: 40>}, {transform_indices = @transform_1, window_bounds = array<i64: 40>}, {pipeline_mode = #tpu.pipeline_mode<synchronous>, transform_indices = @transform_2, window_bounds = array<i64: 10240, 128>}, {pipeline_mode = #tpu.pipeline_mode<synchronous>, transform_indices = @transform_3, window_bounds = array<i64: 10240, 128>}, {pipeline_mode = #tpu.pipeline_mode<synchronous>, transform_indices = @transform_4, window_bounds = array<i64: 10240, 1>}, {transform_indices = @transform_5, window_bounds = array<i64: 1, 8, 256>}, {transform_indices = @transform_6, window_bounds = array<i64: 1, 8, 256>}, {transform_indices = @transform_7, window_bounds = array<i64: 1, 8, 256>}, {pipeline_mode = #tpu.pipeline_mode<synchronous>, transform_indices = @transform_8, window_bounds = array<i64: 128, 64>}, {pipeline_mode = #tpu.pipeline_mode<synchronous>, transform_indices = @transform_9, window_bounds = array<i64: 128, 64>}, {pipeline_mode = #tpu.pipeline_mode<synchronous>, transform_indices = @transform_10, window_bounds = array<i64: 1, 64>}, {transform_indices = @transform_11, window_bounds = array<i64: 1, 8, 5120>}, {transform_indices = @transform_12, window_bounds = array<i64: 256, 64>}, {transform_indices = @transform_13, window_bounds = array<i64: 256, 64>}]} {
    %get3A = arith.index_cast %arg0 : i32 to index
    %get3A_0 = memref.load %arg1[%get3A] : memref<40xi32, #tpu.memory_space<smem>>
    %get3A_1 = arith.index_cast %arg0 : i32 to index
    %get3A_2 = memref.load %arg2[%get3A_1] : memref<40xi32, #tpu.memory_space<smem>>
    %mul3A = arith.constant 256 : i32
    %mul3A_3 = arith.muli %arg0, %mul3A : i32
    %multiple_of3A = tpu.assume_multiple %mul3A_3, 256 : i32
    %get3A_4 = arith.index_cast %multiple_of3A : i32 to index
    %get3A_5 = arith.constant 0 : index
    %get3A_6 = vector.load %arg3[%get3A_4, %get3A_5] : memref<10240x128xbf16, #tpu.memory_space<vmem>>, vector<256x128xbf16>
    %get3A_7 = arith.constant 0 : index
    %get3A_8 = arith.constant 0 : index
    %get3A_9 = arith.constant 0 : index
    %get3A_10 = vector.load %arg7[%get3A_7, %get3A_8, %get3A_9] : memref<1x8x256xf32, #tpu.memory_space<vmem>>, vector<1x1x256xf32>
    %get3A_11 = vector.shape_cast %get3A_10 : vector<1x1x256xf32> to vector<1x256xf32>
    %get3A_12 = arith.constant 0 : index
    %get3A_13 = arith.constant 0 : index
    %get3A_14 = arith.constant 0 : index
    %get3A_15 = vector.load %arg8[%get3A_12, %get3A_13, %get3A_14] : memref<1x8x256xf32, #tpu.memory_space<vmem>>, vector<1x1x256xf32>
    %get3A_16 = vector.shape_cast %get3A_15 : vector<1x1x256xf32> to vector<1x256xf32>
    %get3A_17 = arith.constant 0 : index
    %get3A_18 = arith.constant 0 : index
    %get3A_19 = arith.constant 0 : index
    %get3A_20 = vector.load %arg6[%get3A_17, %get3A_18, %get3A_19] : memref<1x8x256xf32, #tpu.memory_space<vmem>>, vector<1x1x256xf32>
    %get3A_21 = vector.shape_cast %get3A_20 : vector<1x1x256xf32> to vector<1x256xf32>
    %mul3A_22 = arith.constant 256 : i32
    %mul3A_23 = arith.muli %arg0, %mul3A_22 : i32
    %multiple_of3A_24 = tpu.assume_multiple %mul3A_23, 256 : i32
    %get3A_25 = arith.index_cast %multiple_of3A_24 : i32 to index
    %get3A_26 = arith.constant 0 : index
    %get3A_27 = vector.load %arg4[%get3A_25, %get3A_26] : memref<10240x128xf32, #tpu.memory_space<vmem>>, vector<256x128xf32>
    %get3A_28 = arith.constant 0 : index
    %get3A_29 = arith.constant 0 : index
    %get3A_30 = vector.load %arg9[%get3A_28, %get3A_29] : memref<128x64xf32, #tpu.memory_space<vmem>>, vector<128x64xf32>
    %dot_general3A = arith.constant dense<0.000000e+00> : vector<256x64xf32>
    %dot_general3A_31 = tpu.matmul %get3A_27, %get3A_30, %dot_general3A {dimension_numbers = #tpu.dot_dimension_numbers<[1], [0], [0], [1], [0, 0, 1, 1], [], []>, precision = #tpu.contract_precision<fp32>, transpose_lhs_hint = false} : vector<256x128xf32>, vector<128x64xf32>, vector<256x64xf32> -> vector<256x64xf32>
    %get3A_32 = arith.constant 0 : index
    %get3A_33 = arith.constant 0 : index
    %get3A_34 = vector.load %arg11[%get3A_32, %get3A_33] : memref<1x64xf32, #tpu.memory_space<vmem>>, vector<1x64xf32>
    %add3A = vector.broadcast %get3A_34 : vector<1x64xf32> to vector<256x64xf32>
    %add3A_35 = arith.addf %dot_general3A_31, %add3A : vector<256x64xf32>
    %swap3A = arith.constant 0 : index
    %swap3A_36 = arith.constant 0 : index
    %swap3A_37 = vector.load %arg13[%swap3A, %swap3A_36] : memref<256x64xf32, #tpu.memory_space<vmem>>, vector<256x64xf32>
    tpu.vector_store %arg13[%swap3A, %swap3A_36], %add3A_35 {strides = array<i32>} : memref<256x64xf32, #tpu.memory_space<vmem>>, vector<256x64xf32>,
    %get3A_38 = arith.constant 0 : index
    %get3A_39 = arith.constant 0 : index
    %get3A_40 = vector.load %arg10[%get3A_38, %get3A_39] : memref<128x64xf32, #tpu.memory_space<vmem>>, vector<128x64xf32>
    %dot_general3A_41 = arith.constant dense<0.000000e+00> : vector<256x64xf32>
    %dot_general3A_42 = tpu.matmul %get3A_27, %get3A_40, %dot_general3A_41 {dimension_numbers = #tpu.dot_dimension_numbers<[1], [0], [0], [1], [0, 0, 1, 1], [], []>, precision = #tpu.contract_precision<fp32>, transpose_lhs_hint = false} : vector<256x128xf32>, vector<128x64xf32>, vector<256x64xf32> -> vector<256x64xf32>
    %swap3A_43 = arith.constant 0 : index
    %swap3A_44 = arith.constant 0 : index
    %swap3A_45 = vector.load %arg14[%swap3A_43, %swap3A_44] : memref<256x64xf32, #tpu.memory_space<vmem>>, vector<256x64xf32>
    tpu.vector_store %arg14[%swap3A_43, %swap3A_44], %dot_general3A_42 {strides = array<i32>} : memref<256x64xf32, #tpu.memory_space<vmem>>, vector<256x64xf32>,
    %iota3A = tpu.iota {dimensions = array<i32: 0>} : vector<512x1xi32>
    %convert_element_type3A = arith.sitofp %iota3A : vector<512x1xi32> to vector<512x1xf32>
    %while3A = arith.constant 0 : i32
    %while3A_46 = arith.constant 0 : i32
    %while3A_47 = arith.subi %get3A_2, %while3A : i32
    %while3A_48 = arith.addi %while3A, %while3A_47 : i32
    %while3A_49 = arith.constant 1 : i32
    %while3A_50 = arith.divsi %while3A_47, %while3A_49 : i32
    %while3A_51 = arith.muli %while3A_50, %while3A_49 : i32
    %while3A_52 = arith.addi %while3A, %while3A_51 : i32
    %while3A_53 = arith.constant 1 : i32
    %while3A_54 = scf.for %while3A_366 = %while3A to %while3A_52 step %while3A_53 iter_args(%while3A_367 = %while3A_46) -> (i32)  : i32 {
      %mul3A_368 = arith.constant 512 : i32
      %mul3A_369 = arith.muli %while3A_366, %mul3A_368 : i32
      %add3A_370 = arith.addi %get3A_0, %mul3A_369 : i32
      %multiple_of3A_371 = tpu.assume_multiple %add3A_370, 512 : i32
      %get3A_372 = arith.index_cast %multiple_of3A_371 : i32 to index
      %get3A_373 = arith.constant 0 : index
      %get3A_374 = vector.load %arg3[%get3A_372, %get3A_373] : memref<10240x128xbf16, #tpu.memory_space<vmem>>, vector<512x128xbf16>
      %dot_general3A_375 = arith.constant dense<0.000000e+00> : vector<512x256xf32>
      %dot_general3A_376 = tpu.matmul %get3A_374, %get3A_6, %dot_general3A_375 {dimension_numbers = #tpu.dot_dimension_numbers<[1], [1], [0], [0], [0, 0, 1, 0], [], []>, transpose_lhs_hint = false} : vector<512x128xbf16>, vector<256x128xbf16>, vector<512x256xf32> -> vector<512x256xf32>
      %multiple_of3A_377 = tpu.assume_multiple %add3A_370, 512 : i32
      %get3A_378 = arith.index_cast %multiple_of3A_377 : i32 to index
      %get3A_379 = arith.constant 0 : index
      %get3A_380 = vector.load %arg5[%get3A_378, %get3A_379] : memref<10240x1xf32, #tpu.memory_space<vmem>>, vector<512x1xf32>
      %add3A_381 = vector.broadcast %get3A_21 : vector<1x256xf32> to vector<512x256xf32>
      %add3A_382 = vector.broadcast %get3A_380 : vector<512x1xf32> to vector<512x256xf32>
      %add3A_383 = arith.addf %add3A_381, %add3A_382 : vector<512x256xf32>
      %mul3A_384 = arith.constant 2.000000e+00 : f32
      %mul3A_385 = vector.broadcast %mul3A_384 : f32 to vector<512x256xf32>
      %mul3A_386 = arith.mulf %mul3A_385, %dot_general3A_376 : vector<512x256xf32>
      %sub3A = arith.subf %add3A_383, %mul3A_386 : vector<512x256xf32>
      %convert_element_type3A_387 = arith.sitofp %add3A_370 : i32 to f32
      %add3A_388 = vector.broadcast %convert_element_type3A_387 : f32 to vector<512x1xf32>
      %add3A_389 = arith.addf %add3A_388, %convert_element_type3A : vector<512x1xf32>
      %ge3A = vector.broadcast %add3A_389 : vector<512x1xf32> to vector<512x256xf32>
      %ge3A_390 = vector.broadcast %get3A_11 : vector<1x256xf32> to vector<512x256xf32>
      %ge3A_391 = arith.cmpf oge, %ge3A, %ge3A_390 : vector<512x256xf32>
      %lt3A = vector.broadcast %add3A_389 : vector<512x1xf32> to vector<512x256xf32>
      %lt3A_392 = vector.broadcast %get3A_16 : vector<1x256xf32> to vector<512x256xf32>
      %lt3A_393 = arith.cmpf olt, %lt3A, %lt3A_392 : vector<512x256xf32>
      %and3A = arith.andi %ge3A_391, %lt3A_393 : vector<512x256xi1>
      %jit3A = arith.constant 1.000000e+30 : f32
      %broadcast_in_dim3A_394 = vector.broadcast %jit3A : f32 to vector<512x256xf32>
      %select_n3A = arith.select %and3A, %sub3A, %broadcast_in_dim3A_394 : vector<512x256xi1>, vector<512x256xf32>
      %mul3A_395 = arith.constant 512 : i32
      %mul3A_396 = arith.muli %while3A_366, %mul3A_395 : i32
      %multiple_of3A_397 = tpu.assume_multiple %mul3A_396, 512 : i32
      %swap3A_398 = arith.index_cast %multiple_of3A_397 : i32 to index
      %swap3A_399 = arith.constant 0 : index
      %swap3A_400 = vector.load %arg15[%swap3A_398, %swap3A_399] : memref<10240x256xf32, #tpu.memory_space<vmem>>, vector<512x256xf32>
      tpu.vector_store %arg15[%swap3A_398, %swap3A_399], %select_n3A {strides = array<i32>} : memref<10240x256xf32, #tpu.memory_space<vmem>>, vector<512x256xf32>,
      %while3A_401 = arith.constant 0 : i32
      scf.yield %while3A_401 : i32
    }
    %while3A_55 = arith.constant 1 : i32
    %while3A_56 = scf.for %while3A_366 = %while3A_52 to %while3A_48 step %while3A_55 iter_args(%while3A_367 = %while3A_54) -> (i32)  : i32 {
      %mul3A_368 = arith.constant 512 : i32
      %mul3A_369 = arith.muli %while3A_366, %mul3A_368 : i32
      %add3A_370 = arith.addi %get3A_0, %mul3A_369 : i32
      %multiple_of3A_371 = tpu.assume_multiple %add3A_370, 512 : i32
      %get3A_372 = arith.index_cast %multiple_of3A_371 : i32 to index
      %get3A_373 = arith.constant 0 : index
      %get3A_374 = vector.load %arg3[%get3A_372, %get3A_373] : memref<10240x128xbf16, #tpu.memory_space<vmem>>, vector<512x128xbf16>
      %dot_general3A_375 = arith.constant dense<0.000000e+00> : vector<512x256xf32>
      %dot_general3A_376 = tpu.matmul %get3A_374, %get3A_6, %dot_general3A_375 {dimension_numbers = #tpu.dot_dimension_numbers<[1], [1], [0], [0], [0, 0, 1, 0], [], []>, transpose_lhs_hint = false} : vector<512x128xbf16>, vector<256x128xbf16>, vector<512x256xf32> -> vector<512x256xf32>
      %multiple_of3A_377 = tpu.assume_multiple %add3A_370, 512 : i32
      %get3A_378 = arith.index_cast %multiple_of3A_377 : i32 to index
      %get3A_379 = arith.constant 0 : index
      %get3A_380 = vector.load %arg5[%get3A_378, %get3A_379] : memref<10240x1xf32, #tpu.memory_space<vmem>>, vector<512x1xf32>
      %add3A_381 = vector.broadcast %get3A_21 : vector<1x256xf32> to vector<512x256xf32>
      %add3A_382 = vector.broadcast %get3A_380 : vector<512x1xf32> to vector<512x256xf32>
      %add3A_383 = arith.addf %add3A_381, %add3A_382 : vector<512x256xf32>
      %mul3A_384 = arith.constant 2.000000e+00 : f32
      %mul3A_385 = vector.broadcast %mul3A_384 : f32 to vector<512x256xf32>
      %mul3A_386 = arith.mulf %mul3A_385, %dot_general3A_376 : vector<512x256xf32>
      %sub3A = arith.subf %add3A_383, %mul3A_386 : vector<512x256xf32>
      %convert_element_type3A_387 = arith.sitofp %add3A_370 : i32 to f32
      %add3A_388 = vector.broadcast %convert_element_type3A_387 : f32 to vector<512x1xf32>
      %add3A_389 = arith.addf %add3A_388, %convert_element_type3A : vector<512x1xf32>
      %ge3A = vector.broadcast %add3A_389 : vector<512x1xf32> to vector<512x256xf32>
      %ge3A_390 = vector.broadcast %get3A_11 : vector<1x256xf32> to vector<512x256xf32>
      %ge3A_391 = arith.cmpf oge, %ge3A, %ge3A_390 : vector<512x256xf32>
      %lt3A = vector.broadcast %add3A_389 : vector<512x1xf32> to vector<512x256xf32>
      %lt3A_392 = vector.broadcast %get3A_16 : vector<1x256xf32> to vector<512x256xf32>
      %lt3A_393 = arith.cmpf olt, %lt3A, %lt3A_392 : vector<512x256xf32>
      %and3A = arith.andi %ge3A_391, %lt3A_393 : vector<512x256xi1>
      %jit3A = arith.constant 1.000000e+30 : f32
      %broadcast_in_dim3A_394 = vector.broadcast %jit3A : f32 to vector<512x256xf32>
      %select_n3A = arith.select %and3A, %sub3A, %broadcast_in_dim3A_394 : vector<512x256xi1>, vector<512x256xf32>
      %mul3A_395 = arith.constant 512 : i32
      %mul3A_396 = arith.muli %while3A_366, %mul3A_395 : i32
      %multiple_of3A_397 = tpu.assume_multiple %mul3A_396, 512 : i32
      %swap3A_398 = arith.index_cast %multiple_of3A_397 : i32 to index
      %swap3A_399 = arith.constant 0 : index
      %swap3A_400 = vector.load %arg15[%swap3A_398, %swap3A_399] : memref<10240x256xf32, #tpu.memory_space<vmem>>, vector<512x256xf32>
      tpu.vector_store %arg15[%swap3A_398, %swap3A_399], %select_n3A {strides = array<i32>} : memref<10240x256xf32, #tpu.memory_space<vmem>>, vector<512x256xf32>,
      %while3A_401 = arith.constant 0 : i32
      scf.yield %while3A_401 : i32
    }
    %broadcast_in_dim3A = arith.constant 0xFF800000 : f32
    %broadcast_in_dim3A_57 = vector.broadcast %broadcast_in_dim3A : f32 to vector<1x256xf32>
    %broadcast_in_dim3A_58 = arith.constant -1.000000e+00 : f32
    %broadcast_in_dim3A_59 = vector.broadcast %broadcast_in_dim3A_58 : f32 to vector<1x256xf32>
    %broadcast_in_dim3A_60 = arith.constant 0x7F800000 : f32
    %broadcast_in_dim3A_61 = vector.broadcast %broadcast_in_dim3A_60 : f32 to vector<1x256xf32>
    %broadcast_in_dim3A_62 = arith.constant 1.000000e+09 : f32
    %broadcast_in_dim3A_63 = vector.broadcast %broadcast_in_dim3A_62 : f32 to vector<1x256xf32>
    %while3A_64 = arith.constant 0 : i32
    %while3A_65 = arith.subi %get3A_2, %while3A_64 : i32
    %while3A_66 = arith.addi %while3A_64, %while3A_65 : i32
    %while3A_67 = arith.constant 1 : i32
    %while3A_68 = arith.divsi %while3A_65, %while3A_67 : i32
    %while3A_69 = arith.muli %while3A_68, %while3A_67 : i32
    %while3A_70 = arith.addi %while3A_64, %while3A_69 : i32
    %while3A_71 = arith.constant 1 : i32
    %while3A_72:2 = scf.for %while3A_366 = %while3A_64 to %while3A_70 step %while3A_71 iter_args(%while3A_367 = %broadcast_in_dim3A_61, %while3A_368 = %broadcast_in_dim3A_63) -> (vector<1x256xf32>, vector<1x256xf32>)  : i32 {
      %mul3A_369 = arith.constant 512 : i32
      %mul3A_370 = arith.muli %while3A_366, %mul3A_369 : i32
      %multiple_of3A_371 = tpu.assume_multiple %mul3A_370, 512 : i32
      %get3A_372 = arith.index_cast %multiple_of3A_371 : i32 to index
      %get3A_373 = arith.constant 0 : index
      %get3A_374 = vector.load %arg15[%get3A_372, %get3A_373] : memref<10240x256xf32, #tpu.memory_space<vmem>>, vector<512x256xf32>
      %mul3A_375 = arith.constant 512 : i32
      %mul3A_376 = arith.muli %while3A_366, %mul3A_375 : i32
      %add3A_377 = arith.addi %get3A_0, %mul3A_376 : i32
      %convert_element_type3A_378 = arith.sitofp %add3A_377 : i32 to f32
      %add3A_379 = vector.broadcast %convert_element_type3A_378 : f32 to vector<512x1xf32>
      %add3A_380 = arith.addf %add3A_379, %convert_element_type3A : vector<512x1xf32>
      %gt3A = vector.broadcast %broadcast_in_dim3A_57 : vector<1x256xf32> to vector<512x256xf32>
      %gt3A_381 = arith.cmpf ogt, %get3A_374, %gt3A : vector<512x256xf32>
      %eq3A = vector.broadcast %broadcast_in_dim3A_57 : vector<1x256xf32> to vector<512x256xf32>
      %eq3A_382 = arith.cmpf oeq, %get3A_374, %eq3A : vector<512x256xf32>
      %gt3A_383 = vector.broadcast %add3A_380 : vector<512x1xf32> to vector<512x256xf32>
      %gt3A_384 = vector.broadcast %broadcast_in_dim3A_59 : vector<1x256xf32> to vector<512x256xf32>
      %gt3A_385 = arith.cmpf ogt, %gt3A_383, %gt3A_384 : vector<512x256xf32>
      %and3A = arith.andi %eq3A_382, %gt3A_385 : vector<512x256xi1>
      %or3A = arith.ori %gt3A_381, %and3A : vector<512x256xi1>
      %jit3A = arith.constant 0x7F800000 : f32
      %broadcast_in_dim3A_386 = vector.broadcast %jit3A : f32 to vector<512x256xf32>
      %select_n3A = arith.select %or3A, %get3A_374, %broadcast_in_dim3A_386 : vector<512x256xi1>, vector<512x256xf32>
      %reduce_min3A = arith.constant dense<0x7F800000> : vector<256xf32>
      %reduce_min3A_387 = vector.multi_reduction <minimumf>, %select_n3A, %reduce_min3A [0] : vector<512x256xf32> to vector<256xf32>
      %broadcast_in_dim3A_388 = vector.shape_cast %reduce_min3A_387 : vector<256xf32> to vector<1x256xf32>
      %eq3A_389 = vector.broadcast %broadcast_in_dim3A_388 : vector<1x256xf32> to vector<512x256xf32>
      %eq3A_390 = arith.cmpf oeq, %select_n3A, %eq3A_389 : vector<512x256xf32>
      %jit3A_391 = arith.constant 1.000000e+09 : f32
      %broadcast_in_dim3A_392 = vector.shape_cast %add3A_380 : vector<512x1xf32> to vector<512x1xf32>
      %broadcast_in_dim3A_393 = vector.broadcast %broadcast_in_dim3A_392 : vector<512x1xf32> to vector<512x256xf32>
      %broadcast_in_dim3A_394 = vector.broadcast %jit3A_391 : f32 to vector<512x256xf32>
      %select_n3A_395 = arith.select %eq3A_390, %broadcast_in_dim3A_393, %broadcast_in_dim3A_394 : vector<512x256xi1>, vector<512x256xf32>
      %reduce_min3A_396 = arith.constant dense<0x7F800000> : vector<256xf32>
      %reduce_min3A_397 = vector.multi_reduction <minimumf>, %select_n3A_395, %reduce_min3A_396 [0] : vector<512x256xf32> to vector<256xf32>
      %broadcast_in_dim3A_398 = vector.shape_cast %reduce_min3A_397 : vector<256xf32> to vector<1x256xf32>
      %lt3A = arith.cmpf olt, %broadcast_in_dim3A_388, %while3A_367 : vector<1x256xf32>
      %eq3A_399 = arith.cmpf oeq, %broadcast_in_dim3A_388, %while3A_367 : vector<1x256xf32>
      %lt3A_400 = arith.cmpf olt, %broadcast_in_dim3A_398, %while3A_368 : vector<1x256xf32>
      %and3A_401 = arith.andi %eq3A_399, %lt3A_400 : vector<1x256xi1>
      %or3A_402 = arith.ori %lt3A, %and3A_401 : vector<1x256xi1>
      %select_n3A_403 = arith.select %or3A_402, %broadcast_in_dim3A_388, %while3A_367 : vector<1x256xi1>, vector<1x256xf32>
      %select_n3A_404 = arith.select %or3A_402, %broadcast_in_dim3A_398, %while3A_368 : vector<1x256xi1>, vector<1x256xf32>
      scf.yield %select_n3A_403, %select_n3A_404 : vector<1x256xf32>, vector<1x256xf32>
    }
    %while3A_73 = arith.constant 1 : i32
    %while3A_74:2 = scf.for %while3A_366 = %while3A_70 to %while3A_66 step %while3A_73 iter_args(%while3A_367 = %while3A_72#0, %while3A_368 = %while3A_72#1) -> (vector<1x256xf32>, vector<1x256xf32>)  : i32 {
      %mul3A_369 = arith.constant 512 : i32
      %mul3A_370 = arith.muli %while3A_366, %mul3A_369 : i32
      %multiple_of3A_371 = tpu.assume_multiple %mul3A_370, 512 : i32
      %get3A_372 = arith.index_cast %multiple_of3A_371 : i32 to index
      %get3A_373 = arith.constant 0 : index
      %get3A_374 = vector.load %arg15[%get3A_372, %get3A_373] : memref<10240x256xf32, #tpu.memory_space<vmem>>, vector<512x256xf32>
      %mul3A_375 = arith.constant 512 : i32
      %mul3A_376 = arith.muli %while3A_366, %mul3A_375 : i32
      %add3A_377 = arith.addi %get3A_0, %mul3A_376 : i32
      %convert_element_type3A_378 = arith.sitofp %add3A_377 : i32 to f32
      %add3A_379 = vector.broadcast %convert_element_type3A_378 : f32 to vector<512x1xf32>
      %add3A_380 = arith.addf %add3A_379, %convert_element_type3A : vector<512x1xf32>
      %gt3A = vector.broadcast %broadcast_in_dim3A_57 : vector<1x256xf32> to vector<512x256xf32>
      %gt3A_381 = arith.cmpf ogt, %get3A_374, %gt3A : vector<512x256xf32>
      %eq3A = vector.broadcast %broadcast_in_dim3A_57 : vector<1x256xf32> to vector<512x256xf32>
      %eq3A_382 = arith.cmpf oeq, %get3A_374, %eq3A : vector<512x256xf32>
      %gt3A_383 = vector.broadcast %add3A_380 : vector<512x1xf32> to vector<512x256xf32>
      %gt3A_384 = vector.broadcast %broadcast_in_dim3A_59 : vector<1x256xf32> to vector<512x256xf32>
      %gt3A_385 = arith.cmpf ogt, %gt3A_383, %gt3A_384 : vector<512x256xf32>
      %and3A = arith.andi %eq3A_382, %gt3A_385 : vector<512x256xi1>
      %or3A = arith.ori %gt3A_381, %and3A : vector<512x256xi1>
      %jit3A = arith.constant 0x7F800000 : f32
      %broadcast_in_dim3A_386 = vector.broadcast %jit3A : f32 to vector<512x256xf32>
      %select_n3A = arith.select %or3A, %get3A_374, %broadcast_in_dim3A_386 : vector<512x256xi1>, vector<512x256xf32>
      %reduce_min3A = arith.constant dense<0x7F800000> : vector<256xf32>
      %reduce_min3A_387 = vector.multi_reduction <minimumf>, %select_n3A, %reduce_min3A [0] : vector<512x256xf32> to vector<256xf32>
      %broadcast_in_dim3A_388 = vector.shape_cast %reduce_min3A_387 : vector<256xf32> to vector<1x256xf32>
      %eq3A_389 = vector.broadcast %broadcast_in_dim3A_388 : vector<1x256xf32> to vector<512x256xf32>
      %eq3A_390 = arith.cmpf oeq, %select_n3A, %eq3A_389 : vector<512x256xf32>
      %jit3A_391 = arith.constant 1.000000e+09 : f32
      %broadcast_in_dim3A_392 = vector.shape_cast %add3A_380 : vector<512x1xf32> to vector<512x1xf32>
      %broadcast_in_dim3A_393 = vector.broadcast %broadcast_in_dim3A_392 : vector<512x1xf32> to vector<512x256xf32>
      %broadcast_in_dim3A_394 = vector.broadcast %jit3A_391 : f32 to vector<512x256xf32>
      %select_n3A_395 = arith.select %eq3A_390, %broadcast_in_dim3A_393, %broadcast_in_dim3A_394 : vector<512x256xi1>, vector<512x256xf32>
      %reduce_min3A_396 = arith.constant dense<0x7F800000> : vector<256xf32>
      %reduce_min3A_397 = vector.multi_reduction <minimumf>, %select_n3A_395, %reduce_min3A_396 [0] : vector<512x256xf32> to vector<256xf32>
      %broadcast_in_dim3A_398 = vector.shape_cast %reduce_min3A_397 : vector<256xf32> to vector<1x256xf32>
      %lt3A = arith.cmpf olt, %broadcast_in_dim3A_388, %while3A_367 : vector<1x256xf32>
      %eq3A_399 = arith.cmpf oeq, %broadcast_in_dim3A_388, %while3A_367 : vector<1x256xf32>
      %lt3A_400 = arith.cmpf olt, %broadcast_in_dim3A_398, %while3A_368 : vector<1x256xf32>
      %and3A_401 = arith.andi %eq3A_399, %lt3A_400 : vector<1x256xi1>
      %or3A_402 = arith.ori %lt3A, %and3A_401 : vector<1x256xi1>
      %select_n3A_403 = arith.select %or3A_402, %broadcast_in_dim3A_388, %while3A_367 : vector<1x256xi1>, vector<1x256xf32>
      %select_n3A_404 = arith.select %or3A_402, %broadcast_in_dim3A_398, %while3A_368 : vector<1x256xi1>, vector<1x256xf32>
      scf.yield %select_n3A_403, %select_n3A_404 : vector<1x256xf32>, vector<1x256xf32>
    }
    %broadcast_in_dim3A_75 = arith.constant 0x7F800000 : f32
    %broadcast_in_dim3A_76 = vector.broadcast %broadcast_in_dim3A_75 : f32 to vector<1x256xf32>
    %broadcast_in_dim3A_77 = arith.constant 1.000000e+09 : f32
    %broadcast_in_dim3A_78 = vector.broadcast %broadcast_in_dim3A_77 : f32 to vector<1x256xf32>
    %while3A_79 = arith.constant 0 : i32
    %while3A_80 = arith.subi %get3A_2, %while3A_79 : i32
    %while3A_81 = arith.addi %while3A_79, %while3A_80 : i32
    %while3A_82 = arith.constant 1 : i32
    %while3A_83 = arith.divsi %while3A_80, %while3A_82 : i32
    %while3A_84 = arith.muli %while3A_83, %while3A_82 : i32
    %while3A_85 = arith.addi %while3A_79, %while3A_84 : i32
    %while3A_86 = arith.constant 1 : i32
    %while3A_87:2 = scf.for %while3A_366 = %while3A_79 to %while3A_85 step %while3A_86 iter_args(%while3A_367 = %broadcast_in_dim3A_76, %while3A_368 = %broadcast_in_dim3A_78) -> (vector<1x256xf32>, vector<1x256xf32>)  : i32 {
      %mul3A_369 = arith.constant 512 : i32
      %mul3A_370 = arith.muli %while3A_366, %mul3A_369 : i32
      %multiple_of3A_371 = tpu.assume_multiple %mul3A_370, 512 : i32
      %get3A_372 = arith.index_cast %multiple_of3A_371 : i32 to index
      %get3A_373 = arith.constant 0 : index
      %get3A_374 = vector.load %arg15[%get3A_372, %get3A_373] : memref<10240x256xf32, #tpu.memory_space<vmem>>, vector<512x256xf32>
      %mul3A_375 = arith.constant 512 : i32
      %mul3A_376 = arith.muli %while3A_366, %mul3A_375 : i32
      %add3A_377 = arith.addi %get3A_0, %mul3A_376 : i32
      %convert_element_type3A_378 = arith.sitofp %add3A_377 : i32 to f32
      %add3A_379 = vector.broadcast %convert_element_type3A_378 : f32 to vector<512x1xf32>
      %add3A_380 = arith.addf %add3A_379, %convert_element_type3A : vector<512x1xf32>
      %gt3A = vector.broadcast %while3A_74#0 : vector<1x256xf32> to vector<512x256xf32>
      %gt3A_381 = arith.cmpf ogt, %get3A_374, %gt3A : vector<512x256xf32>
      %eq3A = vector.broadcast %while3A_74#0 : vector<1x256xf32> to vector<512x256xf32>
      %eq3A_382 = arith.cmpf oeq, %get3A_374, %eq3A : vector<512x256xf32>
      %gt3A_383 = vector.broadcast %add3A_380 : vector<512x1xf32> to vector<512x256xf32>
      %gt3A_384 = vector.broadcast %while3A_74#1 : vector<1x256xf32> to vector<512x256xf32>
      %gt3A_385 = arith.cmpf ogt, %gt3A_383, %gt3A_384 : vector<512x256xf32>
      %and3A = arith.andi %eq3A_382, %gt3A_385 : vector<512x256xi1>
      %or3A = arith.ori %gt3A_381, %and3A : vector<512x256xi1>
      %jit3A = arith.constant 0x7F800000 : f32
      %broadcast_in_dim3A_386 = vector.broadcast %jit3A : f32 to vector<512x256xf32>
      %select_n3A = arith.select %or3A, %get3A_374, %broadcast_in_dim3A_386 : vector<512x256xi1>, vector<512x256xf32>
      %reduce_min3A = arith.constant dense<0x7F800000> : vector<256xf32>
      %reduce_min3A_387 = vector.multi_reduction <minimumf>, %select_n3A, %reduce_min3A [0] : vector<512x256xf32> to vector<256xf32>
      %broadcast_in_dim3A_388 = vector.shape_cast %reduce_min3A_387 : vector<256xf32> to vector<1x256xf32>
      %eq3A_389 = vector.broadcast %broadcast_in_dim3A_388 : vector<1x256xf32> to vector<512x256xf32>
      %eq3A_390 = arith.cmpf oeq, %select_n3A, %eq3A_389 : vector<512x256xf32>
      %jit3A_391 = arith.constant 1.000000e+09 : f32
      %broadcast_in_dim3A_392 = vector.shape_cast %add3A_380 : vector<512x1xf32> to vector<512x1xf32>
      %broadcast_in_dim3A_393 = vector.broadcast %broadcast_in_dim3A_392 : vector<512x1xf32> to vector<512x256xf32>
      %broadcast_in_dim3A_394 = vector.broadcast %jit3A_391 : f32 to vector<512x256xf32>
      %select_n3A_395 = arith.select %eq3A_390, %broadcast_in_dim3A_393, %broadcast_in_dim3A_394 : vector<512x256xi1>, vector<512x256xf32>
      %reduce_min3A_396 = arith.constant dense<0x7F800000> : vector<256xf32>
      %reduce_min3A_397 = vector.multi_reduction <minimumf>, %select_n3A_395, %reduce_min3A_396 [0] : vector<512x256xf32> to vector<256xf32>
      %broadcast_in_dim3A_398 = vector.shape_cast %reduce_min3A_397 : vector<256xf32> to vector<1x256xf32>
      %lt3A = arith.cmpf olt, %broadcast_in_dim3A_388, %while3A_367 : vector<1x256xf32>
      %eq3A_399 = arith.cmpf oeq, %broadcast_in_dim3A_388, %while3A_367 : vector<1x256xf32>
      %lt3A_400 = arith.cmpf olt, %broadcast_in_dim3A_398, %while3A_368 : vector<1x256xf32>
      %and3A_401 = arith.andi %eq3A_399, %lt3A_400 : vector<1x256xi1>
      %or3A_402 = arith.ori %lt3A, %and3A_401 : vector<1x256xi1>
      %select_n3A_403 = arith.select %or3A_402, %broadcast_in_dim3A_388, %while3A_367 : vector<1x256xi1>, vector<1x256xf32>
      %select_n3A_404 = arith.select %or3A_402, %broadcast_in_dim3A_398, %while3A_368 : vector<1x256xi1>, vector<1x256xf32>
      scf.yield %select_n3A_403, %select_n3A_404 : vector<1x256xf32>, vector<1x256xf32>
    }
    %while3A_88 = arith.constant 1 : i32
    %while3A_89:2 = scf.for %while3A_366 = %while3A_85 to %while3A_81 step %while3A_88 iter_args(%while3A_367 = %while3A_87#0, %while3A_368 = %while3A_87#1) -> (vector<1x256xf32>, vector<1x256xf32>)  : i32 {
      %mul3A_369 = arith.constant 512 : i32
      %mul3A_370 = arith.muli %while3A_366, %mul3A_369 : i32
      %multiple_of3A_371 = tpu.assume_multiple %mul3A_370, 512 : i32
      %get3A_372 = arith.index_cast %multiple_of3A_371 : i32 to index
      %get3A_373 = arith.constant 0 : index
      %get3A_374 = vector.load %arg15[%get3A_372, %get3A_373] : memref<10240x256xf32, #tpu.memory_space<vmem>>, vector<512x256xf32>
      %mul3A_375 = arith.constant 512 : i32
      %mul3A_376 = arith.muli %while3A_366, %mul3A_375 : i32
      %add3A_377 = arith.addi %get3A_0, %mul3A_376 : i32
      %convert_element_type3A_378 = arith.sitofp %add3A_377 : i32 to f32
      %add3A_379 = vector.broadcast %convert_element_type3A_378 : f32 to vector<512x1xf32>
      %add3A_380 = arith.addf %add3A_379, %convert_element_type3A : vector<512x1xf32>
      %gt3A = vector.broadcast %while3A_74#0 : vector<1x256xf32> to vector<512x256xf32>
      %gt3A_381 = arith.cmpf ogt, %get3A_374, %gt3A : vector<512x256xf32>
      %eq3A = vector.broadcast %while3A_74#0 : vector<1x256xf32> to vector<512x256xf32>
      %eq3A_382 = arith.cmpf oeq, %get3A_374, %eq3A : vector<512x256xf32>
      %gt3A_383 = vector.broadcast %add3A_380 : vector<512x1xf32> to vector<512x256xf32>
      %gt3A_384 = vector.broadcast %while3A_74#1 : vector<1x256xf32> to vector<512x256xf32>
      %gt3A_385 = arith.cmpf ogt, %gt3A_383, %gt3A_384 : vector<512x256xf32>
      %and3A = arith.andi %eq3A_382, %gt3A_385 : vector<512x256xi1>
      %or3A = arith.ori %gt3A_381, %and3A : vector<512x256xi1>
      %jit3A = arith.constant 0x7F800000 : f32
      %broadcast_in_dim3A_386 = vector.broadcast %jit3A : f32 to vector<512x256xf32>
      %select_n3A = arith.select %or3A, %get3A_374, %broadcast_in_dim3A_386 : vector<512x256xi1>, vector<512x256xf32>
      %reduce_min3A = arith.constant dense<0x7F800000> : vector<256xf32>
      %reduce_min3A_387 = vector.multi_reduction <minimumf>, %select_n3A, %reduce_min3A [0] : vector<512x256xf32> to vector<256xf32>
      %broadcast_in_dim3A_388 = vector.shape_cast %reduce_min3A_387 : vector<256xf32> to vector<1x256xf32>
      %eq3A_389 = vector.broadcast %broadcast_in_dim3A_388 : vector<1x256xf32> to vector<512x256xf32>
      %eq3A_390 = arith.cmpf oeq, %select_n3A, %eq3A_389 : vector<512x256xf32>
      %jit3A_391 = arith.constant 1.000000e+09 : f32
      %broadcast_in_dim3A_392 = vector.shape_cast %add3A_380 : vector<512x1xf32> to vector<512x1xf32>
      %broadcast_in_dim3A_393 = vector.broadcast %broadcast_in_dim3A_392 : vector<512x1xf32> to vector<512x256xf32>
      %broadcast_in_dim3A_394 = vector.broadcast %jit3A_391 : f32 to vector<512x256xf32>
      %select_n3A_395 = arith.select %eq3A_390, %broadcast_in_dim3A_393, %broadcast_in_dim3A_394 : vector<512x256xi1>, vector<512x256xf32>
      %reduce_min3A_396 = arith.constant dense<0x7F800000> : vector<256xf32>
      %reduce_min3A_397 = vector.multi_reduction <minimumf>, %select_n3A_395, %reduce_min3A_396 [0] : vector<512x256xf32> to vector<256xf32>
      %broadcast_in_dim3A_398 = vector.shape_cast %reduce_min3A_397 : vector<256xf32> to vector<1x256xf32>
      %lt3A = arith.cmpf olt, %broadcast_in_dim3A_388, %while3A_367 : vector<1x256xf32>
      %eq3A_399 = arith.cmpf oeq, %broadcast_in_dim3A_388, %while3A_367 : vector<1x256xf32>
      %lt3A_400 = arith.cmpf olt, %broadcast_in_dim3A_398, %while3A_368 : vector<1x256xf32>
      %and3A_401 = arith.andi %eq3A_399, %lt3A_400 : vector<1x256xi1>
      %or3A_402 = arith.ori %lt3A, %and3A_401 : vector<1x256xi1>
      %select_n3A_403 = arith.select %or3A_402, %broadcast_in_dim3A_388, %while3A_367 : vector<1x256xi1>, vector<1x256xf32>
      %select_n3A_404 = arith.select %or3A_402, %broadcast_in_dim3A_398, %while3A_368 : vector<1x256xi1>, vector<1x256xf32>
      scf.yield %select_n3A_403, %select_n3A_404 : vector<1x256xf32>, vector<1x256xf32>
    }
    %broadcast_in_dim3A_90 = arith.constant 0x7F800000 : f32
    %broadcast_in_dim3A_91 = vector.broadcast %broadcast_in_dim3A_90 : f32 to vector<1x256xf32>
    %broadcast_in_dim3A_92 = arith.constant 1.000000e+09 : f32
    %broadcast_in_dim3A_93 = vector.broadcast %broadcast_in_dim3A_92 : f32 to vector<1x256xf32>
    %while3A_94 = arith.constant 0 : i32
    %while3A_95 = arith.subi %get3A_2, %while3A_94 : i32
    %while3A_96 = arith.addi %while3A_94, %while3A_95 : i32
    %while3A_97 = arith.constant 1 : i32
    %while3A_98 = arith.divsi %while3A_95, %while3A_97 : i32
    %while3A_99 = arith.muli %while3A_98, %while3A_97 : i32
    %while3A_100 = arith.addi %while3A_94, %while3A_99 : i32
    %while3A_101 = arith.constant 1 : i32
    %while3A_102:2 = scf.for %while3A_366 = %while3A_94 to %while3A_100 step %while3A_101 iter_args(%while3A_367 = %broadcast_in_dim3A_91, %while3A_368 = %broadcast_in_dim3A_93) -> (vector<1x256xf32>, vector<1x256xf32>)  : i32 {
      %mul3A_369 = arith.constant 512 : i32
      %mul3A_370 = arith.muli %while3A_366, %mul3A_369 : i32
      %multiple_of3A_371 = tpu.assume_multiple %mul3A_370, 512 : i32
      %get3A_372 = arith.index_cast %multiple_of3A_371 : i32 to index
      %get3A_373 = arith.constant 0 : index
      %get3A_374 = vector.load %arg15[%get3A_372, %get3A_373] : memref<10240x256xf32, #tpu.memory_space<vmem>>, vector<512x256xf32>
      %mul3A_375 = arith.constant 512 : i32
      %mul3A_376 = arith.muli %while3A_366, %mul3A_375 : i32
      %add3A_377 = arith.addi %get3A_0, %mul3A_376 : i32
      %convert_element_type3A_378 = arith.sitofp %add3A_377 : i32 to f32
      %add3A_379 = vector.broadcast %convert_element_type3A_378 : f32 to vector<512x1xf32>
      %add3A_380 = arith.addf %add3A_379, %convert_element_type3A : vector<512x1xf32>
      %gt3A = vector.broadcast %while3A_89#0 : vector<1x256xf32> to vector<512x256xf32>
      %gt3A_381 = arith.cmpf ogt, %get3A_374, %gt3A : vector<512x256xf32>
      %eq3A = vector.broadcast %while3A_89#0 : vector<1x256xf32> to vector<512x256xf32>
      %eq3A_382 = arith.cmpf oeq, %get3A_374, %eq3A : vector<512x256xf32>
      %gt3A_383 = vector.broadcast %add3A_380 : vector<512x1xf32> to vector<512x256xf32>
      %gt3A_384 = vector.broadcast %while3A_89#1 : vector<1x256xf32> to vector<512x256xf32>
      %gt3A_385 = arith.cmpf ogt, %gt3A_383, %gt3A_384 : vector<512x256xf32>
      %and3A = arith.andi %eq3A_382, %gt3A_385 : vector<512x256xi1>
      %or3A = arith.ori %gt3A_381, %and3A : vector<512x256xi1>
      %jit3A = arith.constant 0x7F800000 : f32
      %broadcast_in_dim3A_386 = vector.broadcast %jit3A : f32 to vector<512x256xf32>
      %select_n3A = arith.select %or3A, %get3A_374, %broadcast_in_dim3A_386 : vector<512x256xi1>, vector<512x256xf32>
      %reduce_min3A = arith.constant dense<0x7F800000> : vector<256xf32>
      %reduce_min3A_387 = vector.multi_reduction <minimumf>, %select_n3A, %reduce_min3A [0] : vector<512x256xf32> to vector<256xf32>
      %broadcast_in_dim3A_388 = vector.shape_cast %reduce_min3A_387 : vector<256xf32> to vector<1x256xf32>
      %eq3A_389 = vector.broadcast %broadcast_in_dim3A_388 : vector<1x256xf32> to vector<512x256xf32>
      %eq3A_390 = arith.cmpf oeq, %select_n3A, %eq3A_389 : vector<512x256xf32>
      %jit3A_391 = arith.constant 1.000000e+09 : f32
      %broadcast_in_dim3A_392 = vector.shape_cast %add3A_380 : vector<512x1xf32> to vector<512x1xf32>
      %broadcast_in_dim3A_393 = vector.broadcast %broadcast_in_dim3A_392 : vector<512x1xf32> to vector<512x256xf32>
      %broadcast_in_dim3A_394 = vector.broadcast %jit3A_391 : f32 to vector<512x256xf32>
      %select_n3A_395 = arith.select %eq3A_390, %broadcast_in_dim3A_393, %broadcast_in_dim3A_394 : vector<512x256xi1>, vector<512x256xf32>
      %reduce_min3A_396 = arith.constant dense<0x7F800000> : vector<256xf32>
      %reduce_min3A_397 = vector.multi_reduction <minimumf>, %select_n3A_395, %reduce_min3A_396 [0] : vector<512x256xf32> to vector<256xf32>
      %broadcast_in_dim3A_398 = vector.shape_cast %reduce_min3A_397 : vector<256xf32> to vector<1x256xf32>
      %lt3A = arith.cmpf olt, %broadcast_in_dim3A_388, %while3A_367 : vector<1x256xf32>
      %eq3A_399 = arith.cmpf oeq, %broadcast_in_dim3A_388, %while3A_367 : vector<1x256xf32>
      %lt3A_400 = arith.cmpf olt, %broadcast_in_dim3A_398, %while3A_368 : vector<1x256xf32>
      %and3A_401 = arith.andi %eq3A_399, %lt3A_400 : vector<1x256xi1>
      %or3A_402 = arith.ori %lt3A, %and3A_401 : vector<1x256xi1>
      %select_n3A_403 = arith.select %or3A_402, %broadcast_in_dim3A_388, %while3A_367 : vector<1x256xi1>, vector<1x256xf32>
      %select_n3A_404 = arith.select %or3A_402, %broadcast_in_dim3A_398, %while3A_368 : vector<1x256xi1>, vector<1x256xf32>
      scf.yield %select_n3A_403, %select_n3A_404 : vector<1x256xf32>, vector<1x256xf32>
    }
    %while3A_103 = arith.constant 1 : i32
    %while3A_104:2 = scf.for %while3A_366 = %while3A_100 to %while3A_96 step %while3A_103 iter_args(%while3A_367 = %while3A_102#0, %while3A_368 = %while3A_102#1) -> (vector<1x256xf32>, vector<1x256xf32>)  : i32 {
      %mul3A_369 = arith.constant 512 : i32
      %mul3A_370 = arith.muli %while3A_366, %mul3A_369 : i32
      %multiple_of3A_371 = tpu.assume_multiple %mul3A_370, 512 : i32
      %get3A_372 = arith.index_cast %multiple_of3A_371 : i32 to index
      %get3A_373 = arith.constant 0 : index
      %get3A_374 = vector.load %arg15[%get3A_372, %get3A_373] : memref<10240x256xf32, #tpu.memory_space<vmem>>, vector<512x256xf32>
      %mul3A_375 = arith.constant 512 : i32
      %mul3A_376 = arith.muli %while3A_366, %mul3A_375 : i32
      %add3A_377 = arith.addi %get3A_0, %mul3A_376 : i32
      %convert_element_type3A_378 = arith.sitofp %add3A_377 : i32 to f32
      %add3A_379 = vector.broadcast %convert_element_type3A_378 : f32 to vector<512x1xf32>
      %add3A_380 = arith.addf %add3A_379, %convert_element_type3A : vector<512x1xf32>
      %gt3A = vector.broadcast %while3A_89#0 : vector<1x256xf32> to vector<512x256xf32>
      %gt3A_381 = arith.cmpf ogt, %get3A_374, %gt3A : vector<512x256xf32>
      %eq3A = vector.broadcast %while3A_89#0 : vector<1x256xf32> to vector<512x256xf32>
      %eq3A_382 = arith.cmpf oeq, %get3A_374, %eq3A : vector<512x256xf32>
      %gt3A_383 = vector.broadcast %add3A_380 : vector<512x1xf32> to vector<512x256xf32>
      %gt3A_384 = vector.broadcast %while3A_89#1 : vector<1x256xf32> to vector<512x256xf32>
      %gt3A_385 = arith.cmpf ogt, %gt3A_383, %gt3A_384 : vector<512x256xf32>
      %and3A = arith.andi %eq3A_382, %gt3A_385 : vector<512x256xi1>
      %or3A = arith.ori %gt3A_381, %and3A : vector<512x256xi1>
      %jit3A = arith.constant 0x7F800000 : f32
      %broadcast_in_dim3A_386 = vector.broadcast %jit3A : f32 to vector<512x256xf32>
      %select_n3A = arith.select %or3A, %get3A_374, %broadcast_in_dim3A_386 : vector<512x256xi1>, vector<512x256xf32>
      %reduce_min3A = arith.constant dense<0x7F800000> : vector<256xf32>
      %reduce_min3A_387 = vector.multi_reduction <minimumf>, %select_n3A, %reduce_min3A [0] : vector<512x256xf32> to vector<256xf32>
      %broadcast_in_dim3A_388 = vector.shape_cast %reduce_min3A_387 : vector<256xf32> to vector<1x256xf32>
      %eq3A_389 = vector.broadcast %broadcast_in_dim3A_388 : vector<1x256xf32> to vector<512x256xf32>
      %eq3A_390 = arith.cmpf oeq, %select_n3A, %eq3A_389 : vector<512x256xf32>
      %jit3A_391 = arith.constant 1.000000e+09 : f32
      %broadcast_in_dim3A_392 = vector.shape_cast %add3A_380 : vector<512x1xf32> to vector<512x1xf32>
      %broadcast_in_dim3A_393 = vector.broadcast %broadcast_in_dim3A_392 : vector<512x1xf32> to vector<512x256xf32>
      %broadcast_in_dim3A_394 = vector.broadcast %jit3A_391 : f32 to vector<512x256xf32>
      %select_n3A_395 = arith.select %eq3A_390, %broadcast_in_dim3A_393, %broadcast_in_dim3A_394 : vector<512x256xi1>, vector<512x256xf32>
      %reduce_min3A_396 = arith.constant dense<0x7F800000> : vector<256xf32>
      %reduce_min3A_397 = vector.multi_reduction <minimumf>, %select_n3A_395, %reduce_min3A_396 [0] : vector<512x256xf32> to vector<256xf32>
      %broadcast_in_dim3A_398 = vector.shape_cast %reduce_min3A_397 : vector<256xf32> to vector<1x256xf32>
      %lt3A = arith.cmpf olt, %broadcast_in_dim3A_388, %while3A_367 : vector<1x256xf32>
      %eq3A_399 = arith.cmpf oeq, %broadcast_in_dim3A_388, %while3A_367 : vector<1x256xf32>
      %lt3A_400 = arith.cmpf olt, %broadcast_in_dim3A_398, %while3A_368 : vector<1x256xf32>
      %and3A_401 = arith.andi %eq3A_399, %lt3A_400 : vector<1x256xi1>
      %or3A_402 = arith.ori %lt3A, %and3A_401 : vector<1x256xi1>
      %select_n3A_403 = arith.select %or3A_402, %broadcast_in_dim3A_388, %while3A_367 : vector<1x256xi1>, vector<1x256xf32>
      %select_n3A_404 = arith.select %or3A_402, %broadcast_in_dim3A_398, %while3A_368 : vector<1x256xi1>, vector<1x256xf32>
      scf.yield %select_n3A_403, %select_n3A_404 : vector<1x256xf32>, vector<1x256xf32>
    }
    %broadcast_in_dim3A_105 = arith.constant 0x7F800000 : f32
    %broadcast_in_dim3A_106 = vector.broadcast %broadcast_in_dim3A_105 : f32 to vector<1x256xf32>
    %broadcast_in_dim3A_107 = arith.constant 1.000000e+09 : f32
    %broadcast_in_dim3A_108 = vector.broadcast %broadcast_in_dim3A_107 : f32 to vector<1x256xf32>
    %while3A_109 = arith.constant 0 : i32
    %while3A_110 = arith.subi %get3A_2, %while3A_109 : i32
    %while3A_111 = arith.addi %while3A_109, %while3A_110 : i32
    %while3A_112 = arith.constant 1 : i32
    %while3A_113 = arith.divsi %while3A_110, %while3A_112 : i32
    %while3A_114 = arith.muli %while3A_113, %while3A_112 : i32
    %while3A_115 = arith.addi %while3A_109, %while3A_114 : i32
    %while3A_116 = arith.constant 1 : i32
    %while3A_117:2 = scf.for %while3A_366 = %while3A_109 to %while3A_115 step %while3A_116 iter_args(%while3A_367 = %broadcast_in_dim3A_106, %while3A_368 = %broadcast_in_dim3A_108) -> (vector<1x256xf32>, vector<1x256xf32>)  : i32 {
      %mul3A_369 = arith.constant 512 : i32
      %mul3A_370 = arith.muli %while3A_366, %mul3A_369 : i32
      %multiple_of3A_371 = tpu.assume_multiple %mul3A_370, 512 : i32
      %get3A_372 = arith.index_cast %multiple_of3A_371 : i32 to index
      %get3A_373 = arith.constant 0 : index
      %get3A_374 = vector.load %arg15[%get3A_372, %get3A_373] : memref<10240x256xf32, #tpu.memory_space<vmem>>, vector<512x256xf32>
      %mul3A_375 = arith.constant 512 : i32
      %mul3A_376 = arith.muli %while3A_366, %mul3A_375 : i32
      %add3A_377 = arith.addi %get3A_0, %mul3A_376 : i32
      %convert_element_type3A_378 = arith.sitofp %add3A_377 : i32 to f32
      %add3A_379 = vector.broadcast %convert_element_type3A_378 : f32 to vector<512x1xf32>
      %add3A_380 = arith.addf %add3A_379, %convert_element_type3A : vector<512x1xf32>
      %gt3A = vector.broadcast %while3A_104#0 : vector<1x256xf32> to vector<512x256xf32>
      %gt3A_381 = arith.cmpf ogt, %get3A_374, %gt3A : vector<512x256xf32>
      %eq3A = vector.broadcast %while3A_104#0 : vector<1x256xf32> to vector<512x256xf32>
      %eq3A_382 = arith.cmpf oeq, %get3A_374, %eq3A : vector<512x256xf32>
      %gt3A_383 = vector.broadcast %add3A_380 : vector<512x1xf32> to vector<512x256xf32>
      %gt3A_384 = vector.broadcast %while3A_104#1 : vector<1x256xf32> to vector<512x256xf32>
      %gt3A_385 = arith.cmpf ogt, %gt3A_383, %gt3A_384 : vector<512x256xf32>
      %and3A = arith.andi %eq3A_382, %gt3A_385 : vector<512x256xi1>
      %or3A = arith.ori %gt3A_381, %and3A : vector<512x256xi1>
      %jit3A = arith.constant 0x7F800000 : f32
      %broadcast_in_dim3A_386 = vector.broadcast %jit3A : f32 to vector<512x256xf32>
      %select_n3A = arith.select %or3A, %get3A_374, %broadcast_in_dim3A_386 : vector<512x256xi1>, vector<512x256xf32>
      %reduce_min3A = arith.constant dense<0x7F800000> : vector<256xf32>
      %reduce_min3A_387 = vector.multi_reduction <minimumf>, %select_n3A, %reduce_min3A [0] : vector<512x256xf32> to vector<256xf32>
      %broadcast_in_dim3A_388 = vector.shape_cast %reduce_min3A_387 : vector<256xf32> to vector<1x256xf32>
      %eq3A_389 = vector.broadcast %broadcast_in_dim3A_388 : vector<1x256xf32> to vector<512x256xf32>
      %eq3A_390 = arith.cmpf oeq, %select_n3A, %eq3A_389 : vector<512x256xf32>
      %jit3A_391 = arith.constant 1.000000e+09 : f32
      %broadcast_in_dim3A_392 = vector.shape_cast %add3A_380 : vector<512x1xf32> to vector<512x1xf32>
      %broadcast_in_dim3A_393 = vector.broadcast %broadcast_in_dim3A_392 : vector<512x1xf32> to vector<512x256xf32>
      %broadcast_in_dim3A_394 = vector.broadcast %jit3A_391 : f32 to vector<512x256xf32>
      %select_n3A_395 = arith.select %eq3A_390, %broadcast_in_dim3A_393, %broadcast_in_dim3A_394 : vector<512x256xi1>, vector<512x256xf32>
      %reduce_min3A_396 = arith.constant dense<0x7F800000> : vector<256xf32>
      %reduce_min3A_397 = vector.multi_reduction <minimumf>, %select_n3A_395, %reduce_min3A_396 [0] : vector<512x256xf32> to vector<256xf32>
      %broadcast_in_dim3A_398 = vector.shape_cast %reduce_min3A_397 : vector<256xf32> to vector<1x256xf32>
      %lt3A = arith.cmpf olt, %broadcast_in_dim3A_388, %while3A_367 : vector<1x256xf32>
      %eq3A_399 = arith.cmpf oeq, %broadcast_in_dim3A_388, %while3A_367 : vector<1x256xf32>
      %lt3A_400 = arith.cmpf olt, %broadcast_in_dim3A_398, %while3A_368 : vector<1x256xf32>
      %and3A_401 = arith.andi %eq3A_399, %lt3A_400 : vector<1x256xi1>
      %or3A_402 = arith.ori %lt3A, %and3A_401 : vector<1x256xi1>
      %select_n3A_403 = arith.select %or3A_402, %broadcast_in_dim3A_388, %while3A_367 : vector<1x256xi1>, vector<1x256xf32>
      %select_n3A_404 = arith.select %or3A_402, %broadcast_in_dim3A_398, %while3A_368 : vector<1x256xi1>, vector<1x256xf32>
      scf.yield %select_n3A_403, %select_n3A_404 : vector<1x256xf32>, vector<1x256xf32>
    }
    %while3A_118 = arith.constant 1 : i32
    %while3A_119:2 = scf.for %while3A_366 = %while3A_115 to %while3A_111 step %while3A_118 iter_args(%while3A_367 = %while3A_117#0, %while3A_368 = %while3A_117#1) -> (vector<1x256xf32>, vector<1x256xf32>)  : i32 {
      %mul3A_369 = arith.constant 512 : i32
      %mul3A_370 = arith.muli %while3A_366, %mul3A_369 : i32
      %multiple_of3A_371 = tpu.assume_multiple %mul3A_370, 512 : i32
      %get3A_372 = arith.index_cast %multiple_of3A_371 : i32 to index
      %get3A_373 = arith.constant 0 : index
      %get3A_374 = vector.load %arg15[%get3A_372, %get3A_373] : memref<10240x256xf32, #tpu.memory_space<vmem>>, vector<512x256xf32>
      %mul3A_375 = arith.constant 512 : i32
      %mul3A_376 = arith.muli %while3A_366, %mul3A_375 : i32
      %add3A_377 = arith.addi %get3A_0, %mul3A_376 : i32
      %convert_element_type3A_378 = arith.sitofp %add3A_377 : i32 to f32
      %add3A_379 = vector.broadcast %convert_element_type3A_378 : f32 to vector<512x1xf32>
      %add3A_380 = arith.addf %add3A_379, %convert_element_type3A : vector<512x1xf32>
      %gt3A = vector.broadcast %while3A_104#0 : vector<1x256xf32> to vector<512x256xf32>
      %gt3A_381 = arith.cmpf ogt, %get3A_374, %gt3A : vector<512x256xf32>
      %eq3A = vector.broadcast %while3A_104#0 : vector<1x256xf32> to vector<512x256xf32>
      %eq3A_382 = arith.cmpf oeq, %get3A_374, %eq3A : vector<512x256xf32>
      %gt3A_383 = vector.broadcast %add3A_380 : vector<512x1xf32> to vector<512x256xf32>
      %gt3A_384 = vector.broadcast %while3A_104#1 : vector<1x256xf32> to vector<512x256xf32>
      %gt3A_385 = arith.cmpf ogt, %gt3A_383, %gt3A_384 : vector<512x256xf32>
      %and3A = arith.andi %eq3A_382, %gt3A_385 : vector<512x256xi1>
      %or3A = arith.ori %gt3A_381, %and3A : vector<512x256xi1>
      %jit3A = arith.constant 0x7F800000 : f32
      %broadcast_in_dim3A_386 = vector.broadcast %jit3A : f32 to vector<512x256xf32>
      %select_n3A = arith.select %or3A, %get3A_374, %broadcast_in_dim3A_386 : vector<512x256xi1>, vector<512x256xf32>
      %reduce_min3A = arith.constant dense<0x7F800000> : vector<256xf32>
      %reduce_min3A_387 = vector.multi_reduction <minimumf>, %select_n3A, %reduce_min3A [0] : vector<512x256xf32> to vector<256xf32>
      %broadcast_in_dim3A_388 = vector.shape_cast %reduce_min3A_387 : vector<256xf32> to vector<1x256xf32>
      %eq3A_389 = vector.broadcast %broadcast_in_dim3A_388 : vector<1x256xf32> to vector<512x256xf32>
      %eq3A_390 = arith.cmpf oeq, %select_n3A, %eq3A_389 : vector<512x256xf32>
      %jit3A_391 = arith.constant 1.000000e+09 : f32
      %broadcast_in_dim3A_392 = vector.shape_cast %add3A_380 : vector<512x1xf32> to vector<512x1xf32>
      %broadcast_in_dim3A_393 = vector.broadcast %broadcast_in_dim3A_392 : vector<512x1xf32> to vector<512x256xf32>
      %broadcast_in_dim3A_394 = vector.broadcast %jit3A_391 : f32 to vector<512x256xf32>
      %select_n3A_395 = arith.select %eq3A_390, %broadcast_in_dim3A_393, %broadcast_in_dim3A_394 : vector<512x256xi1>, vector<512x256xf32>
      %reduce_min3A_396 = arith.constant dense<0x7F800000> : vector<256xf32>
      %reduce_min3A_397 = vector.multi_reduction <minimumf>, %select_n3A_395, %reduce_min3A_396 [0] : vector<512x256xf32> to vector<256xf32>
      %broadcast_in_dim3A_398 = vector.shape_cast %reduce_min3A_397 : vector<256xf32> to vector<1x256xf32>
      %lt3A = arith.cmpf olt, %broadcast_in_dim3A_388, %while3A_367 : vector<1x256xf32>
      %eq3A_399 = arith.cmpf oeq, %broadcast_in_dim3A_388, %while3A_367 : vector<1x256xf32>
      %lt3A_400 = arith.cmpf olt, %broadcast_in_dim3A_398, %while3A_368 : vector<1x256xf32>
      %and3A_401 = arith.andi %eq3A_399, %lt3A_400 : vector<1x256xi1>
      %or3A_402 = arith.ori %lt3A, %and3A_401 : vector<1x256xi1>
      %select_n3A_403 = arith.select %or3A_402, %broadcast_in_dim3A_388, %while3A_367 : vector<1x256xi1>, vector<1x256xf32>
      %select_n3A_404 = arith.select %or3A_402, %broadcast_in_dim3A_398, %while3A_368 : vector<1x256xi1>, vector<1x256xf32>
      scf.yield %select_n3A_403, %select_n3A_404 : vector<1x256xf32>, vector<1x256xf32>
    }
    %broadcast_in_dim3A_120 = arith.constant 0x7F800000 : f32
    %broadcast_in_dim3A_121 = vector.broadcast %broadcast_in_dim3A_120 : f32 to vector<1x256xf32>
    %broadcast_in_dim3A_122 = arith.constant 1.000000e+09 : f32
    %broadcast_in_dim3A_123 = vector.broadcast %broadcast_in_dim3A_122 : f32 to vector<1x256xf32>
    %while3A_124 = arith.constant 0 : i32
    %while3A_125 = arith.subi %get3A_2, %while3A_124 : i32
    %while3A_126 = arith.addi %while3A_124, %while3A_125 : i32
    %while3A_127 = arith.constant 1 : i32
    %while3A_128 = arith.divsi %while3A_125, %while3A_127 : i32
    %while3A_129 = arith.muli %while3A_128, %while3A_127 : i32
    %while3A_130 = arith.addi %while3A_124, %while3A_129 : i32
    %while3A_131 = arith.constant 1 : i32
    %while3A_132:2 = scf.for %while3A_366 = %while3A_124 to %while3A_130 step %while3A_131 iter_args(%while3A_367 = %broadcast_in_dim3A_121, %while3A_368 = %broadcast_in_dim3A_123) -> (vector<1x256xf32>, vector<1x256xf32>)  : i32 {
      %mul3A_369 = arith.constant 512 : i32
      %mul3A_370 = arith.muli %while3A_366, %mul3A_369 : i32
      %multiple_of3A_371 = tpu.assume_multiple %mul3A_370, 512 : i32
      %get3A_372 = arith.index_cast %multiple_of3A_371 : i32 to index
      %get3A_373 = arith.constant 0 : index
      %get3A_374 = vector.load %arg15[%get3A_372, %get3A_373] : memref<10240x256xf32, #tpu.memory_space<vmem>>, vector<512x256xf32>
      %mul3A_375 = arith.constant 512 : i32
      %mul3A_376 = arith.muli %while3A_366, %mul3A_375 : i32
      %add3A_377 = arith.addi %get3A_0, %mul3A_376 : i32
      %convert_element_type3A_378 = arith.sitofp %add3A_377 : i32 to f32
      %add3A_379 = vector.broadcast %convert_element_type3A_378 : f32 to vector<512x1xf32>
      %add3A_380 = arith.addf %add3A_379, %convert_element_type3A : vector<512x1xf32>
      %gt3A = vector.broadcast %while3A_119#0 : vector<1x256xf32> to vector<512x256xf32>
      %gt3A_381 = arith.cmpf ogt, %get3A_374, %gt3A : vector<512x256xf32>
      %eq3A = vector.broadcast %while3A_119#0 : vector<1x256xf32> to vector<512x256xf32>
      %eq3A_382 = arith.cmpf oeq, %get3A_374, %eq3A : vector<512x256xf32>
      %gt3A_383 = vector.broadcast %add3A_380 : vector<512x1xf32> to vector<512x256xf32>
      %gt3A_384 = vector.broadcast %while3A_119#1 : vector<1x256xf32> to vector<512x256xf32>
      %gt3A_385 = arith.cmpf ogt, %gt3A_383, %gt3A_384 : vector<512x256xf32>
      %and3A = arith.andi %eq3A_382, %gt3A_385 : vector<512x256xi1>
      %or3A = arith.ori %gt3A_381, %and3A : vector<512x256xi1>
      %jit3A = arith.constant 0x7F800000 : f32
      %broadcast_in_dim3A_386 = vector.broadcast %jit3A : f32 to vector<512x256xf32>
      %select_n3A = arith.select %or3A, %get3A_374, %broadcast_in_dim3A_386 : vector<512x256xi1>, vector<512x256xf32>
      %reduce_min3A = arith.constant dense<0x7F800000> : vector<256xf32>
      %reduce_min3A_387 = vector.multi_reduction <minimumf>, %select_n3A, %reduce_min3A [0] : vector<512x256xf32> to vector<256xf32>
      %broadcast_in_dim3A_388 = vector.shape_cast %reduce_min3A_387 : vector<256xf32> to vector<1x256xf32>
      %eq3A_389 = vector.broadcast %broadcast_in_dim3A_388 : vector<1x256xf32> to vector<512x256xf32>
      %eq3A_390 = arith.cmpf oeq, %select_n3A, %eq3A_389 : vector<512x256xf32>
      %jit3A_391 = arith.constant 1.000000e+09 : f32
      %broadcast_in_dim3A_392 = vector.shape_cast %add3A_380 : vector<512x1xf32> to vector<512x1xf32>
      %broadcast_in_dim3A_393 = vector.broadcast %broadcast_in_dim3A_392 : vector<512x1xf32> to vector<512x256xf32>
      %broadcast_in_dim3A_394 = vector.broadcast %jit3A_391 : f32 to vector<512x256xf32>
      %select_n3A_395 = arith.select %eq3A_390, %broadcast_in_dim3A_393, %broadcast_in_dim3A_394 : vector<512x256xi1>, vector<512x256xf32>
      %reduce_min3A_396 = arith.constant dense<0x7F800000> : vector<256xf32>
      %reduce_min3A_397 = vector.multi_reduction <minimumf>, %select_n3A_395, %reduce_min3A_396 [0] : vector<512x256xf32> to vector<256xf32>
      %broadcast_in_dim3A_398 = vector.shape_cast %reduce_min3A_397 : vector<256xf32> to vector<1x256xf32>
      %lt3A = arith.cmpf olt, %broadcast_in_dim3A_388, %while3A_367 : vector<1x256xf32>
      %eq3A_399 = arith.cmpf oeq, %broadcast_in_dim3A_388, %while3A_367 : vector<1x256xf32>
      %lt3A_400 = arith.cmpf olt, %broadcast_in_dim3A_398, %while3A_368 : vector<1x256xf32>
      %and3A_401 = arith.andi %eq3A_399, %lt3A_400 : vector<1x256xi1>
      %or3A_402 = arith.ori %lt3A, %and3A_401 : vector<1x256xi1>
      %select_n3A_403 = arith.select %or3A_402, %broadcast_in_dim3A_388, %while3A_367 : vector<1x256xi1>, vector<1x256xf32>
      %select_n3A_404 = arith.select %or3A_402, %broadcast_in_dim3A_398, %while3A_368 : vector<1x256xi1>, vector<1x256xf32>
      scf.yield %select_n3A_403, %select_n3A_404 : vector<1x256xf32>, vector<1x256xf32>
    }
    %while3A_133 = arith.constant 1 : i32
    %while3A_134:2 = scf.for %while3A_366 = %while3A_130 to %while3A_126 step %while3A_133 iter_args(%while3A_367 = %while3A_132#0, %while3A_368 = %while3A_132#1) -> (vector<1x256xf32>, vector<1x256xf32>)  : i32 {
      %mul3A_369 = arith.constant 512 : i32
      %mul3A_370 = arith.muli %while3A_366, %mul3A_369 : i32
      %multiple_of3A_371 = tpu.assume_multiple %mul3A_370, 512 : i32
      %get3A_372 = arith.index_cast %multiple_of3A_371 : i32 to index
      %get3A_373 = arith.constant 0 : index
      %get3A_374 = vector.load %arg15[%get3A_372, %get3A_373] : memref<10240x256xf32, #tpu.memory_space<vmem>>, vector<512x256xf32>
      %mul3A_375 = arith.constant 512 : i32
      %mul3A_376 = arith.muli %while3A_366, %mul3A_375 : i32
      %add3A_377 = arith.addi %get3A_0, %mul3A_376 : i32
      %convert_element_type3A_378 = arith.sitofp %add3A_377 : i32 to f32
      %add3A_379 = vector.broadcast %convert_element_type3A_378 : f32 to vector<512x1xf32>
      %add3A_380 = arith.addf %add3A_379, %convert_element_type3A : vector<512x1xf32>
      %gt3A = vector.broadcast %while3A_119#0 : vector<1x256xf32> to vector<512x256xf32>
      %gt3A_381 = arith.cmpf ogt, %get3A_374, %gt3A : vector<512x256xf32>
      %eq3A = vector.broadcast %while3A_119#0 : vector<1x256xf32> to vector<512x256xf32>
      %eq3A_382 = arith.cmpf oeq, %get3A_374, %eq3A : vector<512x256xf32>
      %gt3A_383 = vector.broadcast %add3A_380 : vector<512x1xf32> to vector<512x256xf32>
      %gt3A_384 = vector.broadcast %while3A_119#1 : vector<1x256xf32> to vector<512x256xf32>
      %gt3A_385 = arith.cmpf ogt, %gt3A_383, %gt3A_384 : vector<512x256xf32>
      %and3A = arith.andi %eq3A_382, %gt3A_385 : vector<512x256xi1>
      %or3A = arith.ori %gt3A_381, %and3A : vector<512x256xi1>
      %jit3A = arith.constant 0x7F800000 : f32
      %broadcast_in_dim3A_386 = vector.broadcast %jit3A : f32 to vector<512x256xf32>
      %select_n3A = arith.select %or3A, %get3A_374, %broadcast_in_dim3A_386 : vector<512x256xi1>, vector<512x256xf32>
      %reduce_min3A = arith.constant dense<0x7F800000> : vector<256xf32>
      %reduce_min3A_387 = vector.multi_reduction <minimumf>, %select_n3A, %reduce_min3A [0] : vector<512x256xf32> to vector<256xf32>
      %broadcast_in_dim3A_388 = vector.shape_cast %reduce_min3A_387 : vector<256xf32> to vector<1x256xf32>
      %eq3A_389 = vector.broadcast %broadcast_in_dim3A_388 : vector<1x256xf32> to vector<512x256xf32>
      %eq3A_390 = arith.cmpf oeq, %select_n3A, %eq3A_389 : vector<512x256xf32>
      %jit3A_391 = arith.constant 1.000000e+09 : f32
      %broadcast_in_dim3A_392 = vector.shape_cast %add3A_380 : vector<512x1xf32> to vector<512x1xf32>
      %broadcast_in_dim3A_393 = vector.broadcast %broadcast_in_dim3A_392 : vector<512x1xf32> to vector<512x256xf32>
      %broadcast_in_dim3A_394 = vector.broadcast %jit3A_391 : f32 to vector<512x256xf32>
      %select_n3A_395 = arith.select %eq3A_390, %broadcast_in_dim3A_393, %broadcast_in_dim3A_394 : vector<512x256xi1>, vector<512x256xf32>
      %reduce_min3A_396 = arith.constant dense<0x7F800000> : vector<256xf32>
      %reduce_min3A_397 = vector.multi_reduction <minimumf>, %select_n3A_395, %reduce_min3A_396 [0] : vector<512x256xf32> to vector<256xf32>
      %broadcast_in_dim3A_398 = vector.shape_cast %reduce_min3A_397 : vector<256xf32> to vector<1x256xf32>
      %lt3A = arith.cmpf olt, %broadcast_in_dim3A_388, %while3A_367 : vector<1x256xf32>
      %eq3A_399 = arith.cmpf oeq, %broadcast_in_dim3A_388, %while3A_367 : vector<1x256xf32>
      %lt3A_400 = arith.cmpf olt, %broadcast_in_dim3A_398, %while3A_368 : vector<1x256xf32>
      %and3A_401 = arith.andi %eq3A_399, %lt3A_400 : vector<1x256xi1>
      %or3A_402 = arith.ori %lt3A, %and3A_401 : vector<1x256xi1>
      %select_n3A_403 = arith.select %or3A_402, %broadcast_in_dim3A_388, %while3A_367 : vector<1x256xi1>, vector<1x256xf32>
      %select_n3A_404 = arith.select %or3A_402, %broadcast_in_dim3A_398, %while3A_368 : vector<1x256xi1>, vector<1x256xf32>
      scf.yield %select_n3A_403, %select_n3A_404 : vector<1x256xf32>, vector<1x256xf32>
    }
    %broadcast_in_dim3A_135 = arith.constant 0x7F800000 : f32
    %broadcast_in_dim3A_136 = vector.broadcast %broadcast_in_dim3A_135 : f32 to vector<1x256xf32>
    %broadcast_in_dim3A_137 = arith.constant 1.000000e+09 : f32
    %broadcast_in_dim3A_138 = vector.broadcast %broadcast_in_dim3A_137 : f32 to vector<1x256xf32>
    %while3A_139 = arith.constant 0 : i32
    %while3A_140 = arith.subi %get3A_2, %while3A_139 : i32
    %while3A_141 = arith.addi %while3A_139, %while3A_140 : i32
    %while3A_142 = arith.constant 1 : i32
    %while3A_143 = arith.divsi %while3A_140, %while3A_142 : i32
    %while3A_144 = arith.muli %while3A_143, %while3A_142 : i32
    %while3A_145 = arith.addi %while3A_139, %while3A_144 : i32
    %while3A_146 = arith.constant 1 : i32
    %while3A_147:2 = scf.for %while3A_366 = %while3A_139 to %while3A_145 step %while3A_146 iter_args(%while3A_367 = %broadcast_in_dim3A_136, %while3A_368 = %broadcast_in_dim3A_138) -> (vector<1x256xf32>, vector<1x256xf32>)  : i32 {
      %mul3A_369 = arith.constant 512 : i32
      %mul3A_370 = arith.muli %while3A_366, %mul3A_369 : i32
      %multiple_of3A_371 = tpu.assume_multiple %mul3A_370, 512 : i32
      %get3A_372 = arith.index_cast %multiple_of3A_371 : i32 to index
      %get3A_373 = arith.constant 0 : index
      %get3A_374 = vector.load %arg15[%get3A_372, %get3A_373] : memref<10240x256xf32, #tpu.memory_space<vmem>>, vector<512x256xf32>
      %mul3A_375 = arith.constant 512 : i32
      %mul3A_376 = arith.muli %while3A_366, %mul3A_375 : i32
      %add3A_377 = arith.addi %get3A_0, %mul3A_376 : i32
      %convert_element_type3A_378 = arith.sitofp %add3A_377 : i32 to f32
      %add3A_379 = vector.broadcast %convert_element_type3A_378 : f32 to vector<512x1xf32>
      %add3A_380 = arith.addf %add3A_379, %convert_element_type3A : vector<512x1xf32>
      %gt3A = vector.broadcast %while3A_134#0 : vector<1x256xf32> to vector<512x256xf32>
      %gt3A_381 = arith.cmpf ogt, %get3A_374, %gt3A : vector<512x256xf32>
      %eq3A = vector.broadcast %while3A_134#0 : vector<1x256xf32> to vector<512x256xf32>
      %eq3A_382 = arith.cmpf oeq, %get3A_374, %eq3A : vector<512x256xf32>
      %gt3A_383 = vector.broadcast %add3A_380 : vector<512x1xf32> to vector<512x256xf32>
      %gt3A_384 = vector.broadcast %while3A_134#1 : vector<1x256xf32> to vector<512x256xf32>
      %gt3A_385 = arith.cmpf ogt, %gt3A_383, %gt3A_384 : vector<512x256xf32>
      %and3A = arith.andi %eq3A_382, %gt3A_385 : vector<512x256xi1>
      %or3A = arith.ori %gt3A_381, %and3A : vector<512x256xi1>
      %jit3A = arith.constant 0x7F800000 : f32
      %broadcast_in_dim3A_386 = vector.broadcast %jit3A : f32 to vector<512x256xf32>
      %select_n3A = arith.select %or3A, %get3A_374, %broadcast_in_dim3A_386 : vector<512x256xi1>, vector<512x256xf32>
      %reduce_min3A = arith.constant dense<0x7F800000> : vector<256xf32>
      %reduce_min3A_387 = vector.multi_reduction <minimumf>, %select_n3A, %reduce_min3A [0] : vector<512x256xf32> to vector<256xf32>
      %broadcast_in_dim3A_388 = vector.shape_cast %reduce_min3A_387 : vector<256xf32> to vector<1x256xf32>
      %eq3A_389 = vector.broadcast %broadcast_in_dim3A_388 : vector<1x256xf32> to vector<512x256xf32>
      %eq3A_390 = arith.cmpf oeq, %select_n3A, %eq3A_389 : vector<512x256xf32>
      %jit3A_391 = arith.constant 1.000000e+09 : f32
      %broadcast_in_dim3A_392 = vector.shape_cast %add3A_380 : vector<512x1xf32> to vector<512x1xf32>
      %broadcast_in_dim3A_393 = vector.broadcast %broadcast_in_dim3A_392 : vector<512x1xf32> to vector<512x256xf32>
      %broadcast_in_dim3A_394 = vector.broadcast %jit3A_391 : f32 to vector<512x256xf32>
      %select_n3A_395 = arith.select %eq3A_390, %broadcast_in_dim3A_393, %broadcast_in_dim3A_394 : vector<512x256xi1>, vector<512x256xf32>
      %reduce_min3A_396 = arith.constant dense<0x7F800000> : vector<256xf32>
      %reduce_min3A_397 = vector.multi_reduction <minimumf>, %select_n3A_395, %reduce_min3A_396 [0] : vector<512x256xf32> to vector<256xf32>
      %broadcast_in_dim3A_398 = vector.shape_cast %reduce_min3A_397 : vector<256xf32> to vector<1x256xf32>
      %lt3A = arith.cmpf olt, %broadcast_in_dim3A_388, %while3A_367 : vector<1x256xf32>
      %eq3A_399 = arith.cmpf oeq, %broadcast_in_dim3A_388, %while3A_367 : vector<1x256xf32>
      %lt3A_400 = arith.cmpf olt, %broadcast_in_dim3A_398, %while3A_368 : vector<1x256xf32>
      %and3A_401 = arith.andi %eq3A_399, %lt3A_400 : vector<1x256xi1>
      %or3A_402 = arith.ori %lt3A, %and3A_401 : vector<1x256xi1>
      %select_n3A_403 = arith.select %or3A_402, %broadcast_in_dim3A_388, %while3A_367 : vector<1x256xi1>, vector<1x256xf32>
      %select_n3A_404 = arith.select %or3A_402, %broadcast_in_dim3A_398, %while3A_368 : vector<1x256xi1>, vector<1x256xf32>
      scf.yield %select_n3A_403, %select_n3A_404 : vector<1x256xf32>, vector<1x256xf32>
    }
    %while3A_148 = arith.constant 1 : i32
    %while3A_149:2 = scf.for %while3A_366 = %while3A_145 to %while3A_141 step %while3A_148 iter_args(%while3A_367 = %while3A_147#0, %while3A_368 = %while3A_147#1) -> (vector<1x256xf32>, vector<1x256xf32>)  : i32 {
      %mul3A_369 = arith.constant 512 : i32
      %mul3A_370 = arith.muli %while3A_366, %mul3A_369 : i32
      %multiple_of3A_371 = tpu.assume_multiple %mul3A_370, 512 : i32
      %get3A_372 = arith.index_cast %multiple_of3A_371 : i32 to index
      %get3A_373 = arith.constant 0 : index
      %get3A_374 = vector.load %arg15[%get3A_372, %get3A_373] : memref<10240x256xf32, #tpu.memory_space<vmem>>, vector<512x256xf32>
      %mul3A_375 = arith.constant 512 : i32
      %mul3A_376 = arith.muli %while3A_366, %mul3A_375 : i32
      %add3A_377 = arith.addi %get3A_0, %mul3A_376 : i32
      %convert_element_type3A_378 = arith.sitofp %add3A_377 : i32 to f32
      %add3A_379 = vector.broadcast %convert_element_type3A_378 : f32 to vector<512x1xf32>
      %add3A_380 = arith.addf %add3A_379, %convert_element_type3A : vector<512x1xf32>
      %gt3A = vector.broadcast %while3A_134#0 : vector<1x256xf32> to vector<512x256xf32>
      %gt3A_381 = arith.cmpf ogt, %get3A_374, %gt3A : vector<512x256xf32>
      %eq3A = vector.broadcast %while3A_134#0 : vector<1x256xf32> to vector<512x256xf32>
      %eq3A_382 = arith.cmpf oeq, %get3A_374, %eq3A : vector<512x256xf32>
      %gt3A_383 = vector.broadcast %add3A_380 : vector<512x1xf32> to vector<512x256xf32>
      %gt3A_384 = vector.broadcast %while3A_134#1 : vector<1x256xf32> to vector<512x256xf32>
      %gt3A_385 = arith.cmpf ogt, %gt3A_383, %gt3A_384 : vector<512x256xf32>
      %and3A = arith.andi %eq3A_382, %gt3A_385 : vector<512x256xi1>
      %or3A = arith.ori %gt3A_381, %and3A : vector<512x256xi1>
      %jit3A = arith.constant 0x7F800000 : f32
      %broadcast_in_dim3A_386 = vector.broadcast %jit3A : f32 to vector<512x256xf32>
      %select_n3A = arith.select %or3A, %get3A_374, %broadcast_in_dim3A_386 : vector<512x256xi1>, vector<512x256xf32>
      %reduce_min3A = arith.constant dense<0x7F800000> : vector<256xf32>
      %reduce_min3A_387 = vector.multi_reduction <minimumf>, %select_n3A, %reduce_min3A [0] : vector<512x256xf32> to vector<256xf32>
      %broadcast_in_dim3A_388 = vector.shape_cast %reduce_min3A_387 : vector<256xf32> to vector<1x256xf32>
      %eq3A_389 = vector.broadcast %broadcast_in_dim3A_388 : vector<1x256xf32> to vector<512x256xf32>
      %eq3A_390 = arith.cmpf oeq, %select_n3A, %eq3A_389 : vector<512x256xf32>
      %jit3A_391 = arith.constant 1.000000e+09 : f32
      %broadcast_in_dim3A_392 = vector.shape_cast %add3A_380 : vector<512x1xf32> to vector<512x1xf32>
      %broadcast_in_dim3A_393 = vector.broadcast %broadcast_in_dim3A_392 : vector<512x1xf32> to vector<512x256xf32>
      %broadcast_in_dim3A_394 = vector.broadcast %jit3A_391 : f32 to vector<512x256xf32>
      %select_n3A_395 = arith.select %eq3A_390, %broadcast_in_dim3A_393, %broadcast_in_dim3A_394 : vector<512x256xi1>, vector<512x256xf32>
      %reduce_min3A_396 = arith.constant dense<0x7F800000> : vector<256xf32>
      %reduce_min3A_397 = vector.multi_reduction <minimumf>, %select_n3A_395, %reduce_min3A_396 [0] : vector<512x256xf32> to vector<256xf32>
      %broadcast_in_dim3A_398 = vector.shape_cast %reduce_min3A_397 : vector<256xf32> to vector<1x256xf32>
      %lt3A = arith.cmpf olt, %broadcast_in_dim3A_388, %while3A_367 : vector<1x256xf32>
      %eq3A_399 = arith.cmpf oeq, %broadcast_in_dim3A_388, %while3A_367 : vector<1x256xf32>
      %lt3A_400 = arith.cmpf olt, %broadcast_in_dim3A_398, %while3A_368 : vector<1x256xf32>
      %and3A_401 = arith.andi %eq3A_399, %lt3A_400 : vector<1x256xi1>
      %or3A_402 = arith.ori %lt3A, %and3A_401 : vector<1x256xi1>
      %select_n3A_403 = arith.select %or3A_402, %broadcast_in_dim3A_388, %while3A_367 : vector<1x256xi1>, vector<1x256xf32>
      %select_n3A_404 = arith.select %or3A_402, %broadcast_in_dim3A_398, %while3A_368 : vector<1x256xi1>, vector<1x256xf32>
      scf.yield %select_n3A_403, %select_n3A_404 : vector<1x256xf32>, vector<1x256xf32>
    }
    %broadcast_in_dim3A_150 = arith.constant 0x7F800000 : f32
    %broadcast_in_dim3A_151 = vector.broadcast %broadcast_in_dim3A_150 : f32 to vector<1x256xf32>
    %broadcast_in_dim3A_152 = arith.constant 1.000000e+09 : f32
    %broadcast_in_dim3A_153 = vector.broadcast %broadcast_in_dim3A_152 : f32 to vector<1x256xf32>
    %while3A_154 = arith.constant 0 : i32
    %while3A_155 = arith.subi %get3A_2, %while3A_154 : i32
    %while3A_156 = arith.addi %while3A_154, %while3A_155 : i32
    %while3A_157 = arith.constant 1 : i32
    %while3A_158 = arith.divsi %while3A_155, %while3A_157 : i32
    %while3A_159 = arith.muli %while3A_158, %while3A_157 : i32
    %while3A_160 = arith.addi %while3A_154, %while3A_159 : i32
    %while3A_161 = arith.constant 1 : i32
    %while3A_162:2 = scf.for %while3A_366 = %while3A_154 to %while3A_160 step %while3A_161 iter_args(%while3A_367 = %broadcast_in_dim3A_151, %while3A_368 = %broadcast_in_dim3A_153) -> (vector<1x256xf32>, vector<1x256xf32>)  : i32 {
      %mul3A_369 = arith.constant 512 : i32
      %mul3A_370 = arith.muli %while3A_366, %mul3A_369 : i32
      %multiple_of3A_371 = tpu.assume_multiple %mul3A_370, 512 : i32
      %get3A_372 = arith.index_cast %multiple_of3A_371 : i32 to index
      %get3A_373 = arith.constant 0 : index
      %get3A_374 = vector.load %arg15[%get3A_372, %get3A_373] : memref<10240x256xf32, #tpu.memory_space<vmem>>, vector<512x256xf32>
      %mul3A_375 = arith.constant 512 : i32
      %mul3A_376 = arith.muli %while3A_366, %mul3A_375 : i32
      %add3A_377 = arith.addi %get3A_0, %mul3A_376 : i32
      %convert_element_type3A_378 = arith.sitofp %add3A_377 : i32 to f32
      %add3A_379 = vector.broadcast %convert_element_type3A_378 : f32 to vector<512x1xf32>
      %add3A_380 = arith.addf %add3A_379, %convert_element_type3A : vector<512x1xf32>
      %gt3A = vector.broadcast %while3A_149#0 : vector<1x256xf32> to vector<512x256xf32>
      %gt3A_381 = arith.cmpf ogt, %get3A_374, %gt3A : vector<512x256xf32>
      %eq3A = vector.broadcast %while3A_149#0 : vector<1x256xf32> to vector<512x256xf32>
      %eq3A_382 = arith.cmpf oeq, %get3A_374, %eq3A : vector<512x256xf32>
      %gt3A_383 = vector.broadcast %add3A_380 : vector<512x1xf32> to vector<512x256xf32>
      %gt3A_384 = vector.broadcast %while3A_149#1 : vector<1x256xf32> to vector<512x256xf32>
      %gt3A_385 = arith.cmpf ogt, %gt3A_383, %gt3A_384 : vector<512x256xf32>
      %and3A = arith.andi %eq3A_382, %gt3A_385 : vector<512x256xi1>
      %or3A = arith.ori %gt3A_381, %and3A : vector<512x256xi1>
      %jit3A = arith.constant 0x7F800000 : f32
      %broadcast_in_dim3A_386 = vector.broadcast %jit3A : f32 to vector<512x256xf32>
      %select_n3A = arith.select %or3A, %get3A_374, %broadcast_in_dim3A_386 : vector<512x256xi1>, vector<512x256xf32>
      %reduce_min3A = arith.constant dense<0x7F800000> : vector<256xf32>
      %reduce_min3A_387 = vector.multi_reduction <minimumf>, %select_n3A, %reduce_min3A [0] : vector<512x256xf32> to vector<256xf32>
      %broadcast_in_dim3A_388 = vector.shape_cast %reduce_min3A_387 : vector<256xf32> to vector<1x256xf32>
      %eq3A_389 = vector.broadcast %broadcast_in_dim3A_388 : vector<1x256xf32> to vector<512x256xf32>
      %eq3A_390 = arith.cmpf oeq, %select_n3A, %eq3A_389 : vector<512x256xf32>
      %jit3A_391 = arith.constant 1.000000e+09 : f32
      %broadcast_in_dim3A_392 = vector.shape_cast %add3A_380 : vector<512x1xf32> to vector<512x1xf32>
      %broadcast_in_dim3A_393 = vector.broadcast %broadcast_in_dim3A_392 : vector<512x1xf32> to vector<512x256xf32>
      %broadcast_in_dim3A_394 = vector.broadcast %jit3A_391 : f32 to vector<512x256xf32>
      %select_n3A_395 = arith.select %eq3A_390, %broadcast_in_dim3A_393, %broadcast_in_dim3A_394 : vector<512x256xi1>, vector<512x256xf32>
      %reduce_min3A_396 = arith.constant dense<0x7F800000> : vector<256xf32>
      %reduce_min3A_397 = vector.multi_reduction <minimumf>, %select_n3A_395, %reduce_min3A_396 [0] : vector<512x256xf32> to vector<256xf32>
      %broadcast_in_dim3A_398 = vector.shape_cast %reduce_min3A_397 : vector<256xf32> to vector<1x256xf32>
      %lt3A = arith.cmpf olt, %broadcast_in_dim3A_388, %while3A_367 : vector<1x256xf32>
      %eq3A_399 = arith.cmpf oeq, %broadcast_in_dim3A_388, %while3A_367 : vector<1x256xf32>
      %lt3A_400 = arith.cmpf olt, %broadcast_in_dim3A_398, %while3A_368 : vector<1x256xf32>
      %and3A_401 = arith.andi %eq3A_399, %lt3A_400 : vector<1x256xi1>
      %or3A_402 = arith.ori %lt3A, %and3A_401 : vector<1x256xi1>
      %select_n3A_403 = arith.select %or3A_402, %broadcast_in_dim3A_388, %while3A_367 : vector<1x256xi1>, vector<1x256xf32>
      %select_n3A_404 = arith.select %or3A_402, %broadcast_in_dim3A_398, %while3A_368 : vector<1x256xi1>, vector<1x256xf32>
      scf.yield %select_n3A_403, %select_n3A_404 : vector<1x256xf32>, vector<1x256xf32>
    }
    %while3A_163 = arith.constant 1 : i32
    %while3A_164:2 = scf.for %while3A_366 = %while3A_160 to %while3A_156 step %while3A_163 iter_args(%while3A_367 = %while3A_162#0, %while3A_368 = %while3A_162#1) -> (vector<1x256xf32>, vector<1x256xf32>)  : i32 {
      %mul3A_369 = arith.constant 512 : i32
      %mul3A_370 = arith.muli %while3A_366, %mul3A_369 : i32
      %multiple_of3A_371 = tpu.assume_multiple %mul3A_370, 512 : i32
      %get3A_372 = arith.index_cast %multiple_of3A_371 : i32 to index
      %get3A_373 = arith.constant 0 : index
      %get3A_374 = vector.load %arg15[%get3A_372, %get3A_373] : memref<10240x256xf32, #tpu.memory_space<vmem>>, vector<512x256xf32>
      %mul3A_375 = arith.constant 512 : i32
      %mul3A_376 = arith.muli %while3A_366, %mul3A_375 : i32
      %add3A_377 = arith.addi %get3A_0, %mul3A_376 : i32
      %convert_element_type3A_378 = arith.sitofp %add3A_377 : i32 to f32
      %add3A_379 = vector.broadcast %convert_element_type3A_378 : f32 to vector<512x1xf32>
      %add3A_380 = arith.addf %add3A_379, %convert_element_type3A : vector<512x1xf32>
      %gt3A = vector.broadcast %while3A_149#0 : vector<1x256xf32> to vector<512x256xf32>
      %gt3A_381 = arith.cmpf ogt, %get3A_374, %gt3A : vector<512x256xf32>
      %eq3A = vector.broadcast %while3A_149#0 : vector<1x256xf32> to vector<512x256xf32>
      %eq3A_382 = arith.cmpf oeq, %get3A_374, %eq3A : vector<512x256xf32>
      %gt3A_383 = vector.broadcast %add3A_380 : vector<512x1xf32> to vector<512x256xf32>
      %gt3A_384 = vector.broadcast %while3A_149#1 : vector<1x256xf32> to vector<512x256xf32>
      %gt3A_385 = arith.cmpf ogt, %gt3A_383, %gt3A_384 : vector<512x256xf32>
      %and3A = arith.andi %eq3A_382, %gt3A_385 : vector<512x256xi1>
      %or3A = arith.ori %gt3A_381, %and3A : vector<512x256xi1>
      %jit3A = arith.constant 0x7F800000 : f32
      %broadcast_in_dim3A_386 = vector.broadcast %jit3A : f32 to vector<512x256xf32>
      %select_n3A = arith.select %or3A, %get3A_374, %broadcast_in_dim3A_386 : vector<512x256xi1>, vector<512x256xf32>
      %reduce_min3A = arith.constant dense<0x7F800000> : vector<256xf32>
      %reduce_min3A_387 = vector.multi_reduction <minimumf>, %select_n3A, %reduce_min3A [0] : vector<512x256xf32> to vector<256xf32>
      %broadcast_in_dim3A_388 = vector.shape_cast %reduce_min3A_387 : vector<256xf32> to vector<1x256xf32>
      %eq3A_389 = vector.broadcast %broadcast_in_dim3A_388 : vector<1x256xf32> to vector<512x256xf32>
      %eq3A_390 = arith.cmpf oeq, %select_n3A, %eq3A_389 : vector<512x256xf32>
      %jit3A_391 = arith.constant 1.000000e+09 : f32
      %broadcast_in_dim3A_392 = vector.shape_cast %add3A_380 : vector<512x1xf32> to vector<512x1xf32>
      %broadcast_in_dim3A_393 = vector.broadcast %broadcast_in_dim3A_392 : vector<512x1xf32> to vector<512x256xf32>
      %broadcast_in_dim3A_394 = vector.broadcast %jit3A_391 : f32 to vector<512x256xf32>
      %select_n3A_395 = arith.select %eq3A_390, %broadcast_in_dim3A_393, %broadcast_in_dim3A_394 : vector<512x256xi1>, vector<512x256xf32>
      %reduce_min3A_396 = arith.constant dense<0x7F800000> : vector<256xf32>
      %reduce_min3A_397 = vector.multi_reduction <minimumf>, %select_n3A_395, %reduce_min3A_396 [0] : vector<512x256xf32> to vector<256xf32>
      %broadcast_in_dim3A_398 = vector.shape_cast %reduce_min3A_397 : vector<256xf32> to vector<1x256xf32>
      %lt3A = arith.cmpf olt, %broadcast_in_dim3A_388, %while3A_367 : vector<1x256xf32>
      %eq3A_399 = arith.cmpf oeq, %broadcast_in_dim3A_388, %while3A_367 : vector<1x256xf32>
      %lt3A_400 = arith.cmpf olt, %broadcast_in_dim3A_398, %while3A_368 : vector<1x256xf32>
      %and3A_401 = arith.andi %eq3A_399, %lt3A_400 : vector<1x256xi1>
      %or3A_402 = arith.ori %lt3A, %and3A_401 : vector<1x256xi1>
      %select_n3A_403 = arith.select %or3A_402, %broadcast_in_dim3A_388, %while3A_367 : vector<1x256xi1>, vector<1x256xf32>
      %select_n3A_404 = arith.select %or3A_402, %broadcast_in_dim3A_398, %while3A_368 : vector<1x256xi1>, vector<1x256xf32>
      scf.yield %select_n3A_403, %select_n3A_404 : vector<1x256xf32>, vector<1x256xf32>
    }
    %broadcast_in_dim3A_165 = arith.constant 0x7F800000 : f32
    %broadcast_in_dim3A_166 = vector.broadcast %broadcast_in_dim3A_165 : f32 to vector<1x256xf32>
    %broadcast_in_dim3A_167 = arith.constant 1.000000e+09 : f32
    %broadcast_in_dim3A_168 = vector.broadcast %broadcast_in_dim3A_167 : f32 to vector<1x256xf32>
    %while3A_169 = arith.constant 0 : i32
    %while3A_170 = arith.subi %get3A_2, %while3A_169 : i32
    %while3A_171 = arith.addi %while3A_169, %while3A_170 : i32
    %while3A_172 = arith.constant 1 : i32
    %while3A_173 = arith.divsi %while3A_170, %while3A_172 : i32
    %while3A_174 = arith.muli %while3A_173, %while3A_172 : i32
    %while3A_175 = arith.addi %while3A_169, %while3A_174 : i32
    %while3A_176 = arith.constant 1 : i32
    %while3A_177:2 = scf.for %while3A_366 = %while3A_169 to %while3A_175 step %while3A_176 iter_args(%while3A_367 = %broadcast_in_dim3A_166, %while3A_368 = %broadcast_in_dim3A_168) -> (vector<1x256xf32>, vector<1x256xf32>)  : i32 {
      %mul3A_369 = arith.constant 512 : i32
      %mul3A_370 = arith.muli %while3A_366, %mul3A_369 : i32
      %multiple_of3A_371 = tpu.assume_multiple %mul3A_370, 512 : i32
      %get3A_372 = arith.index_cast %multiple_of3A_371 : i32 to index
      %get3A_373 = arith.constant 0 : index
      %get3A_374 = vector.load %arg15[%get3A_372, %get3A_373] : memref<10240x256xf32, #tpu.memory_space<vmem>>, vector<512x256xf32>
      %mul3A_375 = arith.constant 512 : i32
      %mul3A_376 = arith.muli %while3A_366, %mul3A_375 : i32
      %add3A_377 = arith.addi %get3A_0, %mul3A_376 : i32
      %convert_element_type3A_378 = arith.sitofp %add3A_377 : i32 to f32
      %add3A_379 = vector.broadcast %convert_element_type3A_378 : f32 to vector<512x1xf32>
      %add3A_380 = arith.addf %add3A_379, %convert_element_type3A : vector<512x1xf32>
      %gt3A = vector.broadcast %while3A_164#0 : vector<1x256xf32> to vector<512x256xf32>
      %gt3A_381 = arith.cmpf ogt, %get3A_374, %gt3A : vector<512x256xf32>
      %eq3A = vector.broadcast %while3A_164#0 : vector<1x256xf32> to vector<512x256xf32>
      %eq3A_382 = arith.cmpf oeq, %get3A_374, %eq3A : vector<512x256xf32>
      %gt3A_383 = vector.broadcast %add3A_380 : vector<512x1xf32> to vector<512x256xf32>
      %gt3A_384 = vector.broadcast %while3A_164#1 : vector<1x256xf32> to vector<512x256xf32>
      %gt3A_385 = arith.cmpf ogt, %gt3A_383, %gt3A_384 : vector<512x256xf32>
      %and3A = arith.andi %eq3A_382, %gt3A_385 : vector<512x256xi1>
      %or3A = arith.ori %gt3A_381, %and3A : vector<512x256xi1>
      %jit3A = arith.constant 0x7F800000 : f32
      %broadcast_in_dim3A_386 = vector.broadcast %jit3A : f32 to vector<512x256xf32>
      %select_n3A = arith.select %or3A, %get3A_374, %broadcast_in_dim3A_386 : vector<512x256xi1>, vector<512x256xf32>
      %reduce_min3A = arith.constant dense<0x7F800000> : vector<256xf32>
      %reduce_min3A_387 = vector.multi_reduction <minimumf>, %select_n3A, %reduce_min3A [0] : vector<512x256xf32> to vector<256xf32>
      %broadcast_in_dim3A_388 = vector.shape_cast %reduce_min3A_387 : vector<256xf32> to vector<1x256xf32>
      %eq3A_389 = vector.broadcast %broadcast_in_dim3A_388 : vector<1x256xf32> to vector<512x256xf32>
      %eq3A_390 = arith.cmpf oeq, %select_n3A, %eq3A_389 : vector<512x256xf32>
      %jit3A_391 = arith.constant 1.000000e+09 : f32
      %broadcast_in_dim3A_392 = vector.shape_cast %add3A_380 : vector<512x1xf32> to vector<512x1xf32>
      %broadcast_in_dim3A_393 = vector.broadcast %broadcast_in_dim3A_392 : vector<512x1xf32> to vector<512x256xf32>
      %broadcast_in_dim3A_394 = vector.broadcast %jit3A_391 : f32 to vector<512x256xf32>
      %select_n3A_395 = arith.select %eq3A_390, %broadcast_in_dim3A_393, %broadcast_in_dim3A_394 : vector<512x256xi1>, vector<512x256xf32>
      %reduce_min3A_396 = arith.constant dense<0x7F800000> : vector<256xf32>
      %reduce_min3A_397 = vector.multi_reduction <minimumf>, %select_n3A_395, %reduce_min3A_396 [0] : vector<512x256xf32> to vector<256xf32>
      %broadcast_in_dim3A_398 = vector.shape_cast %reduce_min3A_397 : vector<256xf32> to vector<1x256xf32>
      %lt3A = arith.cmpf olt, %broadcast_in_dim3A_388, %while3A_367 : vector<1x256xf32>
      %eq3A_399 = arith.cmpf oeq, %broadcast_in_dim3A_388, %while3A_367 : vector<1x256xf32>
      %lt3A_400 = arith.cmpf olt, %broadcast_in_dim3A_398, %while3A_368 : vector<1x256xf32>
      %and3A_401 = arith.andi %eq3A_399, %lt3A_400 : vector<1x256xi1>
      %or3A_402 = arith.ori %lt3A, %and3A_401 : vector<1x256xi1>
      %select_n3A_403 = arith.select %or3A_402, %broadcast_in_dim3A_388, %while3A_367 : vector<1x256xi1>, vector<1x256xf32>
      %select_n3A_404 = arith.select %or3A_402, %broadcast_in_dim3A_398, %while3A_368 : vector<1x256xi1>, vector<1x256xf32>
      scf.yield %select_n3A_403, %select_n3A_404 : vector<1x256xf32>, vector<1x256xf32>
    }
    %while3A_178 = arith.constant 1 : i32
    %while3A_179:2 = scf.for %while3A_366 = %while3A_175 to %while3A_171 step %while3A_178 iter_args(%while3A_367 = %while3A_177#0, %while3A_368 = %while3A_177#1) -> (vector<1x256xf32>, vector<1x256xf32>)  : i32 {
      %mul3A_369 = arith.constant 512 : i32
      %mul3A_370 = arith.muli %while3A_366, %mul3A_369 : i32
      %multiple_of3A_371 = tpu.assume_multiple %mul3A_370, 512 : i32
      %get3A_372 = arith.index_cast %multiple_of3A_371 : i32 to index
      %get3A_373 = arith.constant 0 : index
      %get3A_374 = vector.load %arg15[%get3A_372, %get3A_373] : memref<10240x256xf32, #tpu.memory_space<vmem>>, vector<512x256xf32>
      %mul3A_375 = arith.constant 512 : i32
      %mul3A_376 = arith.muli %while3A_366, %mul3A_375 : i32
      %add3A_377 = arith.addi %get3A_0, %mul3A_376 : i32
      %convert_element_type3A_378 = arith.sitofp %add3A_377 : i32 to f32
      %add3A_379 = vector.broadcast %convert_element_type3A_378 : f32 to vector<512x1xf32>
      %add3A_380 = arith.addf %add3A_379, %convert_element_type3A : vector<512x1xf32>
      %gt3A = vector.broadcast %while3A_164#0 : vector<1x256xf32> to vector<512x256xf32>
      %gt3A_381 = arith.cmpf ogt, %get3A_374, %gt3A : vector<512x256xf32>
      %eq3A = vector.broadcast %while3A_164#0 : vector<1x256xf32> to vector<512x256xf32>
      %eq3A_382 = arith.cmpf oeq, %get3A_374, %eq3A : vector<512x256xf32>
      %gt3A_383 = vector.broadcast %add3A_380 : vector<512x1xf32> to vector<512x256xf32>
      %gt3A_384 = vector.broadcast %while3A_164#1 : vector<1x256xf32> to vector<512x256xf32>
      %gt3A_385 = arith.cmpf ogt, %gt3A_383, %gt3A_384 : vector<512x256xf32>
      %and3A = arith.andi %eq3A_382, %gt3A_385 : vector<512x256xi1>
      %or3A = arith.ori %gt3A_381, %and3A : vector<512x256xi1>
      %jit3A = arith.constant 0x7F800000 : f32
      %broadcast_in_dim3A_386 = vector.broadcast %jit3A : f32 to vector<512x256xf32>
      %select_n3A = arith.select %or3A, %get3A_374, %broadcast_in_dim3A_386 : vector<512x256xi1>, vector<512x256xf32>
      %reduce_min3A = arith.constant dense<0x7F800000> : vector<256xf32>
      %reduce_min3A_387 = vector.multi_reduction <minimumf>, %select_n3A, %reduce_min3A [0] : vector<512x256xf32> to vector<256xf32>
      %broadcast_in_dim3A_388 = vector.shape_cast %reduce_min3A_387 : vector<256xf32> to vector<1x256xf32>
      %eq3A_389 = vector.broadcast %broadcast_in_dim3A_388 : vector<1x256xf32> to vector<512x256xf32>
      %eq3A_390 = arith.cmpf oeq, %select_n3A, %eq3A_389 : vector<512x256xf32>
      %jit3A_391 = arith.constant 1.000000e+09 : f32
      %broadcast_in_dim3A_392 = vector.shape_cast %add3A_380 : vector<512x1xf32> to vector<512x1xf32>
      %broadcast_in_dim3A_393 = vector.broadcast %broadcast_in_dim3A_392 : vector<512x1xf32> to vector<512x256xf32>
      %broadcast_in_dim3A_394 = vector.broadcast %jit3A_391 : f32 to vector<512x256xf32>
      %select_n3A_395 = arith.select %eq3A_390, %broadcast_in_dim3A_393, %broadcast_in_dim3A_394 : vector<512x256xi1>, vector<512x256xf32>
      %reduce_min3A_396 = arith.constant dense<0x7F800000> : vector<256xf32>
      %reduce_min3A_397 = vector.multi_reduction <minimumf>, %select_n3A_395, %reduce_min3A_396 [0] : vector<512x256xf32> to vector<256xf32>
      %broadcast_in_dim3A_398 = vector.shape_cast %reduce_min3A_397 : vector<256xf32> to vector<1x256xf32>
      %lt3A = arith.cmpf olt, %broadcast_in_dim3A_388, %while3A_367 : vector<1x256xf32>
      %eq3A_399 = arith.cmpf oeq, %broadcast_in_dim3A_388, %while3A_367 : vector<1x256xf32>
      %lt3A_400 = arith.cmpf olt, %broadcast_in_dim3A_398, %while3A_368 : vector<1x256xf32>
      %and3A_401 = arith.andi %eq3A_399, %lt3A_400 : vector<1x256xi1>
      %or3A_402 = arith.ori %lt3A, %and3A_401 : vector<1x256xi1>
      %select_n3A_403 = arith.select %or3A_402, %broadcast_in_dim3A_388, %while3A_367 : vector<1x256xi1>, vector<1x256xf32>
      %select_n3A_404 = arith.select %or3A_402, %broadcast_in_dim3A_398, %while3A_368 : vector<1x256xi1>, vector<1x256xf32>
      scf.yield %select_n3A_403, %select_n3A_404 : vector<1x256xf32>, vector<1x256xf32>
    }
    %broadcast_in_dim3A_180 = arith.constant 0x7F800000 : f32
    %broadcast_in_dim3A_181 = vector.broadcast %broadcast_in_dim3A_180 : f32 to vector<1x256xf32>
    %broadcast_in_dim3A_182 = arith.constant 1.000000e+09 : f32
    %broadcast_in_dim3A_183 = vector.broadcast %broadcast_in_dim3A_182 : f32 to vector<1x256xf32>
    %while3A_184 = arith.constant 0 : i32
    %while3A_185 = arith.subi %get3A_2, %while3A_184 : i32
    %while3A_186 = arith.addi %while3A_184, %while3A_185 : i32
    %while3A_187 = arith.constant 1 : i32
    %while3A_188 = arith.divsi %while3A_185, %while3A_187 : i32
    %while3A_189 = arith.muli %while3A_188, %while3A_187 : i32
    %while3A_190 = arith.addi %while3A_184, %while3A_189 : i32
    %while3A_191 = arith.constant 1 : i32
    %while3A_192:2 = scf.for %while3A_366 = %while3A_184 to %while3A_190 step %while3A_191 iter_args(%while3A_367 = %broadcast_in_dim3A_181, %while3A_368 = %broadcast_in_dim3A_183) -> (vector<1x256xf32>, vector<1x256xf32>)  : i32 {
      %mul3A_369 = arith.constant 512 : i32
      %mul3A_370 = arith.muli %while3A_366, %mul3A_369 : i32
      %multiple_of3A_371 = tpu.assume_multiple %mul3A_370, 512 : i32
      %get3A_372 = arith.index_cast %multiple_of3A_371 : i32 to index
      %get3A_373 = arith.constant 0 : index
      %get3A_374 = vector.load %arg15[%get3A_372, %get3A_373] : memref<10240x256xf32, #tpu.memory_space<vmem>>, vector<512x256xf32>
      %mul3A_375 = arith.constant 512 : i32
      %mul3A_376 = arith.muli %while3A_366, %mul3A_375 : i32
      %add3A_377 = arith.addi %get3A_0, %mul3A_376 : i32
      %convert_element_type3A_378 = arith.sitofp %add3A_377 : i32 to f32
      %add3A_379 = vector.broadcast %convert_element_type3A_378 : f32 to vector<512x1xf32>
      %add3A_380 = arith.addf %add3A_379, %convert_element_type3A : vector<512x1xf32>
      %gt3A = vector.broadcast %while3A_179#0 : vector<1x256xf32> to vector<512x256xf32>
      %gt3A_381 = arith.cmpf ogt, %get3A_374, %gt3A : vector<512x256xf32>
      %eq3A = vector.broadcast %while3A_179#0 : vector<1x256xf32> to vector<512x256xf32>
      %eq3A_382 = arith.cmpf oeq, %get3A_374, %eq3A : vector<512x256xf32>
      %gt3A_383 = vector.broadcast %add3A_380 : vector<512x1xf32> to vector<512x256xf32>
      %gt3A_384 = vector.broadcast %while3A_179#1 : vector<1x256xf32> to vector<512x256xf32>
      %gt3A_385 = arith.cmpf ogt, %gt3A_383, %gt3A_384 : vector<512x256xf32>
      %and3A = arith.andi %eq3A_382, %gt3A_385 : vector<512x256xi1>
      %or3A = arith.ori %gt3A_381, %and3A : vector<512x256xi1>
      %jit3A = arith.constant 0x7F800000 : f32
      %broadcast_in_dim3A_386 = vector.broadcast %jit3A : f32 to vector<512x256xf32>
      %select_n3A = arith.select %or3A, %get3A_374, %broadcast_in_dim3A_386 : vector<512x256xi1>, vector<512x256xf32>
      %reduce_min3A = arith.constant dense<0x7F800000> : vector<256xf32>
      %reduce_min3A_387 = vector.multi_reduction <minimumf>, %select_n3A, %reduce_min3A [0] : vector<512x256xf32> to vector<256xf32>
      %broadcast_in_dim3A_388 = vector.shape_cast %reduce_min3A_387 : vector<256xf32> to vector<1x256xf32>
      %eq3A_389 = vector.broadcast %broadcast_in_dim3A_388 : vector<1x256xf32> to vector<512x256xf32>
      %eq3A_390 = arith.cmpf oeq, %select_n3A, %eq3A_389 : vector<512x256xf32>
      %jit3A_391 = arith.constant 1.000000e+09 : f32
      %broadcast_in_dim3A_392 = vector.shape_cast %add3A_380 : vector<512x1xf32> to vector<512x1xf32>
      %broadcast_in_dim3A_393 = vector.broadcast %broadcast_in_dim3A_392 : vector<512x1xf32> to vector<512x256xf32>
      %broadcast_in_dim3A_394 = vector.broadcast %jit3A_391 : f32 to vector<512x256xf32>
      %select_n3A_395 = arith.select %eq3A_390, %broadcast_in_dim3A_393, %broadcast_in_dim3A_394 : vector<512x256xi1>, vector<512x256xf32>
      %reduce_min3A_396 = arith.constant dense<0x7F800000> : vector<256xf32>
      %reduce_min3A_397 = vector.multi_reduction <minimumf>, %select_n3A_395, %reduce_min3A_396 [0] : vector<512x256xf32> to vector<256xf32>
      %broadcast_in_dim3A_398 = vector.shape_cast %reduce_min3A_397 : vector<256xf32> to vector<1x256xf32>
      %lt3A = arith.cmpf olt, %broadcast_in_dim3A_388, %while3A_367 : vector<1x256xf32>
      %eq3A_399 = arith.cmpf oeq, %broadcast_in_dim3A_388, %while3A_367 : vector<1x256xf32>
      %lt3A_400 = arith.cmpf olt, %broadcast_in_dim3A_398, %while3A_368 : vector<1x256xf32>
      %and3A_401 = arith.andi %eq3A_399, %lt3A_400 : vector<1x256xi1>
      %or3A_402 = arith.ori %lt3A, %and3A_401 : vector<1x256xi1>
      %select_n3A_403 = arith.select %or3A_402, %broadcast_in_dim3A_388, %while3A_367 : vector<1x256xi1>, vector<1x256xf32>
      %select_n3A_404 = arith.select %or3A_402, %broadcast_in_dim3A_398, %while3A_368 : vector<1x256xi1>, vector<1x256xf32>
      scf.yield %select_n3A_403, %select_n3A_404 : vector<1x256xf32>, vector<1x256xf32>
    }
    %while3A_193 = arith.constant 1 : i32
    %while3A_194:2 = scf.for %while3A_366 = %while3A_190 to %while3A_186 step %while3A_193 iter_args(%while3A_367 = %while3A_192#0, %while3A_368 = %while3A_192#1) -> (vector<1x256xf32>, vector<1x256xf32>)  : i32 {
      %mul3A_369 = arith.constant 512 : i32
      %mul3A_370 = arith.muli %while3A_366, %mul3A_369 : i32
      %multiple_of3A_371 = tpu.assume_multiple %mul3A_370, 512 : i32
      %get3A_372 = arith.index_cast %multiple_of3A_371 : i32 to index
      %get3A_373 = arith.constant 0 : index
      %get3A_374 = vector.load %arg15[%get3A_372, %get3A_373] : memref<10240x256xf32, #tpu.memory_space<vmem>>, vector<512x256xf32>
      %mul3A_375 = arith.constant 512 : i32
      %mul3A_376 = arith.muli %while3A_366, %mul3A_375 : i32
      %add3A_377 = arith.addi %get3A_0, %mul3A_376 : i32
      %convert_element_type3A_378 = arith.sitofp %add3A_377 : i32 to f32
      %add3A_379 = vector.broadcast %convert_element_type3A_378 : f32 to vector<512x1xf32>
      %add3A_380 = arith.addf %add3A_379, %convert_element_type3A : vector<512x1xf32>
      %gt3A = vector.broadcast %while3A_179#0 : vector<1x256xf32> to vector<512x256xf32>
      %gt3A_381 = arith.cmpf ogt, %get3A_374, %gt3A : vector<512x256xf32>
      %eq3A = vector.broadcast %while3A_179#0 : vector<1x256xf32> to vector<512x256xf32>
      %eq3A_382 = arith.cmpf oeq, %get3A_374, %eq3A : vector<512x256xf32>
      %gt3A_383 = vector.broadcast %add3A_380 : vector<512x1xf32> to vector<512x256xf32>
      %gt3A_384 = vector.broadcast %while3A_179#1 : vector<1x256xf32> to vector<512x256xf32>
      %gt3A_385 = arith.cmpf ogt, %gt3A_383, %gt3A_384 : vector<512x256xf32>
      %and3A = arith.andi %eq3A_382, %gt3A_385 : vector<512x256xi1>
      %or3A = arith.ori %gt3A_381, %and3A : vector<512x256xi1>
      %jit3A = arith.constant 0x7F800000 : f32
      %broadcast_in_dim3A_386 = vector.broadcast %jit3A : f32 to vector<512x256xf32>
      %select_n3A = arith.select %or3A, %get3A_374, %broadcast_in_dim3A_386 : vector<512x256xi1>, vector<512x256xf32>
      %reduce_min3A = arith.constant dense<0x7F800000> : vector<256xf32>
      %reduce_min3A_387 = vector.multi_reduction <minimumf>, %select_n3A, %reduce_min3A [0] : vector<512x256xf32> to vector<256xf32>
      %broadcast_in_dim3A_388 = vector.shape_cast %reduce_min3A_387 : vector<256xf32> to vector<1x256xf32>
      %eq3A_389 = vector.broadcast %broadcast_in_dim3A_388 : vector<1x256xf32> to vector<512x256xf32>
      %eq3A_390 = arith.cmpf oeq, %select_n3A, %eq3A_389 : vector<512x256xf32>
      %jit3A_391 = arith.constant 1.000000e+09 : f32
      %broadcast_in_dim3A_392 = vector.shape_cast %add3A_380 : vector<512x1xf32> to vector<512x1xf32>
      %broadcast_in_dim3A_393 = vector.broadcast %broadcast_in_dim3A_392 : vector<512x1xf32> to vector<512x256xf32>
      %broadcast_in_dim3A_394 = vector.broadcast %jit3A_391 : f32 to vector<512x256xf32>
      %select_n3A_395 = arith.select %eq3A_390, %broadcast_in_dim3A_393, %broadcast_in_dim3A_394 : vector<512x256xi1>, vector<512x256xf32>
      %reduce_min3A_396 = arith.constant dense<0x7F800000> : vector<256xf32>
      %reduce_min3A_397 = vector.multi_reduction <minimumf>, %select_n3A_395, %reduce_min3A_396 [0] : vector<512x256xf32> to vector<256xf32>
      %broadcast_in_dim3A_398 = vector.shape_cast %reduce_min3A_397 : vector<256xf32> to vector<1x256xf32>
      %lt3A = arith.cmpf olt, %broadcast_in_dim3A_388, %while3A_367 : vector<1x256xf32>
      %eq3A_399 = arith.cmpf oeq, %broadcast_in_dim3A_388, %while3A_367 : vector<1x256xf32>
      %lt3A_400 = arith.cmpf olt, %broadcast_in_dim3A_398, %while3A_368 : vector<1x256xf32>
      %and3A_401 = arith.andi %eq3A_399, %lt3A_400 : vector<1x256xi1>
      %or3A_402 = arith.ori %lt3A, %and3A_401 : vector<1x256xi1>
      %select_n3A_403 = arith.select %or3A_402, %broadcast_in_dim3A_388, %while3A_367 : vector<1x256xi1>, vector<1x256xf32>
      %select_n3A_404 = arith.select %or3A_402, %broadcast_in_dim3A_398, %while3A_368 : vector<1x256xi1>, vector<1x256xf32>
      scf.yield %select_n3A_403, %select_n3A_404 : vector<1x256xf32>, vector<1x256xf32>
    }
    %broadcast_in_dim3A_195 = arith.constant 0x7F800000 : f32
    %broadcast_in_dim3A_196 = vector.broadcast %broadcast_in_dim3A_195 : f32 to vector<1x256xf32>
    %broadcast_in_dim3A_197 = arith.constant 1.000000e+09 : f32
    %broadcast_in_dim3A_198 = vector.broadcast %broadcast_in_dim3A_197 : f32 to vector<1x256xf32>
    %while3A_199 = arith.constant 0 : i32
    %while3A_200 = arith.subi %get3A_2, %while3A_199 : i32
    %while3A_201 = arith.addi %while3A_199, %while3A_200 : i32
    %while3A_202 = arith.constant 1 : i32
    %while3A_203 = arith.divsi %while3A_200, %while3A_202 : i32
    %while3A_204 = arith.muli %while3A_203, %while3A_202 : i32
    %while3A_205 = arith.addi %while3A_199, %while3A_204 : i32
    %while3A_206 = arith.constant 1 : i32
    %while3A_207:2 = scf.for %while3A_366 = %while3A_199 to %while3A_205 step %while3A_206 iter_args(%while3A_367 = %broadcast_in_dim3A_196, %while3A_368 = %broadcast_in_dim3A_198) -> (vector<1x256xf32>, vector<1x256xf32>)  : i32 {
      %mul3A_369 = arith.constant 512 : i32
      %mul3A_370 = arith.muli %while3A_366, %mul3A_369 : i32
      %multiple_of3A_371 = tpu.assume_multiple %mul3A_370, 512 : i32
      %get3A_372 = arith.index_cast %multiple_of3A_371 : i32 to index
      %get3A_373 = arith.constant 0 : index
      %get3A_374 = vector.load %arg15[%get3A_372, %get3A_373] : memref<10240x256xf32, #tpu.memory_space<vmem>>, vector<512x256xf32>
      %mul3A_375 = arith.constant 512 : i32
      %mul3A_376 = arith.muli %while3A_366, %mul3A_375 : i32
      %add3A_377 = arith.addi %get3A_0, %mul3A_376 : i32
      %convert_element_type3A_378 = arith.sitofp %add3A_377 : i32 to f32
      %add3A_379 = vector.broadcast %convert_element_type3A_378 : f32 to vector<512x1xf32>
      %add3A_380 = arith.addf %add3A_379, %convert_element_type3A : vector<512x1xf32>
      %gt3A = vector.broadcast %while3A_194#0 : vector<1x256xf32> to vector<512x256xf32>
      %gt3A_381 = arith.cmpf ogt, %get3A_374, %gt3A : vector<512x256xf32>
      %eq3A = vector.broadcast %while3A_194#0 : vector<1x256xf32> to vector<512x256xf32>
      %eq3A_382 = arith.cmpf oeq, %get3A_374, %eq3A : vector<512x256xf32>
      %gt3A_383 = vector.broadcast %add3A_380 : vector<512x1xf32> to vector<512x256xf32>
      %gt3A_384 = vector.broadcast %while3A_194#1 : vector<1x256xf32> to vector<512x256xf32>
      %gt3A_385 = arith.cmpf ogt, %gt3A_383, %gt3A_384 : vector<512x256xf32>
      %and3A = arith.andi %eq3A_382, %gt3A_385 : vector<512x256xi1>
      %or3A = arith.ori %gt3A_381, %and3A : vector<512x256xi1>
      %jit3A = arith.constant 0x7F800000 : f32
      %broadcast_in_dim3A_386 = vector.broadcast %jit3A : f32 to vector<512x256xf32>
      %select_n3A = arith.select %or3A, %get3A_374, %broadcast_in_dim3A_386 : vector<512x256xi1>, vector<512x256xf32>
      %reduce_min3A = arith.constant dense<0x7F800000> : vector<256xf32>
      %reduce_min3A_387 = vector.multi_reduction <minimumf>, %select_n3A, %reduce_min3A [0] : vector<512x256xf32> to vector<256xf32>
      %broadcast_in_dim3A_388 = vector.shape_cast %reduce_min3A_387 : vector<256xf32> to vector<1x256xf32>
      %eq3A_389 = vector.broadcast %broadcast_in_dim3A_388 : vector<1x256xf32> to vector<512x256xf32>
      %eq3A_390 = arith.cmpf oeq, %select_n3A, %eq3A_389 : vector<512x256xf32>
      %jit3A_391 = arith.constant 1.000000e+09 : f32
      %broadcast_in_dim3A_392 = vector.shape_cast %add3A_380 : vector<512x1xf32> to vector<512x1xf32>
      %broadcast_in_dim3A_393 = vector.broadcast %broadcast_in_dim3A_392 : vector<512x1xf32> to vector<512x256xf32>
      %broadcast_in_dim3A_394 = vector.broadcast %jit3A_391 : f32 to vector<512x256xf32>
      %select_n3A_395 = arith.select %eq3A_390, %broadcast_in_dim3A_393, %broadcast_in_dim3A_394 : vector<512x256xi1>, vector<512x256xf32>
      %reduce_min3A_396 = arith.constant dense<0x7F800000> : vector<256xf32>
      %reduce_min3A_397 = vector.multi_reduction <minimumf>, %select_n3A_395, %reduce_min3A_396 [0] : vector<512x256xf32> to vector<256xf32>
      %broadcast_in_dim3A_398 = vector.shape_cast %reduce_min3A_397 : vector<256xf32> to vector<1x256xf32>
      %lt3A = arith.cmpf olt, %broadcast_in_dim3A_388, %while3A_367 : vector<1x256xf32>
      %eq3A_399 = arith.cmpf oeq, %broadcast_in_dim3A_388, %while3A_367 : vector<1x256xf32>
      %lt3A_400 = arith.cmpf olt, %broadcast_in_dim3A_398, %while3A_368 : vector<1x256xf32>
      %and3A_401 = arith.andi %eq3A_399, %lt3A_400 : vector<1x256xi1>
      %or3A_402 = arith.ori %lt3A, %and3A_401 : vector<1x256xi1>
      %select_n3A_403 = arith.select %or3A_402, %broadcast_in_dim3A_388, %while3A_367 : vector<1x256xi1>, vector<1x256xf32>
      %select_n3A_404 = arith.select %or3A_402, %broadcast_in_dim3A_398, %while3A_368 : vector<1x256xi1>, vector<1x256xf32>
      scf.yield %select_n3A_403, %select_n3A_404 : vector<1x256xf32>, vector<1x256xf32>
    }
    %while3A_208 = arith.constant 1 : i32
    %while3A_209:2 = scf.for %while3A_366 = %while3A_205 to %while3A_201 step %while3A_208 iter_args(%while3A_367 = %while3A_207#0, %while3A_368 = %while3A_207#1) -> (vector<1x256xf32>, vector<1x256xf32>)  : i32 {
      %mul3A_369 = arith.constant 512 : i32
      %mul3A_370 = arith.muli %while3A_366, %mul3A_369 : i32
      %multiple_of3A_371 = tpu.assume_multiple %mul3A_370, 512 : i32
      %get3A_372 = arith.index_cast %multiple_of3A_371 : i32 to index
      %get3A_373 = arith.constant 0 : index
      %get3A_374 = vector.load %arg15[%get3A_372, %get3A_373] : memref<10240x256xf32, #tpu.memory_space<vmem>>, vector<512x256xf32>
      %mul3A_375 = arith.constant 512 : i32
      %mul3A_376 = arith.muli %while3A_366, %mul3A_375 : i32
      %add3A_377 = arith.addi %get3A_0, %mul3A_376 : i32
      %convert_element_type3A_378 = arith.sitofp %add3A_377 : i32 to f32
      %add3A_379 = vector.broadcast %convert_element_type3A_378 : f32 to vector<512x1xf32>
      %add3A_380 = arith.addf %add3A_379, %convert_element_type3A : vector<512x1xf32>
      %gt3A = vector.broadcast %while3A_194#0 : vector<1x256xf32> to vector<512x256xf32>
      %gt3A_381 = arith.cmpf ogt, %get3A_374, %gt3A : vector<512x256xf32>
      %eq3A = vector.broadcast %while3A_194#0 : vector<1x256xf32> to vector<512x256xf32>
      %eq3A_382 = arith.cmpf oeq, %get3A_374, %eq3A : vector<512x256xf32>
      %gt3A_383 = vector.broadcast %add3A_380 : vector<512x1xf32> to vector<512x256xf32>
      %gt3A_384 = vector.broadcast %while3A_194#1 : vector<1x256xf32> to vector<512x256xf32>
      %gt3A_385 = arith.cmpf ogt, %gt3A_383, %gt3A_384 : vector<512x256xf32>
      %and3A = arith.andi %eq3A_382, %gt3A_385 : vector<512x256xi1>
      %or3A = arith.ori %gt3A_381, %and3A : vector<512x256xi1>
      %jit3A = arith.constant 0x7F800000 : f32
      %broadcast_in_dim3A_386 = vector.broadcast %jit3A : f32 to vector<512x256xf32>
      %select_n3A = arith.select %or3A, %get3A_374, %broadcast_in_dim3A_386 : vector<512x256xi1>, vector<512x256xf32>
      %reduce_min3A = arith.constant dense<0x7F800000> : vector<256xf32>
      %reduce_min3A_387 = vector.multi_reduction <minimumf>, %select_n3A, %reduce_min3A [0] : vector<512x256xf32> to vector<256xf32>
      %broadcast_in_dim3A_388 = vector.shape_cast %reduce_min3A_387 : vector<256xf32> to vector<1x256xf32>
      %eq3A_389 = vector.broadcast %broadcast_in_dim3A_388 : vector<1x256xf32> to vector<512x256xf32>
      %eq3A_390 = arith.cmpf oeq, %select_n3A, %eq3A_389 : vector<512x256xf32>
      %jit3A_391 = arith.constant 1.000000e+09 : f32
      %broadcast_in_dim3A_392 = vector.shape_cast %add3A_380 : vector<512x1xf32> to vector<512x1xf32>
      %broadcast_in_dim3A_393 = vector.broadcast %broadcast_in_dim3A_392 : vector<512x1xf32> to vector<512x256xf32>
      %broadcast_in_dim3A_394 = vector.broadcast %jit3A_391 : f32 to vector<512x256xf32>
      %select_n3A_395 = arith.select %eq3A_390, %broadcast_in_dim3A_393, %broadcast_in_dim3A_394 : vector<512x256xi1>, vector<512x256xf32>
      %reduce_min3A_396 = arith.constant dense<0x7F800000> : vector<256xf32>
      %reduce_min3A_397 = vector.multi_reduction <minimumf>, %select_n3A_395, %reduce_min3A_396 [0] : vector<512x256xf32> to vector<256xf32>
      %broadcast_in_dim3A_398 = vector.shape_cast %reduce_min3A_397 : vector<256xf32> to vector<1x256xf32>
      %lt3A = arith.cmpf olt, %broadcast_in_dim3A_388, %while3A_367 : vector<1x256xf32>
      %eq3A_399 = arith.cmpf oeq, %broadcast_in_dim3A_388, %while3A_367 : vector<1x256xf32>
      %lt3A_400 = arith.cmpf olt, %broadcast_in_dim3A_398, %while3A_368 : vector<1x256xf32>
      %and3A_401 = arith.andi %eq3A_399, %lt3A_400 : vector<1x256xi1>
      %or3A_402 = arith.ori %lt3A, %and3A_401 : vector<1x256xi1>
      %select_n3A_403 = arith.select %or3A_402, %broadcast_in_dim3A_388, %while3A_367 : vector<1x256xi1>, vector<1x256xf32>
      %select_n3A_404 = arith.select %or3A_402, %broadcast_in_dim3A_398, %while3A_368 : vector<1x256xi1>, vector<1x256xf32>
      scf.yield %select_n3A_403, %select_n3A_404 : vector<1x256xf32>, vector<1x256xf32>
    }
    %broadcast_in_dim3A_210 = arith.constant 0x7F800000 : f32
    %broadcast_in_dim3A_211 = vector.broadcast %broadcast_in_dim3A_210 : f32 to vector<1x256xf32>
    %broadcast_in_dim3A_212 = arith.constant 1.000000e+09 : f32
    %broadcast_in_dim3A_213 = vector.broadcast %broadcast_in_dim3A_212 : f32 to vector<1x256xf32>
    %while3A_214 = arith.constant 0 : i32
    %while3A_215 = arith.subi %get3A_2, %while3A_214 : i32
    %while3A_216 = arith.addi %while3A_214, %while3A_215 : i32
    %while3A_217 = arith.constant 1 : i32
    %while3A_218 = arith.divsi %while3A_215, %while3A_217 : i32
    %while3A_219 = arith.muli %while3A_218, %while3A_217 : i32
    %while3A_220 = arith.addi %while3A_214, %while3A_219 : i32
    %while3A_221 = arith.constant 1 : i32
    %while3A_222:2 = scf.for %while3A_366 = %while3A_214 to %while3A_220 step %while3A_221 iter_args(%while3A_367 = %broadcast_in_dim3A_211, %while3A_368 = %broadcast_in_dim3A_213) -> (vector<1x256xf32>, vector<1x256xf32>)  : i32 {
      %mul3A_369 = arith.constant 512 : i32
      %mul3A_370 = arith.muli %while3A_366, %mul3A_369 : i32
      %multiple_of3A_371 = tpu.assume_multiple %mul3A_370, 512 : i32
      %get3A_372 = arith.index_cast %multiple_of3A_371 : i32 to index
      %get3A_373 = arith.constant 0 : index
      %get3A_374 = vector.load %arg15[%get3A_372, %get3A_373] : memref<10240x256xf32, #tpu.memory_space<vmem>>, vector<512x256xf32>
      %mul3A_375 = arith.constant 512 : i32
      %mul3A_376 = arith.muli %while3A_366, %mul3A_375 : i32
      %add3A_377 = arith.addi %get3A_0, %mul3A_376 : i32
      %convert_element_type3A_378 = arith.sitofp %add3A_377 : i32 to f32
      %add3A_379 = vector.broadcast %convert_element_type3A_378 : f32 to vector<512x1xf32>
      %add3A_380 = arith.addf %add3A_379, %convert_element_type3A : vector<512x1xf32>
      %gt3A = vector.broadcast %while3A_209#0 : vector<1x256xf32> to vector<512x256xf32>
      %gt3A_381 = arith.cmpf ogt, %get3A_374, %gt3A : vector<512x256xf32>
      %eq3A = vector.broadcast %while3A_209#0 : vector<1x256xf32> to vector<512x256xf32>
      %eq3A_382 = arith.cmpf oeq, %get3A_374, %eq3A : vector<512x256xf32>
      %gt3A_383 = vector.broadcast %add3A_380 : vector<512x1xf32> to vector<512x256xf32>
      %gt3A_384 = vector.broadcast %while3A_209#1 : vector<1x256xf32> to vector<512x256xf32>
      %gt3A_385 = arith.cmpf ogt, %gt3A_383, %gt3A_384 : vector<512x256xf32>
      %and3A = arith.andi %eq3A_382, %gt3A_385 : vector<512x256xi1>
      %or3A = arith.ori %gt3A_381, %and3A : vector<512x256xi1>
      %jit3A = arith.constant 0x7F800000 : f32
      %broadcast_in_dim3A_386 = vector.broadcast %jit3A : f32 to vector<512x256xf32>
      %select_n3A = arith.select %or3A, %get3A_374, %broadcast_in_dim3A_386 : vector<512x256xi1>, vector<512x256xf32>
      %reduce_min3A = arith.constant dense<0x7F800000> : vector<256xf32>
      %reduce_min3A_387 = vector.multi_reduction <minimumf>, %select_n3A, %reduce_min3A [0] : vector<512x256xf32> to vector<256xf32>
      %broadcast_in_dim3A_388 = vector.shape_cast %reduce_min3A_387 : vector<256xf32> to vector<1x256xf32>
      %eq3A_389 = vector.broadcast %broadcast_in_dim3A_388 : vector<1x256xf32> to vector<512x256xf32>
      %eq3A_390 = arith.cmpf oeq, %select_n3A, %eq3A_389 : vector<512x256xf32>
      %jit3A_391 = arith.constant 1.000000e+09 : f32
      %broadcast_in_dim3A_392 = vector.shape_cast %add3A_380 : vector<512x1xf32> to vector<512x1xf32>
      %broadcast_in_dim3A_393 = vector.broadcast %broadcast_in_dim3A_392 : vector<512x1xf32> to vector<512x256xf32>
      %broadcast_in_dim3A_394 = vector.broadcast %jit3A_391 : f32 to vector<512x256xf32>
      %select_n3A_395 = arith.select %eq3A_390, %broadcast_in_dim3A_393, %broadcast_in_dim3A_394 : vector<512x256xi1>, vector<512x256xf32>
      %reduce_min3A_396 = arith.constant dense<0x7F800000> : vector<256xf32>
      %reduce_min3A_397 = vector.multi_reduction <minimumf>, %select_n3A_395, %reduce_min3A_396 [0] : vector<512x256xf32> to vector<256xf32>
      %broadcast_in_dim3A_398 = vector.shape_cast %reduce_min3A_397 : vector<256xf32> to vector<1x256xf32>
      %lt3A = arith.cmpf olt, %broadcast_in_dim3A_388, %while3A_367 : vector<1x256xf32>
      %eq3A_399 = arith.cmpf oeq, %broadcast_in_dim3A_388, %while3A_367 : vector<1x256xf32>
      %lt3A_400 = arith.cmpf olt, %broadcast_in_dim3A_398, %while3A_368 : vector<1x256xf32>
      %and3A_401 = arith.andi %eq3A_399, %lt3A_400 : vector<1x256xi1>
      %or3A_402 = arith.ori %lt3A, %and3A_401 : vector<1x256xi1>
      %select_n3A_403 = arith.select %or3A_402, %broadcast_in_dim3A_388, %while3A_367 : vector<1x256xi1>, vector<1x256xf32>
      %select_n3A_404 = arith.select %or3A_402, %broadcast_in_dim3A_398, %while3A_368 : vector<1x256xi1>, vector<1x256xf32>
      scf.yield %select_n3A_403, %select_n3A_404 : vector<1x256xf32>, vector<1x256xf32>
    }
    %while3A_223 = arith.constant 1 : i32
    %while3A_224:2 = scf.for %while3A_366 = %while3A_220 to %while3A_216 step %while3A_223 iter_args(%while3A_367 = %while3A_222#0, %while3A_368 = %while3A_222#1) -> (vector<1x256xf32>, vector<1x256xf32>)  : i32 {
      %mul3A_369 = arith.constant 512 : i32
      %mul3A_370 = arith.muli %while3A_366, %mul3A_369 : i32
      %multiple_of3A_371 = tpu.assume_multiple %mul3A_370, 512 : i32
      %get3A_372 = arith.index_cast %multiple_of3A_371 : i32 to index
      %get3A_373 = arith.constant 0 : index
      %get3A_374 = vector.load %arg15[%get3A_372, %get3A_373] : memref<10240x256xf32, #tpu.memory_space<vmem>>, vector<512x256xf32>
      %mul3A_375 = arith.constant 512 : i32
      %mul3A_376 = arith.muli %while3A_366, %mul3A_375 : i32
      %add3A_377 = arith.addi %get3A_0, %mul3A_376 : i32
      %convert_element_type3A_378 = arith.sitofp %add3A_377 : i32 to f32
      %add3A_379 = vector.broadcast %convert_element_type3A_378 : f32 to vector<512x1xf32>
      %add3A_380 = arith.addf %add3A_379, %convert_element_type3A : vector<512x1xf32>
      %gt3A = vector.broadcast %while3A_209#0 : vector<1x256xf32> to vector<512x256xf32>
      %gt3A_381 = arith.cmpf ogt, %get3A_374, %gt3A : vector<512x256xf32>
      %eq3A = vector.broadcast %while3A_209#0 : vector<1x256xf32> to vector<512x256xf32>
      %eq3A_382 = arith.cmpf oeq, %get3A_374, %eq3A : vector<512x256xf32>
      %gt3A_383 = vector.broadcast %add3A_380 : vector<512x1xf32> to vector<512x256xf32>
      %gt3A_384 = vector.broadcast %while3A_209#1 : vector<1x256xf32> to vector<512x256xf32>
      %gt3A_385 = arith.cmpf ogt, %gt3A_383, %gt3A_384 : vector<512x256xf32>
      %and3A = arith.andi %eq3A_382, %gt3A_385 : vector<512x256xi1>
      %or3A = arith.ori %gt3A_381, %and3A : vector<512x256xi1>
      %jit3A = arith.constant 0x7F800000 : f32
      %broadcast_in_dim3A_386 = vector.broadcast %jit3A : f32 to vector<512x256xf32>
      %select_n3A = arith.select %or3A, %get3A_374, %broadcast_in_dim3A_386 : vector<512x256xi1>, vector<512x256xf32>
      %reduce_min3A = arith.constant dense<0x7F800000> : vector<256xf32>
      %reduce_min3A_387 = vector.multi_reduction <minimumf>, %select_n3A, %reduce_min3A [0] : vector<512x256xf32> to vector<256xf32>
      %broadcast_in_dim3A_388 = vector.shape_cast %reduce_min3A_387 : vector<256xf32> to vector<1x256xf32>
      %eq3A_389 = vector.broadcast %broadcast_in_dim3A_388 : vector<1x256xf32> to vector<512x256xf32>
      %eq3A_390 = arith.cmpf oeq, %select_n3A, %eq3A_389 : vector<512x256xf32>
      %jit3A_391 = arith.constant 1.000000e+09 : f32
      %broadcast_in_dim3A_392 = vector.shape_cast %add3A_380 : vector<512x1xf32> to vector<512x1xf32>
      %broadcast_in_dim3A_393 = vector.broadcast %broadcast_in_dim3A_392 : vector<512x1xf32> to vector<512x256xf32>
      %broadcast_in_dim3A_394 = vector.broadcast %jit3A_391 : f32 to vector<512x256xf32>
      %select_n3A_395 = arith.select %eq3A_390, %broadcast_in_dim3A_393, %broadcast_in_dim3A_394 : vector<512x256xi1>, vector<512x256xf32>
      %reduce_min3A_396 = arith.constant dense<0x7F800000> : vector<256xf32>
      %reduce_min3A_397 = vector.multi_reduction <minimumf>, %select_n3A_395, %reduce_min3A_396 [0] : vector<512x256xf32> to vector<256xf32>
      %broadcast_in_dim3A_398 = vector.shape_cast %reduce_min3A_397 : vector<256xf32> to vector<1x256xf32>
      %lt3A = arith.cmpf olt, %broadcast_in_dim3A_388, %while3A_367 : vector<1x256xf32>
      %eq3A_399 = arith.cmpf oeq, %broadcast_in_dim3A_388, %while3A_367 : vector<1x256xf32>
      %lt3A_400 = arith.cmpf olt, %broadcast_in_dim3A_398, %while3A_368 : vector<1x256xf32>
      %and3A_401 = arith.andi %eq3A_399, %lt3A_400 : vector<1x256xi1>
      %or3A_402 = arith.ori %lt3A, %and3A_401 : vector<1x256xi1>
      %select_n3A_403 = arith.select %or3A_402, %broadcast_in_dim3A_388, %while3A_367 : vector<1x256xi1>, vector<1x256xf32>
      %select_n3A_404 = arith.select %or3A_402, %broadcast_in_dim3A_398, %while3A_368 : vector<1x256xi1>, vector<1x256xf32>
      scf.yield %select_n3A_403, %select_n3A_404 : vector<1x256xf32>, vector<1x256xf32>
    }
    %broadcast_in_dim3A_225 = arith.constant 0x7F800000 : f32
    %broadcast_in_dim3A_226 = vector.broadcast %broadcast_in_dim3A_225 : f32 to vector<1x256xf32>
    %broadcast_in_dim3A_227 = arith.constant 1.000000e+09 : f32
    %broadcast_in_dim3A_228 = vector.broadcast %broadcast_in_dim3A_227 : f32 to vector<1x256xf32>
    %while3A_229 = arith.constant 0 : i32
    %while3A_230 = arith.subi %get3A_2, %while3A_229 : i32
    %while3A_231 = arith.addi %while3A_229, %while3A_230 : i32
    %while3A_232 = arith.constant 1 : i32
    %while3A_233 = arith.divsi %while3A_230, %while3A_232 : i32
    %while3A_234 = arith.muli %while3A_233, %while3A_232 : i32
    %while3A_235 = arith.addi %while3A_229, %while3A_234 : i32
    %while3A_236 = arith.constant 1 : i32
    %while3A_237:2 = scf.for %while3A_366 = %while3A_229 to %while3A_235 step %while3A_236 iter_args(%while3A_367 = %broadcast_in_dim3A_226, %while3A_368 = %broadcast_in_dim3A_228) -> (vector<1x256xf32>, vector<1x256xf32>)  : i32 {
      %mul3A_369 = arith.constant 512 : i32
      %mul3A_370 = arith.muli %while3A_366, %mul3A_369 : i32
      %multiple_of3A_371 = tpu.assume_multiple %mul3A_370, 512 : i32
      %get3A_372 = arith.index_cast %multiple_of3A_371 : i32 to index
      %get3A_373 = arith.constant 0 : index
      %get3A_374 = vector.load %arg15[%get3A_372, %get3A_373] : memref<10240x256xf32, #tpu.memory_space<vmem>>, vector<512x256xf32>
      %mul3A_375 = arith.constant 512 : i32
      %mul3A_376 = arith.muli %while3A_366, %mul3A_375 : i32
      %add3A_377 = arith.addi %get3A_0, %mul3A_376 : i32
      %convert_element_type3A_378 = arith.sitofp %add3A_377 : i32 to f32
      %add3A_379 = vector.broadcast %convert_element_type3A_378 : f32 to vector<512x1xf32>
      %add3A_380 = arith.addf %add3A_379, %convert_element_type3A : vector<512x1xf32>
      %gt3A = vector.broadcast %while3A_224#0 : vector<1x256xf32> to vector<512x256xf32>
      %gt3A_381 = arith.cmpf ogt, %get3A_374, %gt3A : vector<512x256xf32>
      %eq3A = vector.broadcast %while3A_224#0 : vector<1x256xf32> to vector<512x256xf32>
      %eq3A_382 = arith.cmpf oeq, %get3A_374, %eq3A : vector<512x256xf32>
      %gt3A_383 = vector.broadcast %add3A_380 : vector<512x1xf32> to vector<512x256xf32>
      %gt3A_384 = vector.broadcast %while3A_224#1 : vector<1x256xf32> to vector<512x256xf32>
      %gt3A_385 = arith.cmpf ogt, %gt3A_383, %gt3A_384 : vector<512x256xf32>
      %and3A = arith.andi %eq3A_382, %gt3A_385 : vector<512x256xi1>
      %or3A = arith.ori %gt3A_381, %and3A : vector<512x256xi1>
      %jit3A = arith.constant 0x7F800000 : f32
      %broadcast_in_dim3A_386 = vector.broadcast %jit3A : f32 to vector<512x256xf32>
      %select_n3A = arith.select %or3A, %get3A_374, %broadcast_in_dim3A_386 : vector<512x256xi1>, vector<512x256xf32>
      %reduce_min3A = arith.constant dense<0x7F800000> : vector<256xf32>
      %reduce_min3A_387 = vector.multi_reduction <minimumf>, %select_n3A, %reduce_min3A [0] : vector<512x256xf32> to vector<256xf32>
      %broadcast_in_dim3A_388 = vector.shape_cast %reduce_min3A_387 : vector<256xf32> to vector<1x256xf32>
      %eq3A_389 = vector.broadcast %broadcast_in_dim3A_388 : vector<1x256xf32> to vector<512x256xf32>
      %eq3A_390 = arith.cmpf oeq, %select_n3A, %eq3A_389 : vector<512x256xf32>
      %jit3A_391 = arith.constant 1.000000e+09 : f32
      %broadcast_in_dim3A_392 = vector.shape_cast %add3A_380 : vector<512x1xf32> to vector<512x1xf32>
      %broadcast_in_dim3A_393 = vector.broadcast %broadcast_in_dim3A_392 : vector<512x1xf32> to vector<512x256xf32>
      %broadcast_in_dim3A_394 = vector.broadcast %jit3A_391 : f32 to vector<512x256xf32>
      %select_n3A_395 = arith.select %eq3A_390, %broadcast_in_dim3A_393, %broadcast_in_dim3A_394 : vector<512x256xi1>, vector<512x256xf32>
      %reduce_min3A_396 = arith.constant dense<0x7F800000> : vector<256xf32>
      %reduce_min3A_397 = vector.multi_reduction <minimumf>, %select_n3A_395, %reduce_min3A_396 [0] : vector<512x256xf32> to vector<256xf32>
      %broadcast_in_dim3A_398 = vector.shape_cast %reduce_min3A_397 : vector<256xf32> to vector<1x256xf32>
      %lt3A = arith.cmpf olt, %broadcast_in_dim3A_388, %while3A_367 : vector<1x256xf32>
      %eq3A_399 = arith.cmpf oeq, %broadcast_in_dim3A_388, %while3A_367 : vector<1x256xf32>
      %lt3A_400 = arith.cmpf olt, %broadcast_in_dim3A_398, %while3A_368 : vector<1x256xf32>
      %and3A_401 = arith.andi %eq3A_399, %lt3A_400 : vector<1x256xi1>
      %or3A_402 = arith.ori %lt3A, %and3A_401 : vector<1x256xi1>
      %select_n3A_403 = arith.select %or3A_402, %broadcast_in_dim3A_388, %while3A_367 : vector<1x256xi1>, vector<1x256xf32>
      %select_n3A_404 = arith.select %or3A_402, %broadcast_in_dim3A_398, %while3A_368 : vector<1x256xi1>, vector<1x256xf32>
      scf.yield %select_n3A_403, %select_n3A_404 : vector<1x256xf32>, vector<1x256xf32>
    }
    %while3A_238 = arith.constant 1 : i32
    %while3A_239:2 = scf.for %while3A_366 = %while3A_235 to %while3A_231 step %while3A_238 iter_args(%while3A_367 = %while3A_237#0, %while3A_368 = %while3A_237#1) -> (vector<1x256xf32>, vector<1x256xf32>)  : i32 {
      %mul3A_369 = arith.constant 512 : i32
      %mul3A_370 = arith.muli %while3A_366, %mul3A_369 : i32
      %multiple_of3A_371 = tpu.assume_multiple %mul3A_370, 512 : i32
      %get3A_372 = arith.index_cast %multiple_of3A_371 : i32 to index
      %get3A_373 = arith.constant 0 : index
      %get3A_374 = vector.load %arg15[%get3A_372, %get3A_373] : memref<10240x256xf32, #tpu.memory_space<vmem>>, vector<512x256xf32>
      %mul3A_375 = arith.constant 512 : i32
      %mul3A_376 = arith.muli %while3A_366, %mul3A_375 : i32
      %add3A_377 = arith.addi %get3A_0, %mul3A_376 : i32
      %convert_element_type3A_378 = arith.sitofp %add3A_377 : i32 to f32
      %add3A_379 = vector.broadcast %convert_element_type3A_378 : f32 to vector<512x1xf32>
      %add3A_380 = arith.addf %add3A_379, %convert_element_type3A : vector<512x1xf32>
      %gt3A = vector.broadcast %while3A_224#0 : vector<1x256xf32> to vector<512x256xf32>
      %gt3A_381 = arith.cmpf ogt, %get3A_374, %gt3A : vector<512x256xf32>
      %eq3A = vector.broadcast %while3A_224#0 : vector<1x256xf32> to vector<512x256xf32>
      %eq3A_382 = arith.cmpf oeq, %get3A_374, %eq3A : vector<512x256xf32>
      %gt3A_383 = vector.broadcast %add3A_380 : vector<512x1xf32> to vector<512x256xf32>
      %gt3A_384 = vector.broadcast %while3A_224#1 : vector<1x256xf32> to vector<512x256xf32>
      %gt3A_385 = arith.cmpf ogt, %gt3A_383, %gt3A_384 : vector<512x256xf32>
      %and3A = arith.andi %eq3A_382, %gt3A_385 : vector<512x256xi1>
      %or3A = arith.ori %gt3A_381, %and3A : vector<512x256xi1>
      %jit3A = arith.constant 0x7F800000 : f32
      %broadcast_in_dim3A_386 = vector.broadcast %jit3A : f32 to vector<512x256xf32>
      %select_n3A = arith.select %or3A, %get3A_374, %broadcast_in_dim3A_386 : vector<512x256xi1>, vector<512x256xf32>
      %reduce_min3A = arith.constant dense<0x7F800000> : vector<256xf32>
      %reduce_min3A_387 = vector.multi_reduction <minimumf>, %select_n3A, %reduce_min3A [0] : vector<512x256xf32> to vector<256xf32>
      %broadcast_in_dim3A_388 = vector.shape_cast %reduce_min3A_387 : vector<256xf32> to vector<1x256xf32>
      %eq3A_389 = vector.broadcast %broadcast_in_dim3A_388 : vector<1x256xf32> to vector<512x256xf32>
      %eq3A_390 = arith.cmpf oeq, %select_n3A, %eq3A_389 : vector<512x256xf32>
      %jit3A_391 = arith.constant 1.000000e+09 : f32
      %broadcast_in_dim3A_392 = vector.shape_cast %add3A_380 : vector<512x1xf32> to vector<512x1xf32>
      %broadcast_in_dim3A_393 = vector.broadcast %broadcast_in_dim3A_392 : vector<512x1xf32> to vector<512x256xf32>
      %broadcast_in_dim3A_394 = vector.broadcast %jit3A_391 : f32 to vector<512x256xf32>
      %select_n3A_395 = arith.select %eq3A_390, %broadcast_in_dim3A_393, %broadcast_in_dim3A_394 : vector<512x256xi1>, vector<512x256xf32>
      %reduce_min3A_396 = arith.constant dense<0x7F800000> : vector<256xf32>
      %reduce_min3A_397 = vector.multi_reduction <minimumf>, %select_n3A_395, %reduce_min3A_396 [0] : vector<512x256xf32> to vector<256xf32>
      %broadcast_in_dim3A_398 = vector.shape_cast %reduce_min3A_397 : vector<256xf32> to vector<1x256xf32>
      %lt3A = arith.cmpf olt, %broadcast_in_dim3A_388, %while3A_367 : vector<1x256xf32>
      %eq3A_399 = arith.cmpf oeq, %broadcast_in_dim3A_388, %while3A_367 : vector<1x256xf32>
      %lt3A_400 = arith.cmpf olt, %broadcast_in_dim3A_398, %while3A_368 : vector<1x256xf32>
      %and3A_401 = arith.andi %eq3A_399, %lt3A_400 : vector<1x256xi1>
      %or3A_402 = arith.ori %lt3A, %and3A_401 : vector<1x256xi1>
      %select_n3A_403 = arith.select %or3A_402, %broadcast_in_dim3A_388, %while3A_367 : vector<1x256xi1>, vector<1x256xf32>
      %select_n3A_404 = arith.select %or3A_402, %broadcast_in_dim3A_398, %while3A_368 : vector<1x256xi1>, vector<1x256xf32>
      scf.yield %select_n3A_403, %select_n3A_404 : vector<1x256xf32>, vector<1x256xf32>
    }
    %broadcast_in_dim3A_240 = arith.constant 0x7F800000 : f32
    %broadcast_in_dim3A_241 = vector.broadcast %broadcast_in_dim3A_240 : f32 to vector<1x256xf32>
    %broadcast_in_dim3A_242 = arith.constant 1.000000e+09 : f32
    %broadcast_in_dim3A_243 = vector.broadcast %broadcast_in_dim3A_242 : f32 to vector<1x256xf32>
    %while3A_244 = arith.constant 0 : i32
    %while3A_245 = arith.subi %get3A_2, %while3A_244 : i32
    %while3A_246 = arith.addi %while3A_244, %while3A_245 : i32
    %while3A_247 = arith.constant 1 : i32
    %while3A_248 = arith.divsi %while3A_245, %while3A_247 : i32
    %while3A_249 = arith.muli %while3A_248, %while3A_247 : i32
    %while3A_250 = arith.addi %while3A_244, %while3A_249 : i32
    %while3A_251 = arith.constant 1 : i32
    %while3A_252:2 = scf.for %while3A_366 = %while3A_244 to %while3A_250 step %while3A_251 iter_args(%while3A_367 = %broadcast_in_dim3A_241, %while3A_368 = %broadcast_in_dim3A_243) -> (vector<1x256xf32>, vector<1x256xf32>)  : i32 {
      %mul3A_369 = arith.constant 512 : i32
      %mul3A_370 = arith.muli %while3A_366, %mul3A_369 : i32
      %multiple_of3A_371 = tpu.assume_multiple %mul3A_370, 512 : i32
      %get3A_372 = arith.index_cast %multiple_of3A_371 : i32 to index
      %get3A_373 = arith.constant 0 : index
      %get3A_374 = vector.load %arg15[%get3A_372, %get3A_373] : memref<10240x256xf32, #tpu.memory_space<vmem>>, vector<512x256xf32>
      %mul3A_375 = arith.constant 512 : i32
      %mul3A_376 = arith.muli %while3A_366, %mul3A_375 : i32
      %add3A_377 = arith.addi %get3A_0, %mul3A_376 : i32
      %convert_element_type3A_378 = arith.sitofp %add3A_377 : i32 to f32
      %add3A_379 = vector.broadcast %convert_element_type3A_378 : f32 to vector<512x1xf32>
      %add3A_380 = arith.addf %add3A_379, %convert_element_type3A : vector<512x1xf32>
      %gt3A = vector.broadcast %while3A_239#0 : vector<1x256xf32> to vector<512x256xf32>
      %gt3A_381 = arith.cmpf ogt, %get3A_374, %gt3A : vector<512x256xf32>
      %eq3A = vector.broadcast %while3A_239#0 : vector<1x256xf32> to vector<512x256xf32>
      %eq3A_382 = arith.cmpf oeq, %get3A_374, %eq3A : vector<512x256xf32>
      %gt3A_383 = vector.broadcast %add3A_380 : vector<512x1xf32> to vector<512x256xf32>
      %gt3A_384 = vector.broadcast %while3A_239#1 : vector<1x256xf32> to vector<512x256xf32>
      %gt3A_385 = arith.cmpf ogt, %gt3A_383, %gt3A_384 : vector<512x256xf32>
      %and3A = arith.andi %eq3A_382, %gt3A_385 : vector<512x256xi1>
      %or3A = arith.ori %gt3A_381, %and3A : vector<512x256xi1>
      %jit3A = arith.constant 0x7F800000 : f32
      %broadcast_in_dim3A_386 = vector.broadcast %jit3A : f32 to vector<512x256xf32>
      %select_n3A = arith.select %or3A, %get3A_374, %broadcast_in_dim3A_386 : vector<512x256xi1>, vector<512x256xf32>
      %reduce_min3A = arith.constant dense<0x7F800000> : vector<256xf32>
      %reduce_min3A_387 = vector.multi_reduction <minimumf>, %select_n3A, %reduce_min3A [0] : vector<512x256xf32> to vector<256xf32>
      %broadcast_in_dim3A_388 = vector.shape_cast %reduce_min3A_387 : vector<256xf32> to vector<1x256xf32>
      %eq3A_389 = vector.broadcast %broadcast_in_dim3A_388 : vector<1x256xf32> to vector<512x256xf32>
      %eq3A_390 = arith.cmpf oeq, %select_n3A, %eq3A_389 : vector<512x256xf32>
      %jit3A_391 = arith.constant 1.000000e+09 : f32
      %broadcast_in_dim3A_392 = vector.shape_cast %add3A_380 : vector<512x1xf32> to vector<512x1xf32>
      %broadcast_in_dim3A_393 = vector.broadcast %broadcast_in_dim3A_392 : vector<512x1xf32> to vector<512x256xf32>
      %broadcast_in_dim3A_394 = vector.broadcast %jit3A_391 : f32 to vector<512x256xf32>
      %select_n3A_395 = arith.select %eq3A_390, %broadcast_in_dim3A_393, %broadcast_in_dim3A_394 : vector<512x256xi1>, vector<512x256xf32>
      %reduce_min3A_396 = arith.constant dense<0x7F800000> : vector<256xf32>
      %reduce_min3A_397 = vector.multi_reduction <minimumf>, %select_n3A_395, %reduce_min3A_396 [0] : vector<512x256xf32> to vector<256xf32>
      %broadcast_in_dim3A_398 = vector.shape_cast %reduce_min3A_397 : vector<256xf32> to vector<1x256xf32>
      %lt3A = arith.cmpf olt, %broadcast_in_dim3A_388, %while3A_367 : vector<1x256xf32>
      %eq3A_399 = arith.cmpf oeq, %broadcast_in_dim3A_388, %while3A_367 : vector<1x256xf32>
      %lt3A_400 = arith.cmpf olt, %broadcast_in_dim3A_398, %while3A_368 : vector<1x256xf32>
      %and3A_401 = arith.andi %eq3A_399, %lt3A_400 : vector<1x256xi1>
      %or3A_402 = arith.ori %lt3A, %and3A_401 : vector<1x256xi1>
      %select_n3A_403 = arith.select %or3A_402, %broadcast_in_dim3A_388, %while3A_367 : vector<1x256xi1>, vector<1x256xf32>
      %select_n3A_404 = arith.select %or3A_402, %broadcast_in_dim3A_398, %while3A_368 : vector<1x256xi1>, vector<1x256xf32>
      scf.yield %select_n3A_403, %select_n3A_404 : vector<1x256xf32>, vector<1x256xf32>
    }
    %while3A_253 = arith.constant 1 : i32
    %while3A_254:2 = scf.for %while3A_366 = %while3A_250 to %while3A_246 step %while3A_253 iter_args(%while3A_367 = %while3A_252#0, %while3A_368 = %while3A_252#1) -> (vector<1x256xf32>, vector<1x256xf32>)  : i32 {
      %mul3A_369 = arith.constant 512 : i32
      %mul3A_370 = arith.muli %while3A_366, %mul3A_369 : i32
      %multiple_of3A_371 = tpu.assume_multiple %mul3A_370, 512 : i32
      %get3A_372 = arith.index_cast %multiple_of3A_371 : i32 to index
      %get3A_373 = arith.constant 0 : index
      %get3A_374 = vector.load %arg15[%get3A_372, %get3A_373] : memref<10240x256xf32, #tpu.memory_space<vmem>>, vector<512x256xf32>
      %mul3A_375 = arith.constant 512 : i32
      %mul3A_376 = arith.muli %while3A_366, %mul3A_375 : i32
      %add3A_377 = arith.addi %get3A_0, %mul3A_376 : i32
      %convert_element_type3A_378 = arith.sitofp %add3A_377 : i32 to f32
      %add3A_379 = vector.broadcast %convert_element_type3A_378 : f32 to vector<512x1xf32>
      %add3A_380 = arith.addf %add3A_379, %convert_element_type3A : vector<512x1xf32>
      %gt3A = vector.broadcast %while3A_239#0 : vector<1x256xf32> to vector<512x256xf32>
      %gt3A_381 = arith.cmpf ogt, %get3A_374, %gt3A : vector<512x256xf32>
      %eq3A = vector.broadcast %while3A_239#0 : vector<1x256xf32> to vector<512x256xf32>
      %eq3A_382 = arith.cmpf oeq, %get3A_374, %eq3A : vector<512x256xf32>
      %gt3A_383 = vector.broadcast %add3A_380 : vector<512x1xf32> to vector<512x256xf32>
      %gt3A_384 = vector.broadcast %while3A_239#1 : vector<1x256xf32> to vector<512x256xf32>
      %gt3A_385 = arith.cmpf ogt, %gt3A_383, %gt3A_384 : vector<512x256xf32>
      %and3A = arith.andi %eq3A_382, %gt3A_385 : vector<512x256xi1>
      %or3A = arith.ori %gt3A_381, %and3A : vector<512x256xi1>
      %jit3A = arith.constant 0x7F800000 : f32
      %broadcast_in_dim3A_386 = vector.broadcast %jit3A : f32 to vector<512x256xf32>
      %select_n3A = arith.select %or3A, %get3A_374, %broadcast_in_dim3A_386 : vector<512x256xi1>, vector<512x256xf32>
      %reduce_min3A = arith.constant dense<0x7F800000> : vector<256xf32>
      %reduce_min3A_387 = vector.multi_reduction <minimumf>, %select_n3A, %reduce_min3A [0] : vector<512x256xf32> to vector<256xf32>
      %broadcast_in_dim3A_388 = vector.shape_cast %reduce_min3A_387 : vector<256xf32> to vector<1x256xf32>
      %eq3A_389 = vector.broadcast %broadcast_in_dim3A_388 : vector<1x256xf32> to vector<512x256xf32>
      %eq3A_390 = arith.cmpf oeq, %select_n3A, %eq3A_389 : vector<512x256xf32>
      %jit3A_391 = arith.constant 1.000000e+09 : f32
      %broadcast_in_dim3A_392 = vector.shape_cast %add3A_380 : vector<512x1xf32> to vector<512x1xf32>
      %broadcast_in_dim3A_393 = vector.broadcast %broadcast_in_dim3A_392 : vector<512x1xf32> to vector<512x256xf32>
      %broadcast_in_dim3A_394 = vector.broadcast %jit3A_391 : f32 to vector<512x256xf32>
      %select_n3A_395 = arith.select %eq3A_390, %broadcast_in_dim3A_393, %broadcast_in_dim3A_394 : vector<512x256xi1>, vector<512x256xf32>
      %reduce_min3A_396 = arith.constant dense<0x7F800000> : vector<256xf32>
      %reduce_min3A_397 = vector.multi_reduction <minimumf>, %select_n3A_395, %reduce_min3A_396 [0] : vector<512x256xf32> to vector<256xf32>
      %broadcast_in_dim3A_398 = vector.shape_cast %reduce_min3A_397 : vector<256xf32> to vector<1x256xf32>
      %lt3A = arith.cmpf olt, %broadcast_in_dim3A_388, %while3A_367 : vector<1x256xf32>
      %eq3A_399 = arith.cmpf oeq, %broadcast_in_dim3A_388, %while3A_367 : vector<1x256xf32>
      %lt3A_400 = arith.cmpf olt, %broadcast_in_dim3A_398, %while3A_368 : vector<1x256xf32>
      %and3A_401 = arith.andi %eq3A_399, %lt3A_400 : vector<1x256xi1>
      %or3A_402 = arith.ori %lt3A, %and3A_401 : vector<1x256xi1>
      %select_n3A_403 = arith.select %or3A_402, %broadcast_in_dim3A_388, %while3A_367 : vector<1x256xi1>, vector<1x256xf32>
      %select_n3A_404 = arith.select %or3A_402, %broadcast_in_dim3A_398, %while3A_368 : vector<1x256xi1>, vector<1x256xf32>
      scf.yield %select_n3A_403, %select_n3A_404 : vector<1x256xf32>, vector<1x256xf32>
    }
    %broadcast_in_dim3A_255 = arith.constant 0x7F800000 : f32
    %broadcast_in_dim3A_256 = vector.broadcast %broadcast_in_dim3A_255 : f32 to vector<1x256xf32>
    %broadcast_in_dim3A_257 = arith.constant 1.000000e+09 : f32
    %broadcast_in_dim3A_258 = vector.broadcast %broadcast_in_dim3A_257 : f32 to vector<1x256xf32>
    %while3A_259 = arith.constant 0 : i32
    %while3A_260 = arith.subi %get3A_2, %while3A_259 : i32
    %while3A_261 = arith.addi %while3A_259, %while3A_260 : i32
    %while3A_262 = arith.constant 1 : i32
    %while3A_263 = arith.divsi %while3A_260, %while3A_262 : i32
    %while3A_264 = arith.muli %while3A_263, %while3A_262 : i32
    %while3A_265 = arith.addi %while3A_259, %while3A_264 : i32
    %while3A_266 = arith.constant 1 : i32
    %while3A_267:2 = scf.for %while3A_366 = %while3A_259 to %while3A_265 step %while3A_266 iter_args(%while3A_367 = %broadcast_in_dim3A_256, %while3A_368 = %broadcast_in_dim3A_258) -> (vector<1x256xf32>, vector<1x256xf32>)  : i32 {
      %mul3A_369 = arith.constant 512 : i32
      %mul3A_370 = arith.muli %while3A_366, %mul3A_369 : i32
      %multiple_of3A_371 = tpu.assume_multiple %mul3A_370, 512 : i32
      %get3A_372 = arith.index_cast %multiple_of3A_371 : i32 to index
      %get3A_373 = arith.constant 0 : index
      %get3A_374 = vector.load %arg15[%get3A_372, %get3A_373] : memref<10240x256xf32, #tpu.memory_space<vmem>>, vector<512x256xf32>
      %mul3A_375 = arith.constant 512 : i32
      %mul3A_376 = arith.muli %while3A_366, %mul3A_375 : i32
      %add3A_377 = arith.addi %get3A_0, %mul3A_376 : i32
      %convert_element_type3A_378 = arith.sitofp %add3A_377 : i32 to f32
      %add3A_379 = vector.broadcast %convert_element_type3A_378 : f32 to vector<512x1xf32>
      %add3A_380 = arith.addf %add3A_379, %convert_element_type3A : vector<512x1xf32>
      %gt3A = vector.broadcast %while3A_254#0 : vector<1x256xf32> to vector<512x256xf32>
      %gt3A_381 = arith.cmpf ogt, %get3A_374, %gt3A : vector<512x256xf32>
      %eq3A = vector.broadcast %while3A_254#0 : vector<1x256xf32> to vector<512x256xf32>
      %eq3A_382 = arith.cmpf oeq, %get3A_374, %eq3A : vector<512x256xf32>
      %gt3A_383 = vector.broadcast %add3A_380 : vector<512x1xf32> to vector<512x256xf32>
      %gt3A_384 = vector.broadcast %while3A_254#1 : vector<1x256xf32> to vector<512x256xf32>
      %gt3A_385 = arith.cmpf ogt, %gt3A_383, %gt3A_384 : vector<512x256xf32>
      %and3A = arith.andi %eq3A_382, %gt3A_385 : vector<512x256xi1>
      %or3A = arith.ori %gt3A_381, %and3A : vector<512x256xi1>
      %jit3A = arith.constant 0x7F800000 : f32
      %broadcast_in_dim3A_386 = vector.broadcast %jit3A : f32 to vector<512x256xf32>
      %select_n3A = arith.select %or3A, %get3A_374, %broadcast_in_dim3A_386 : vector<512x256xi1>, vector<512x256xf32>
      %reduce_min3A = arith.constant dense<0x7F800000> : vector<256xf32>
      %reduce_min3A_387 = vector.multi_reduction <minimumf>, %select_n3A, %reduce_min3A [0] : vector<512x256xf32> to vector<256xf32>
      %broadcast_in_dim3A_388 = vector.shape_cast %reduce_min3A_387 : vector<256xf32> to vector<1x256xf32>
      %eq3A_389 = vector.broadcast %broadcast_in_dim3A_388 : vector<1x256xf32> to vector<512x256xf32>
      %eq3A_390 = arith.cmpf oeq, %select_n3A, %eq3A_389 : vector<512x256xf32>
      %jit3A_391 = arith.constant 1.000000e+09 : f32
      %broadcast_in_dim3A_392 = vector.shape_cast %add3A_380 : vector<512x1xf32> to vector<512x1xf32>
      %broadcast_in_dim3A_393 = vector.broadcast %broadcast_in_dim3A_392 : vector<512x1xf32> to vector<512x256xf32>
      %broadcast_in_dim3A_394 = vector.broadcast %jit3A_391 : f32 to vector<512x256xf32>
      %select_n3A_395 = arith.select %eq3A_390, %broadcast_in_dim3A_393, %broadcast_in_dim3A_394 : vector<512x256xi1>, vector<512x256xf32>
      %reduce_min3A_396 = arith.constant dense<0x7F800000> : vector<256xf32>
      %reduce_min3A_397 = vector.multi_reduction <minimumf>, %select_n3A_395, %reduce_min3A_396 [0] : vector<512x256xf32> to vector<256xf32>
      %broadcast_in_dim3A_398 = vector.shape_cast %reduce_min3A_397 : vector<256xf32> to vector<1x256xf32>
      %lt3A = arith.cmpf olt, %broadcast_in_dim3A_388, %while3A_367 : vector<1x256xf32>
      %eq3A_399 = arith.cmpf oeq, %broadcast_in_dim3A_388, %while3A_367 : vector<1x256xf32>
      %lt3A_400 = arith.cmpf olt, %broadcast_in_dim3A_398, %while3A_368 : vector<1x256xf32>
      %and3A_401 = arith.andi %eq3A_399, %lt3A_400 : vector<1x256xi1>
      %or3A_402 = arith.ori %lt3A, %and3A_401 : vector<1x256xi1>
      %select_n3A_403 = arith.select %or3A_402, %broadcast_in_dim3A_388, %while3A_367 : vector<1x256xi1>, vector<1x256xf32>
      %select_n3A_404 = arith.select %or3A_402, %broadcast_in_dim3A_398, %while3A_368 : vector<1x256xi1>, vector<1x256xf32>
      scf.yield %select_n3A_403, %select_n3A_404 : vector<1x256xf32>, vector<1x256xf32>
    }
    %while3A_268 = arith.constant 1 : i32
    %while3A_269:2 = scf.for %while3A_366 = %while3A_265 to %while3A_261 step %while3A_268 iter_args(%while3A_367 = %while3A_267#0, %while3A_368 = %while3A_267#1) -> (vector<1x256xf32>, vector<1x256xf32>)  : i32 {
      %mul3A_369 = arith.constant 512 : i32
      %mul3A_370 = arith.muli %while3A_366, %mul3A_369 : i32
      %multiple_of3A_371 = tpu.assume_multiple %mul3A_370, 512 : i32
      %get3A_372 = arith.index_cast %multiple_of3A_371 : i32 to index
      %get3A_373 = arith.constant 0 : index
      %get3A_374 = vector.load %arg15[%get3A_372, %get3A_373] : memref<10240x256xf32, #tpu.memory_space<vmem>>, vector<512x256xf32>
      %mul3A_375 = arith.constant 512 : i32
      %mul3A_376 = arith.muli %while3A_366, %mul3A_375 : i32
      %add3A_377 = arith.addi %get3A_0, %mul3A_376 : i32
      %convert_element_type3A_378 = arith.sitofp %add3A_377 : i32 to f32
      %add3A_379 = vector.broadcast %convert_element_type3A_378 : f32 to vector<512x1xf32>
      %add3A_380 = arith.addf %add3A_379, %convert_element_type3A : vector<512x1xf32>
      %gt3A = vector.broadcast %while3A_254#0 : vector<1x256xf32> to vector<512x256xf32>
      %gt3A_381 = arith.cmpf ogt, %get3A_374, %gt3A : vector<512x256xf32>
      %eq3A = vector.broadcast %while3A_254#0 : vector<1x256xf32> to vector<512x256xf32>
      %eq3A_382 = arith.cmpf oeq, %get3A_374, %eq3A : vector<512x256xf32>
      %gt3A_383 = vector.broadcast %add3A_380 : vector<512x1xf32> to vector<512x256xf32>
      %gt3A_384 = vector.broadcast %while3A_254#1 : vector<1x256xf32> to vector<512x256xf32>
      %gt3A_385 = arith.cmpf ogt, %gt3A_383, %gt3A_384 : vector<512x256xf32>
      %and3A = arith.andi %eq3A_382, %gt3A_385 : vector<512x256xi1>
      %or3A = arith.ori %gt3A_381, %and3A : vector<512x256xi1>
      %jit3A = arith.constant 0x7F800000 : f32
      %broadcast_in_dim3A_386 = vector.broadcast %jit3A : f32 to vector<512x256xf32>
      %select_n3A = arith.select %or3A, %get3A_374, %broadcast_in_dim3A_386 : vector<512x256xi1>, vector<512x256xf32>
      %reduce_min3A = arith.constant dense<0x7F800000> : vector<256xf32>
      %reduce_min3A_387 = vector.multi_reduction <minimumf>, %select_n3A, %reduce_min3A [0] : vector<512x256xf32> to vector<256xf32>
      %broadcast_in_dim3A_388 = vector.shape_cast %reduce_min3A_387 : vector<256xf32> to vector<1x256xf32>
      %eq3A_389 = vector.broadcast %broadcast_in_dim3A_388 : vector<1x256xf32> to vector<512x256xf32>
      %eq3A_390 = arith.cmpf oeq, %select_n3A, %eq3A_389 : vector<512x256xf32>
      %jit3A_391 = arith.constant 1.000000e+09 : f32
      %broadcast_in_dim3A_392 = vector.shape_cast %add3A_380 : vector<512x1xf32> to vector<512x1xf32>
      %broadcast_in_dim3A_393 = vector.broadcast %broadcast_in_dim3A_392 : vector<512x1xf32> to vector<512x256xf32>
      %broadcast_in_dim3A_394 = vector.broadcast %jit3A_391 : f32 to vector<512x256xf32>
      %select_n3A_395 = arith.select %eq3A_390, %broadcast_in_dim3A_393, %broadcast_in_dim3A_394 : vector<512x256xi1>, vector<512x256xf32>
      %reduce_min3A_396 = arith.constant dense<0x7F800000> : vector<256xf32>
      %reduce_min3A_397 = vector.multi_reduction <minimumf>, %select_n3A_395, %reduce_min3A_396 [0] : vector<512x256xf32> to vector<256xf32>
      %broadcast_in_dim3A_398 = vector.shape_cast %reduce_min3A_397 : vector<256xf32> to vector<1x256xf32>
      %lt3A = arith.cmpf olt, %broadcast_in_dim3A_388, %while3A_367 : vector<1x256xf32>
      %eq3A_399 = arith.cmpf oeq, %broadcast_in_dim3A_388, %while3A_367 : vector<1x256xf32>
      %lt3A_400 = arith.cmpf olt, %broadcast_in_dim3A_398, %while3A_368 : vector<1x256xf32>
      %and3A_401 = arith.andi %eq3A_399, %lt3A_400 : vector<1x256xi1>
      %or3A_402 = arith.ori %lt3A, %and3A_401 : vector<1x256xi1>
      %select_n3A_403 = arith.select %or3A_402, %broadcast_in_dim3A_388, %while3A_367 : vector<1x256xi1>, vector<1x256xf32>
      %select_n3A_404 = arith.select %or3A_402, %broadcast_in_dim3A_398, %while3A_368 : vector<1x256xi1>, vector<1x256xf32>
      scf.yield %select_n3A_403, %select_n3A_404 : vector<1x256xf32>, vector<1x256xf32>
    }
    %broadcast_in_dim3A_270 = arith.constant 0x7F800000 : f32
    %broadcast_in_dim3A_271 = vector.broadcast %broadcast_in_dim3A_270 : f32 to vector<1x256xf32>
    %broadcast_in_dim3A_272 = arith.constant 1.000000e+09 : f32
    %broadcast_in_dim3A_273 = vector.broadcast %broadcast_in_dim3A_272 : f32 to vector<1x256xf32>
    %while3A_274 = arith.constant 0 : i32
    %while3A_275 = arith.subi %get3A_2, %while3A_274 : i32
    %while3A_276 = arith.addi %while3A_274, %while3A_275 : i32
    %while3A_277 = arith.constant 1 : i32
    %while3A_278 = arith.divsi %while3A_275, %while3A_277 : i32
    %while3A_279 = arith.muli %while3A_278, %while3A_277 : i32
    %while3A_280 = arith.addi %while3A_274, %while3A_279 : i32
    %while3A_281 = arith.constant 1 : i32
    %while3A_282:2 = scf.for %while3A_366 = %while3A_274 to %while3A_280 step %while3A_281 iter_args(%while3A_367 = %broadcast_in_dim3A_271, %while3A_368 = %broadcast_in_dim3A_273) -> (vector<1x256xf32>, vector<1x256xf32>)  : i32 {
      %mul3A_369 = arith.constant 512 : i32
      %mul3A_370 = arith.muli %while3A_366, %mul3A_369 : i32
      %multiple_of3A_371 = tpu.assume_multiple %mul3A_370, 512 : i32
      %get3A_372 = arith.index_cast %multiple_of3A_371 : i32 to index
      %get3A_373 = arith.constant 0 : index
      %get3A_374 = vector.load %arg15[%get3A_372, %get3A_373] : memref<10240x256xf32, #tpu.memory_space<vmem>>, vector<512x256xf32>
      %mul3A_375 = arith.constant 512 : i32
      %mul3A_376 = arith.muli %while3A_366, %mul3A_375 : i32
      %add3A_377 = arith.addi %get3A_0, %mul3A_376 : i32
      %convert_element_type3A_378 = arith.sitofp %add3A_377 : i32 to f32
      %add3A_379 = vector.broadcast %convert_element_type3A_378 : f32 to vector<512x1xf32>
      %add3A_380 = arith.addf %add3A_379, %convert_element_type3A : vector<512x1xf32>
      %gt3A = vector.broadcast %while3A_269#0 : vector<1x256xf32> to vector<512x256xf32>
      %gt3A_381 = arith.cmpf ogt, %get3A_374, %gt3A : vector<512x256xf32>
      %eq3A = vector.broadcast %while3A_269#0 : vector<1x256xf32> to vector<512x256xf32>
      %eq3A_382 = arith.cmpf oeq, %get3A_374, %eq3A : vector<512x256xf32>
      %gt3A_383 = vector.broadcast %add3A_380 : vector<512x1xf32> to vector<512x256xf32>
      %gt3A_384 = vector.broadcast %while3A_269#1 : vector<1x256xf32> to vector<512x256xf32>
      %gt3A_385 = arith.cmpf ogt, %gt3A_383, %gt3A_384 : vector<512x256xf32>
      %and3A = arith.andi %eq3A_382, %gt3A_385 : vector<512x256xi1>
      %or3A = arith.ori %gt3A_381, %and3A : vector<512x256xi1>
      %jit3A = arith.constant 0x7F800000 : f32
      %broadcast_in_dim3A_386 = vector.broadcast %jit3A : f32 to vector<512x256xf32>
      %select_n3A = arith.select %or3A, %get3A_374, %broadcast_in_dim3A_386 : vector<512x256xi1>, vector<512x256xf32>
      %reduce_min3A = arith.constant dense<0x7F800000> : vector<256xf32>
      %reduce_min3A_387 = vector.multi_reduction <minimumf>, %select_n3A, %reduce_min3A [0] : vector<512x256xf32> to vector<256xf32>
      %broadcast_in_dim3A_388 = vector.shape_cast %reduce_min3A_387 : vector<256xf32> to vector<1x256xf32>
      %eq3A_389 = vector.broadcast %broadcast_in_dim3A_388 : vector<1x256xf32> to vector<512x256xf32>
      %eq3A_390 = arith.cmpf oeq, %select_n3A, %eq3A_389 : vector<512x256xf32>
      %jit3A_391 = arith.constant 1.000000e+09 : f32
      %broadcast_in_dim3A_392 = vector.shape_cast %add3A_380 : vector<512x1xf32> to vector<512x1xf32>
      %broadcast_in_dim3A_393 = vector.broadcast %broadcast_in_dim3A_392 : vector<512x1xf32> to vector<512x256xf32>
      %broadcast_in_dim3A_394 = vector.broadcast %jit3A_391 : f32 to vector<512x256xf32>
      %select_n3A_395 = arith.select %eq3A_390, %broadcast_in_dim3A_393, %broadcast_in_dim3A_394 : vector<512x256xi1>, vector<512x256xf32>
      %reduce_min3A_396 = arith.constant dense<0x7F800000> : vector<256xf32>
      %reduce_min3A_397 = vector.multi_reduction <minimumf>, %select_n3A_395, %reduce_min3A_396 [0] : vector<512x256xf32> to vector<256xf32>
      %broadcast_in_dim3A_398 = vector.shape_cast %reduce_min3A_397 : vector<256xf32> to vector<1x256xf32>
      %lt3A = arith.cmpf olt, %broadcast_in_dim3A_388, %while3A_367 : vector<1x256xf32>
      %eq3A_399 = arith.cmpf oeq, %broadcast_in_dim3A_388, %while3A_367 : vector<1x256xf32>
      %lt3A_400 = arith.cmpf olt, %broadcast_in_dim3A_398, %while3A_368 : vector<1x256xf32>
      %and3A_401 = arith.andi %eq3A_399, %lt3A_400 : vector<1x256xi1>
      %or3A_402 = arith.ori %lt3A, %and3A_401 : vector<1x256xi1>
      %select_n3A_403 = arith.select %or3A_402, %broadcast_in_dim3A_388, %while3A_367 : vector<1x256xi1>, vector<1x256xf32>
      %select_n3A_404 = arith.select %or3A_402, %broadcast_in_dim3A_398, %while3A_368 : vector<1x256xi1>, vector<1x256xf32>
      scf.yield %select_n3A_403, %select_n3A_404 : vector<1x256xf32>, vector<1x256xf32>
    }
    %while3A_283 = arith.constant 1 : i32
    %while3A_284:2 = scf.for %while3A_366 = %while3A_280 to %while3A_276 step %while3A_283 iter_args(%while3A_367 = %while3A_282#0, %while3A_368 = %while3A_282#1) -> (vector<1x256xf32>, vector<1x256xf32>)  : i32 {
      %mul3A_369 = arith.constant 512 : i32
      %mul3A_370 = arith.muli %while3A_366, %mul3A_369 : i32
      %multiple_of3A_371 = tpu.assume_multiple %mul3A_370, 512 : i32
      %get3A_372 = arith.index_cast %multiple_of3A_371 : i32 to index
      %get3A_373 = arith.constant 0 : index
      %get3A_374 = vector.load %arg15[%get3A_372, %get3A_373] : memref<10240x256xf32, #tpu.memory_space<vmem>>, vector<512x256xf32>
      %mul3A_375 = arith.constant 512 : i32
      %mul3A_376 = arith.muli %while3A_366, %mul3A_375 : i32
      %add3A_377 = arith.addi %get3A_0, %mul3A_376 : i32
      %convert_element_type3A_378 = arith.sitofp %add3A_377 : i32 to f32
      %add3A_379 = vector.broadcast %convert_element_type3A_378 : f32 to vector<512x1xf32>
      %add3A_380 = arith.addf %add3A_379, %convert_element_type3A : vector<512x1xf32>
      %gt3A = vector.broadcast %while3A_269#0 : vector<1x256xf32> to vector<512x256xf32>
      %gt3A_381 = arith.cmpf ogt, %get3A_374, %gt3A : vector<512x256xf32>
      %eq3A = vector.broadcast %while3A_269#0 : vector<1x256xf32> to vector<512x256xf32>
      %eq3A_382 = arith.cmpf oeq, %get3A_374, %eq3A : vector<512x256xf32>
      %gt3A_383 = vector.broadcast %add3A_380 : vector<512x1xf32> to vector<512x256xf32>
      %gt3A_384 = vector.broadcast %while3A_269#1 : vector<1x256xf32> to vector<512x256xf32>
      %gt3A_385 = arith.cmpf ogt, %gt3A_383, %gt3A_384 : vector<512x256xf32>
      %and3A = arith.andi %eq3A_382, %gt3A_385 : vector<512x256xi1>
      %or3A = arith.ori %gt3A_381, %and3A : vector<512x256xi1>
      %jit3A = arith.constant 0x7F800000 : f32
      %broadcast_in_dim3A_386 = vector.broadcast %jit3A : f32 to vector<512x256xf32>
      %select_n3A = arith.select %or3A, %get3A_374, %broadcast_in_dim3A_386 : vector<512x256xi1>, vector<512x256xf32>
      %reduce_min3A = arith.constant dense<0x7F800000> : vector<256xf32>
      %reduce_min3A_387 = vector.multi_reduction <minimumf>, %select_n3A, %reduce_min3A [0] : vector<512x256xf32> to vector<256xf32>
      %broadcast_in_dim3A_388 = vector.shape_cast %reduce_min3A_387 : vector<256xf32> to vector<1x256xf32>
      %eq3A_389 = vector.broadcast %broadcast_in_dim3A_388 : vector<1x256xf32> to vector<512x256xf32>
      %eq3A_390 = arith.cmpf oeq, %select_n3A, %eq3A_389 : vector<512x256xf32>
      %jit3A_391 = arith.constant 1.000000e+09 : f32
      %broadcast_in_dim3A_392 = vector.shape_cast %add3A_380 : vector<512x1xf32> to vector<512x1xf32>
      %broadcast_in_dim3A_393 = vector.broadcast %broadcast_in_dim3A_392 : vector<512x1xf32> to vector<512x256xf32>
      %broadcast_in_dim3A_394 = vector.broadcast %jit3A_391 : f32 to vector<512x256xf32>
      %select_n3A_395 = arith.select %eq3A_390, %broadcast_in_dim3A_393, %broadcast_in_dim3A_394 : vector<512x256xi1>, vector<512x256xf32>
      %reduce_min3A_396 = arith.constant dense<0x7F800000> : vector<256xf32>
      %reduce_min3A_397 = vector.multi_reduction <minimumf>, %select_n3A_395, %reduce_min3A_396 [0] : vector<512x256xf32> to vector<256xf32>
      %broadcast_in_dim3A_398 = vector.shape_cast %reduce_min3A_397 : vector<256xf32> to vector<1x256xf32>
      %lt3A = arith.cmpf olt, %broadcast_in_dim3A_388, %while3A_367 : vector<1x256xf32>
      %eq3A_399 = arith.cmpf oeq, %broadcast_in_dim3A_388, %while3A_367 : vector<1x256xf32>
      %lt3A_400 = arith.cmpf olt, %broadcast_in_dim3A_398, %while3A_368 : vector<1x256xf32>
      %and3A_401 = arith.andi %eq3A_399, %lt3A_400 : vector<1x256xi1>
      %or3A_402 = arith.ori %lt3A, %and3A_401 : vector<1x256xi1>
      %select_n3A_403 = arith.select %or3A_402, %broadcast_in_dim3A_388, %while3A_367 : vector<1x256xi1>, vector<1x256xf32>
      %select_n3A_404 = arith.select %or3A_402, %broadcast_in_dim3A_398, %while3A_368 : vector<1x256xi1>, vector<1x256xf32>
      scf.yield %select_n3A_403, %select_n3A_404 : vector<1x256xf32>, vector<1x256xf32>
    }
    %broadcast_in_dim3A_285 = arith.constant 0x7F800000 : f32
    %broadcast_in_dim3A_286 = vector.broadcast %broadcast_in_dim3A_285 : f32 to vector<1x256xf32>
    %broadcast_in_dim3A_287 = arith.constant 1.000000e+09 : f32
    %broadcast_in_dim3A_288 = vector.broadcast %broadcast_in_dim3A_287 : f32 to vector<1x256xf32>
    %while3A_289 = arith.constant 0 : i32
    %while3A_290 = arith.subi %get3A_2, %while3A_289 : i32
    %while3A_291 = arith.addi %while3A_289, %while3A_290 : i32
    %while3A_292 = arith.constant 1 : i32
    %while3A_293 = arith.divsi %while3A_290, %while3A_292 : i32
    %while3A_294 = arith.muli %while3A_293, %while3A_292 : i32
    %while3A_295 = arith.addi %while3A_289, %while3A_294 : i32
    %while3A_296 = arith.constant 1 : i32
    %while3A_297:2 = scf.for %while3A_366 = %while3A_289 to %while3A_295 step %while3A_296 iter_args(%while3A_367 = %broadcast_in_dim3A_286, %while3A_368 = %broadcast_in_dim3A_288) -> (vector<1x256xf32>, vector<1x256xf32>)  : i32 {
      %mul3A_369 = arith.constant 512 : i32
      %mul3A_370 = arith.muli %while3A_366, %mul3A_369 : i32
      %multiple_of3A_371 = tpu.assume_multiple %mul3A_370, 512 : i32
      %get3A_372 = arith.index_cast %multiple_of3A_371 : i32 to index
      %get3A_373 = arith.constant 0 : index
      %get3A_374 = vector.load %arg15[%get3A_372, %get3A_373] : memref<10240x256xf32, #tpu.memory_space<vmem>>, vector<512x256xf32>
      %mul3A_375 = arith.constant 512 : i32
      %mul3A_376 = arith.muli %while3A_366, %mul3A_375 : i32
      %add3A_377 = arith.addi %get3A_0, %mul3A_376 : i32
      %convert_element_type3A_378 = arith.sitofp %add3A_377 : i32 to f32
      %add3A_379 = vector.broadcast %convert_element_type3A_378 : f32 to vector<512x1xf32>
      %add3A_380 = arith.addf %add3A_379, %convert_element_type3A : vector<512x1xf32>
      %gt3A = vector.broadcast %while3A_284#0 : vector<1x256xf32> to vector<512x256xf32>
      %gt3A_381 = arith.cmpf ogt, %get3A_374, %gt3A : vector<512x256xf32>
      %eq3A = vector.broadcast %while3A_284#0 : vector<1x256xf32> to vector<512x256xf32>
      %eq3A_382 = arith.cmpf oeq, %get3A_374, %eq3A : vector<512x256xf32>
      %gt3A_383 = vector.broadcast %add3A_380 : vector<512x1xf32> to vector<512x256xf32>
      %gt3A_384 = vector.broadcast %while3A_284#1 : vector<1x256xf32> to vector<512x256xf32>
      %gt3A_385 = arith.cmpf ogt, %gt3A_383, %gt3A_384 : vector<512x256xf32>
      %and3A = arith.andi %eq3A_382, %gt3A_385 : vector<512x256xi1>
      %or3A = arith.ori %gt3A_381, %and3A : vector<512x256xi1>
      %jit3A = arith.constant 0x7F800000 : f32
      %broadcast_in_dim3A_386 = vector.broadcast %jit3A : f32 to vector<512x256xf32>
      %select_n3A = arith.select %or3A, %get3A_374, %broadcast_in_dim3A_386 : vector<512x256xi1>, vector<512x256xf32>
      %reduce_min3A = arith.constant dense<0x7F800000> : vector<256xf32>
      %reduce_min3A_387 = vector.multi_reduction <minimumf>, %select_n3A, %reduce_min3A [0] : vector<512x256xf32> to vector<256xf32>
      %broadcast_in_dim3A_388 = vector.shape_cast %reduce_min3A_387 : vector<256xf32> to vector<1x256xf32>
      %eq3A_389 = vector.broadcast %broadcast_in_dim3A_388 : vector<1x256xf32> to vector<512x256xf32>
      %eq3A_390 = arith.cmpf oeq, %select_n3A, %eq3A_389 : vector<512x256xf32>
      %jit3A_391 = arith.constant 1.000000e+09 : f32
      %broadcast_in_dim3A_392 = vector.shape_cast %add3A_380 : vector<512x1xf32> to vector<512x1xf32>
      %broadcast_in_dim3A_393 = vector.broadcast %broadcast_in_dim3A_392 : vector<512x1xf32> to vector<512x256xf32>
      %broadcast_in_dim3A_394 = vector.broadcast %jit3A_391 : f32 to vector<512x256xf32>
      %select_n3A_395 = arith.select %eq3A_390, %broadcast_in_dim3A_393, %broadcast_in_dim3A_394 : vector<512x256xi1>, vector<512x256xf32>
      %reduce_min3A_396 = arith.constant dense<0x7F800000> : vector<256xf32>
      %reduce_min3A_397 = vector.multi_reduction <minimumf>, %select_n3A_395, %reduce_min3A_396 [0] : vector<512x256xf32> to vector<256xf32>
      %broadcast_in_dim3A_398 = vector.shape_cast %reduce_min3A_397 : vector<256xf32> to vector<1x256xf32>
      %lt3A = arith.cmpf olt, %broadcast_in_dim3A_388, %while3A_367 : vector<1x256xf32>
      %eq3A_399 = arith.cmpf oeq, %broadcast_in_dim3A_388, %while3A_367 : vector<1x256xf32>
      %lt3A_400 = arith.cmpf olt, %broadcast_in_dim3A_398, %while3A_368 : vector<1x256xf32>
      %and3A_401 = arith.andi %eq3A_399, %lt3A_400 : vector<1x256xi1>
      %or3A_402 = arith.ori %lt3A, %and3A_401 : vector<1x256xi1>
      %select_n3A_403 = arith.select %or3A_402, %broadcast_in_dim3A_388, %while3A_367 : vector<1x256xi1>, vector<1x256xf32>
      %select_n3A_404 = arith.select %or3A_402, %broadcast_in_dim3A_398, %while3A_368 : vector<1x256xi1>, vector<1x256xf32>
      scf.yield %select_n3A_403, %select_n3A_404 : vector<1x256xf32>, vector<1x256xf32>
    }
    %while3A_298 = arith.constant 1 : i32
    %while3A_299:2 = scf.for %while3A_366 = %while3A_295 to %while3A_291 step %while3A_298 iter_args(%while3A_367 = %while3A_297#0, %while3A_368 = %while3A_297#1) -> (vector<1x256xf32>, vector<1x256xf32>)  : i32 {
      %mul3A_369 = arith.constant 512 : i32
      %mul3A_370 = arith.muli %while3A_366, %mul3A_369 : i32
      %multiple_of3A_371 = tpu.assume_multiple %mul3A_370, 512 : i32
      %get3A_372 = arith.index_cast %multiple_of3A_371 : i32 to index
      %get3A_373 = arith.constant 0 : index
      %get3A_374 = vector.load %arg15[%get3A_372, %get3A_373] : memref<10240x256xf32, #tpu.memory_space<vmem>>, vector<512x256xf32>
      %mul3A_375 = arith.constant 512 : i32
      %mul3A_376 = arith.muli %while3A_366, %mul3A_375 : i32
      %add3A_377 = arith.addi %get3A_0, %mul3A_376 : i32
      %convert_element_type3A_378 = arith.sitofp %add3A_377 : i32 to f32
      %add3A_379 = vector.broadcast %convert_element_type3A_378 : f32 to vector<512x1xf32>
      %add3A_380 = arith.addf %add3A_379, %convert_element_type3A : vector<512x1xf32>
      %gt3A = vector.broadcast %while3A_284#0 : vector<1x256xf32> to vector<512x256xf32>
      %gt3A_381 = arith.cmpf ogt, %get3A_374, %gt3A : vector<512x256xf32>
      %eq3A = vector.broadcast %while3A_284#0 : vector<1x256xf32> to vector<512x256xf32>
      %eq3A_382 = arith.cmpf oeq, %get3A_374, %eq3A : vector<512x256xf32>
      %gt3A_383 = vector.broadcast %add3A_380 : vector<512x1xf32> to vector<512x256xf32>
      %gt3A_384 = vector.broadcast %while3A_284#1 : vector<1x256xf32> to vector<512x256xf32>
      %gt3A_385 = arith.cmpf ogt, %gt3A_383, %gt3A_384 : vector<512x256xf32>
      %and3A = arith.andi %eq3A_382, %gt3A_385 : vector<512x256xi1>
      %or3A = arith.ori %gt3A_381, %and3A : vector<512x256xi1>
      %jit3A = arith.constant 0x7F800000 : f32
      %broadcast_in_dim3A_386 = vector.broadcast %jit3A : f32 to vector<512x256xf32>
      %select_n3A = arith.select %or3A, %get3A_374, %broadcast_in_dim3A_386 : vector<512x256xi1>, vector<512x256xf32>
      %reduce_min3A = arith.constant dense<0x7F800000> : vector<256xf32>
      %reduce_min3A_387 = vector.multi_reduction <minimumf>, %select_n3A, %reduce_min3A [0] : vector<512x256xf32> to vector<256xf32>
      %broadcast_in_dim3A_388 = vector.shape_cast %reduce_min3A_387 : vector<256xf32> to vector<1x256xf32>
      %eq3A_389 = vector.broadcast %broadcast_in_dim3A_388 : vector<1x256xf32> to vector<512x256xf32>
      %eq3A_390 = arith.cmpf oeq, %select_n3A, %eq3A_389 : vector<512x256xf32>
      %jit3A_391 = arith.constant 1.000000e+09 : f32
      %broadcast_in_dim3A_392 = vector.shape_cast %add3A_380 : vector<512x1xf32> to vector<512x1xf32>
      %broadcast_in_dim3A_393 = vector.broadcast %broadcast_in_dim3A_392 : vector<512x1xf32> to vector<512x256xf32>
      %broadcast_in_dim3A_394 = vector.broadcast %jit3A_391 : f32 to vector<512x256xf32>
      %select_n3A_395 = arith.select %eq3A_390, %broadcast_in_dim3A_393, %broadcast_in_dim3A_394 : vector<512x256xi1>, vector<512x256xf32>
      %reduce_min3A_396 = arith.constant dense<0x7F800000> : vector<256xf32>
      %reduce_min3A_397 = vector.multi_reduction <minimumf>, %select_n3A_395, %reduce_min3A_396 [0] : vector<512x256xf32> to vector<256xf32>
      %broadcast_in_dim3A_398 = vector.shape_cast %reduce_min3A_397 : vector<256xf32> to vector<1x256xf32>
      %lt3A = arith.cmpf olt, %broadcast_in_dim3A_388, %while3A_367 : vector<1x256xf32>
      %eq3A_399 = arith.cmpf oeq, %broadcast_in_dim3A_388, %while3A_367 : vector<1x256xf32>
      %lt3A_400 = arith.cmpf olt, %broadcast_in_dim3A_398, %while3A_368 : vector<1x256xf32>
      %and3A_401 = arith.andi %eq3A_399, %lt3A_400 : vector<1x256xi1>
      %or3A_402 = arith.ori %lt3A, %and3A_401 : vector<1x256xi1>
      %select_n3A_403 = arith.select %or3A_402, %broadcast_in_dim3A_388, %while3A_367 : vector<1x256xi1>, vector<1x256xf32>
      %select_n3A_404 = arith.select %or3A_402, %broadcast_in_dim3A_398, %while3A_368 : vector<1x256xi1>, vector<1x256xf32>
      scf.yield %select_n3A_403, %select_n3A_404 : vector<1x256xf32>, vector<1x256xf32>
    }
    %broadcast_in_dim3A_300 = arith.constant 0x7F800000 : f32
    %broadcast_in_dim3A_301 = vector.broadcast %broadcast_in_dim3A_300 : f32 to vector<1x256xf32>
    %broadcast_in_dim3A_302 = arith.constant 1.000000e+09 : f32
    %broadcast_in_dim3A_303 = vector.broadcast %broadcast_in_dim3A_302 : f32 to vector<1x256xf32>
    %while3A_304 = arith.constant 0 : i32
    %while3A_305 = arith.subi %get3A_2, %while3A_304 : i32
    %while3A_306 = arith.addi %while3A_304, %while3A_305 : i32
    %while3A_307 = arith.constant 1 : i32
    %while3A_308 = arith.divsi %while3A_305, %while3A_307 : i32
    %while3A_309 = arith.muli %while3A_308, %while3A_307 : i32
    %while3A_310 = arith.addi %while3A_304, %while3A_309 : i32
    %while3A_311 = arith.constant 1 : i32
    %while3A_312:2 = scf.for %while3A_366 = %while3A_304 to %while3A_310 step %while3A_311 iter_args(%while3A_367 = %broadcast_in_dim3A_301, %while3A_368 = %broadcast_in_dim3A_303) -> (vector<1x256xf32>, vector<1x256xf32>)  : i32 {
      %mul3A_369 = arith.constant 512 : i32
      %mul3A_370 = arith.muli %while3A_366, %mul3A_369 : i32
      %multiple_of3A_371 = tpu.assume_multiple %mul3A_370, 512 : i32
      %get3A_372 = arith.index_cast %multiple_of3A_371 : i32 to index
      %get3A_373 = arith.constant 0 : index
      %get3A_374 = vector.load %arg15[%get3A_372, %get3A_373] : memref<10240x256xf32, #tpu.memory_space<vmem>>, vector<512x256xf32>
      %mul3A_375 = arith.constant 512 : i32
      %mul3A_376 = arith.muli %while3A_366, %mul3A_375 : i32
      %add3A_377 = arith.addi %get3A_0, %mul3A_376 : i32
      %convert_element_type3A_378 = arith.sitofp %add3A_377 : i32 to f32
      %add3A_379 = vector.broadcast %convert_element_type3A_378 : f32 to vector<512x1xf32>
      %add3A_380 = arith.addf %add3A_379, %convert_element_type3A : vector<512x1xf32>
      %gt3A = vector.broadcast %while3A_299#0 : vector<1x256xf32> to vector<512x256xf32>
      %gt3A_381 = arith.cmpf ogt, %get3A_374, %gt3A : vector<512x256xf32>
      %eq3A = vector.broadcast %while3A_299#0 : vector<1x256xf32> to vector<512x256xf32>
      %eq3A_382 = arith.cmpf oeq, %get3A_374, %eq3A : vector<512x256xf32>
      %gt3A_383 = vector.broadcast %add3A_380 : vector<512x1xf32> to vector<512x256xf32>
      %gt3A_384 = vector.broadcast %while3A_299#1 : vector<1x256xf32> to vector<512x256xf32>
      %gt3A_385 = arith.cmpf ogt, %gt3A_383, %gt3A_384 : vector<512x256xf32>
      %and3A = arith.andi %eq3A_382, %gt3A_385 : vector<512x256xi1>
      %or3A = arith.ori %gt3A_381, %and3A : vector<512x256xi1>
      %jit3A = arith.constant 0x7F800000 : f32
      %broadcast_in_dim3A_386 = vector.broadcast %jit3A : f32 to vector<512x256xf32>
      %select_n3A = arith.select %or3A, %get3A_374, %broadcast_in_dim3A_386 : vector<512x256xi1>, vector<512x256xf32>
      %reduce_min3A = arith.constant dense<0x7F800000> : vector<256xf32>
      %reduce_min3A_387 = vector.multi_reduction <minimumf>, %select_n3A, %reduce_min3A [0] : vector<512x256xf32> to vector<256xf32>
      %broadcast_in_dim3A_388 = vector.shape_cast %reduce_min3A_387 : vector<256xf32> to vector<1x256xf32>
      %eq3A_389 = vector.broadcast %broadcast_in_dim3A_388 : vector<1x256xf32> to vector<512x256xf32>
      %eq3A_390 = arith.cmpf oeq, %select_n3A, %eq3A_389 : vector<512x256xf32>
      %jit3A_391 = arith.constant 1.000000e+09 : f32
      %broadcast_in_dim3A_392 = vector.shape_cast %add3A_380 : vector<512x1xf32> to vector<512x1xf32>
      %broadcast_in_dim3A_393 = vector.broadcast %broadcast_in_dim3A_392 : vector<512x1xf32> to vector<512x256xf32>
      %broadcast_in_dim3A_394 = vector.broadcast %jit3A_391 : f32 to vector<512x256xf32>
      %select_n3A_395 = arith.select %eq3A_390, %broadcast_in_dim3A_393, %broadcast_in_dim3A_394 : vector<512x256xi1>, vector<512x256xf32>
      %reduce_min3A_396 = arith.constant dense<0x7F800000> : vector<256xf32>
      %reduce_min3A_397 = vector.multi_reduction <minimumf>, %select_n3A_395, %reduce_min3A_396 [0] : vector<512x256xf32> to vector<256xf32>
      %broadcast_in_dim3A_398 = vector.shape_cast %reduce_min3A_397 : vector<256xf32> to vector<1x256xf32>
      %lt3A = arith.cmpf olt, %broadcast_in_dim3A_388, %while3A_367 : vector<1x256xf32>
      %eq3A_399 = arith.cmpf oeq, %broadcast_in_dim3A_388, %while3A_367 : vector<1x256xf32>
      %lt3A_400 = arith.cmpf olt, %broadcast_in_dim3A_398, %while3A_368 : vector<1x256xf32>
      %and3A_401 = arith.andi %eq3A_399, %lt3A_400 : vector<1x256xi1>
      %or3A_402 = arith.ori %lt3A, %and3A_401 : vector<1x256xi1>
      %select_n3A_403 = arith.select %or3A_402, %broadcast_in_dim3A_388, %while3A_367 : vector<1x256xi1>, vector<1x256xf32>
      %select_n3A_404 = arith.select %or3A_402, %broadcast_in_dim3A_398, %while3A_368 : vector<1x256xi1>, vector<1x256xf32>
      scf.yield %select_n3A_403, %select_n3A_404 : vector<1x256xf32>, vector<1x256xf32>
    }
    %while3A_313 = arith.constant 1 : i32
    %while3A_314:2 = scf.for %while3A_366 = %while3A_310 to %while3A_306 step %while3A_313 iter_args(%while3A_367 = %while3A_312#0, %while3A_368 = %while3A_312#1) -> (vector<1x256xf32>, vector<1x256xf32>)  : i32 {
      %mul3A_369 = arith.constant 512 : i32
      %mul3A_370 = arith.muli %while3A_366, %mul3A_369 : i32
      %multiple_of3A_371 = tpu.assume_multiple %mul3A_370, 512 : i32
      %get3A_372 = arith.index_cast %multiple_of3A_371 : i32 to index
      %get3A_373 = arith.constant 0 : index
      %get3A_374 = vector.load %arg15[%get3A_372, %get3A_373] : memref<10240x256xf32, #tpu.memory_space<vmem>>, vector<512x256xf32>
      %mul3A_375 = arith.constant 512 : i32
      %mul3A_376 = arith.muli %while3A_366, %mul3A_375 : i32
      %add3A_377 = arith.addi %get3A_0, %mul3A_376 : i32
      %convert_element_type3A_378 = arith.sitofp %add3A_377 : i32 to f32
      %add3A_379 = vector.broadcast %convert_element_type3A_378 : f32 to vector<512x1xf32>
      %add3A_380 = arith.addf %add3A_379, %convert_element_type3A : vector<512x1xf32>
      %gt3A = vector.broadcast %while3A_299#0 : vector<1x256xf32> to vector<512x256xf32>
      %gt3A_381 = arith.cmpf ogt, %get3A_374, %gt3A : vector<512x256xf32>
      %eq3A = vector.broadcast %while3A_299#0 : vector<1x256xf32> to vector<512x256xf32>
      %eq3A_382 = arith.cmpf oeq, %get3A_374, %eq3A : vector<512x256xf32>
      %gt3A_383 = vector.broadcast %add3A_380 : vector<512x1xf32> to vector<512x256xf32>
      %gt3A_384 = vector.broadcast %while3A_299#1 : vector<1x256xf32> to vector<512x256xf32>
      %gt3A_385 = arith.cmpf ogt, %gt3A_383, %gt3A_384 : vector<512x256xf32>
      %and3A = arith.andi %eq3A_382, %gt3A_385 : vector<512x256xi1>
      %or3A = arith.ori %gt3A_381, %and3A : vector<512x256xi1>
      %jit3A = arith.constant 0x7F800000 : f32
      %broadcast_in_dim3A_386 = vector.broadcast %jit3A : f32 to vector<512x256xf32>
      %select_n3A = arith.select %or3A, %get3A_374, %broadcast_in_dim3A_386 : vector<512x256xi1>, vector<512x256xf32>
      %reduce_min3A = arith.constant dense<0x7F800000> : vector<256xf32>
      %reduce_min3A_387 = vector.multi_reduction <minimumf>, %select_n3A, %reduce_min3A [0] : vector<512x256xf32> to vector<256xf32>
      %broadcast_in_dim3A_388 = vector.shape_cast %reduce_min3A_387 : vector<256xf32> to vector<1x256xf32>
      %eq3A_389 = vector.broadcast %broadcast_in_dim3A_388 : vector<1x256xf32> to vector<512x256xf32>
      %eq3A_390 = arith.cmpf oeq, %select_n3A, %eq3A_389 : vector<512x256xf32>
      %jit3A_391 = arith.constant 1.000000e+09 : f32
      %broadcast_in_dim3A_392 = vector.shape_cast %add3A_380 : vector<512x1xf32> to vector<512x1xf32>
      %broadcast_in_dim3A_393 = vector.broadcast %broadcast_in_dim3A_392 : vector<512x1xf32> to vector<512x256xf32>
      %broadcast_in_dim3A_394 = vector.broadcast %jit3A_391 : f32 to vector<512x256xf32>
      %select_n3A_395 = arith.select %eq3A_390, %broadcast_in_dim3A_393, %broadcast_in_dim3A_394 : vector<512x256xi1>, vector<512x256xf32>
      %reduce_min3A_396 = arith.constant dense<0x7F800000> : vector<256xf32>
      %reduce_min3A_397 = vector.multi_reduction <minimumf>, %select_n3A_395, %reduce_min3A_396 [0] : vector<512x256xf32> to vector<256xf32>
      %broadcast_in_dim3A_398 = vector.shape_cast %reduce_min3A_397 : vector<256xf32> to vector<1x256xf32>
      %lt3A = arith.cmpf olt, %broadcast_in_dim3A_388, %while3A_367 : vector<1x256xf32>
      %eq3A_399 = arith.cmpf oeq, %broadcast_in_dim3A_388, %while3A_367 : vector<1x256xf32>
      %lt3A_400 = arith.cmpf olt, %broadcast_in_dim3A_398, %while3A_368 : vector<1x256xf32>
      %and3A_401 = arith.andi %eq3A_399, %lt3A_400 : vector<1x256xi1>
      %or3A_402 = arith.ori %lt3A, %and3A_401 : vector<1x256xi1>
      %select_n3A_403 = arith.select %or3A_402, %broadcast_in_dim3A_388, %while3A_367 : vector<1x256xi1>, vector<1x256xf32>
      %select_n3A_404 = arith.select %or3A_402, %broadcast_in_dim3A_398, %while3A_368 : vector<1x256xi1>, vector<1x256xf32>
      scf.yield %select_n3A_403, %select_n3A_404 : vector<1x256xf32>, vector<1x256xf32>
    }
    %broadcast_in_dim3A_315 = arith.constant 0x7F800000 : f32
    %broadcast_in_dim3A_316 = vector.broadcast %broadcast_in_dim3A_315 : f32 to vector<1x256xf32>
    %broadcast_in_dim3A_317 = arith.constant 1.000000e+09 : f32
    %broadcast_in_dim3A_318 = vector.broadcast %broadcast_in_dim3A_317 : f32 to vector<1x256xf32>
    %while3A_319 = arith.constant 0 : i32
    %while3A_320 = arith.subi %get3A_2, %while3A_319 : i32
    %while3A_321 = arith.addi %while3A_319, %while3A_320 : i32
    %while3A_322 = arith.constant 1 : i32
    %while3A_323 = arith.divsi %while3A_320, %while3A_322 : i32
    %while3A_324 = arith.muli %while3A_323, %while3A_322 : i32
    %while3A_325 = arith.addi %while3A_319, %while3A_324 : i32
    %while3A_326 = arith.constant 1 : i32
    %while3A_327:2 = scf.for %while3A_366 = %while3A_319 to %while3A_325 step %while3A_326 iter_args(%while3A_367 = %broadcast_in_dim3A_316, %while3A_368 = %broadcast_in_dim3A_318) -> (vector<1x256xf32>, vector<1x256xf32>)  : i32 {
      %mul3A_369 = arith.constant 512 : i32
      %mul3A_370 = arith.muli %while3A_366, %mul3A_369 : i32
      %multiple_of3A_371 = tpu.assume_multiple %mul3A_370, 512 : i32
      %get3A_372 = arith.index_cast %multiple_of3A_371 : i32 to index
      %get3A_373 = arith.constant 0 : index
      %get3A_374 = vector.load %arg15[%get3A_372, %get3A_373] : memref<10240x256xf32, #tpu.memory_space<vmem>>, vector<512x256xf32>
      %mul3A_375 = arith.constant 512 : i32
      %mul3A_376 = arith.muli %while3A_366, %mul3A_375 : i32
      %add3A_377 = arith.addi %get3A_0, %mul3A_376 : i32
      %convert_element_type3A_378 = arith.sitofp %add3A_377 : i32 to f32
      %add3A_379 = vector.broadcast %convert_element_type3A_378 : f32 to vector<512x1xf32>
      %add3A_380 = arith.addf %add3A_379, %convert_element_type3A : vector<512x1xf32>
      %gt3A = vector.broadcast %while3A_314#0 : vector<1x256xf32> to vector<512x256xf32>
      %gt3A_381 = arith.cmpf ogt, %get3A_374, %gt3A : vector<512x256xf32>
      %eq3A = vector.broadcast %while3A_314#0 : vector<1x256xf32> to vector<512x256xf32>
      %eq3A_382 = arith.cmpf oeq, %get3A_374, %eq3A : vector<512x256xf32>
      %gt3A_383 = vector.broadcast %add3A_380 : vector<512x1xf32> to vector<512x256xf32>
      %gt3A_384 = vector.broadcast %while3A_314#1 : vector<1x256xf32> to vector<512x256xf32>
      %gt3A_385 = arith.cmpf ogt, %gt3A_383, %gt3A_384 : vector<512x256xf32>
      %and3A = arith.andi %eq3A_382, %gt3A_385 : vector<512x256xi1>
      %or3A = arith.ori %gt3A_381, %and3A : vector<512x256xi1>
      %jit3A = arith.constant 0x7F800000 : f32
      %broadcast_in_dim3A_386 = vector.broadcast %jit3A : f32 to vector<512x256xf32>
      %select_n3A = arith.select %or3A, %get3A_374, %broadcast_in_dim3A_386 : vector<512x256xi1>, vector<512x256xf32>
      %reduce_min3A = arith.constant dense<0x7F800000> : vector<256xf32>
      %reduce_min3A_387 = vector.multi_reduction <minimumf>, %select_n3A, %reduce_min3A [0] : vector<512x256xf32> to vector<256xf32>
      %broadcast_in_dim3A_388 = vector.shape_cast %reduce_min3A_387 : vector<256xf32> to vector<1x256xf32>
      %eq3A_389 = vector.broadcast %broadcast_in_dim3A_388 : vector<1x256xf32> to vector<512x256xf32>
      %eq3A_390 = arith.cmpf oeq, %select_n3A, %eq3A_389 : vector<512x256xf32>
      %jit3A_391 = arith.constant 1.000000e+09 : f32
      %broadcast_in_dim3A_392 = vector.shape_cast %add3A_380 : vector<512x1xf32> to vector<512x1xf32>
      %broadcast_in_dim3A_393 = vector.broadcast %broadcast_in_dim3A_392 : vector<512x1xf32> to vector<512x256xf32>
      %broadcast_in_dim3A_394 = vector.broadcast %jit3A_391 : f32 to vector<512x256xf32>
      %select_n3A_395 = arith.select %eq3A_390, %broadcast_in_dim3A_393, %broadcast_in_dim3A_394 : vector<512x256xi1>, vector<512x256xf32>
      %reduce_min3A_396 = arith.constant dense<0x7F800000> : vector<256xf32>
      %reduce_min3A_397 = vector.multi_reduction <minimumf>, %select_n3A_395, %reduce_min3A_396 [0] : vector<512x256xf32> to vector<256xf32>
      %broadcast_in_dim3A_398 = vector.shape_cast %reduce_min3A_397 : vector<256xf32> to vector<1x256xf32>
      %lt3A = arith.cmpf olt, %broadcast_in_dim3A_388, %while3A_367 : vector<1x256xf32>
      %eq3A_399 = arith.cmpf oeq, %broadcast_in_dim3A_388, %while3A_367 : vector<1x256xf32>
      %lt3A_400 = arith.cmpf olt, %broadcast_in_dim3A_398, %while3A_368 : vector<1x256xf32>
      %and3A_401 = arith.andi %eq3A_399, %lt3A_400 : vector<1x256xi1>
      %or3A_402 = arith.ori %lt3A, %and3A_401 : vector<1x256xi1>
      %select_n3A_403 = arith.select %or3A_402, %broadcast_in_dim3A_388, %while3A_367 : vector<1x256xi1>, vector<1x256xf32>
      %select_n3A_404 = arith.select %or3A_402, %broadcast_in_dim3A_398, %while3A_368 : vector<1x256xi1>, vector<1x256xf32>
      scf.yield %select_n3A_403, %select_n3A_404 : vector<1x256xf32>, vector<1x256xf32>
    }
    %while3A_328 = arith.constant 1 : i32
    %while3A_329:2 = scf.for %while3A_366 = %while3A_325 to %while3A_321 step %while3A_328 iter_args(%while3A_367 = %while3A_327#0, %while3A_368 = %while3A_327#1) -> (vector<1x256xf32>, vector<1x256xf32>)  : i32 {
      %mul3A_369 = arith.constant 512 : i32
      %mul3A_370 = arith.muli %while3A_366, %mul3A_369 : i32
      %multiple_of3A_371 = tpu.assume_multiple %mul3A_370, 512 : i32
      %get3A_372 = arith.index_cast %multiple_of3A_371 : i32 to index
      %get3A_373 = arith.constant 0 : index
      %get3A_374 = vector.load %arg15[%get3A_372, %get3A_373] : memref<10240x256xf32, #tpu.memory_space<vmem>>, vector<512x256xf32>
      %mul3A_375 = arith.constant 512 : i32
      %mul3A_376 = arith.muli %while3A_366, %mul3A_375 : i32
      %add3A_377 = arith.addi %get3A_0, %mul3A_376 : i32
      %convert_element_type3A_378 = arith.sitofp %add3A_377 : i32 to f32
      %add3A_379 = vector.broadcast %convert_element_type3A_378 : f32 to vector<512x1xf32>
      %add3A_380 = arith.addf %add3A_379, %convert_element_type3A : vector<512x1xf32>
      %gt3A = vector.broadcast %while3A_314#0 : vector<1x256xf32> to vector<512x256xf32>
      %gt3A_381 = arith.cmpf ogt, %get3A_374, %gt3A : vector<512x256xf32>
      %eq3A = vector.broadcast %while3A_314#0 : vector<1x256xf32> to vector<512x256xf32>
      %eq3A_382 = arith.cmpf oeq, %get3A_374, %eq3A : vector<512x256xf32>
      %gt3A_383 = vector.broadcast %add3A_380 : vector<512x1xf32> to vector<512x256xf32>
      %gt3A_384 = vector.broadcast %while3A_314#1 : vector<1x256xf32> to vector<512x256xf32>
      %gt3A_385 = arith.cmpf ogt, %gt3A_383, %gt3A_384 : vector<512x256xf32>
      %and3A = arith.andi %eq3A_382, %gt3A_385 : vector<512x256xi1>
      %or3A = arith.ori %gt3A_381, %and3A : vector<512x256xi1>
      %jit3A = arith.constant 0x7F800000 : f32
      %broadcast_in_dim3A_386 = vector.broadcast %jit3A : f32 to vector<512x256xf32>
      %select_n3A = arith.select %or3A, %get3A_374, %broadcast_in_dim3A_386 : vector<512x256xi1>, vector<512x256xf32>
      %reduce_min3A = arith.constant dense<0x7F800000> : vector<256xf32>
      %reduce_min3A_387 = vector.multi_reduction <minimumf>, %select_n3A, %reduce_min3A [0] : vector<512x256xf32> to vector<256xf32>
      %broadcast_in_dim3A_388 = vector.shape_cast %reduce_min3A_387 : vector<256xf32> to vector<1x256xf32>
      %eq3A_389 = vector.broadcast %broadcast_in_dim3A_388 : vector<1x256xf32> to vector<512x256xf32>
      %eq3A_390 = arith.cmpf oeq, %select_n3A, %eq3A_389 : vector<512x256xf32>
      %jit3A_391 = arith.constant 1.000000e+09 : f32
      %broadcast_in_dim3A_392 = vector.shape_cast %add3A_380 : vector<512x1xf32> to vector<512x1xf32>
      %broadcast_in_dim3A_393 = vector.broadcast %broadcast_in_dim3A_392 : vector<512x1xf32> to vector<512x256xf32>
      %broadcast_in_dim3A_394 = vector.broadcast %jit3A_391 : f32 to vector<512x256xf32>
      %select_n3A_395 = arith.select %eq3A_390, %broadcast_in_dim3A_393, %broadcast_in_dim3A_394 : vector<512x256xi1>, vector<512x256xf32>
      %reduce_min3A_396 = arith.constant dense<0x7F800000> : vector<256xf32>
      %reduce_min3A_397 = vector.multi_reduction <minimumf>, %select_n3A_395, %reduce_min3A_396 [0] : vector<512x256xf32> to vector<256xf32>
      %broadcast_in_dim3A_398 = vector.shape_cast %reduce_min3A_397 : vector<256xf32> to vector<1x256xf32>
      %lt3A = arith.cmpf olt, %broadcast_in_dim3A_388, %while3A_367 : vector<1x256xf32>
      %eq3A_399 = arith.cmpf oeq, %broadcast_in_dim3A_388, %while3A_367 : vector<1x256xf32>
      %lt3A_400 = arith.cmpf olt, %broadcast_in_dim3A_398, %while3A_368 : vector<1x256xf32>
      %and3A_401 = arith.andi %eq3A_399, %lt3A_400 : vector<1x256xi1>
      %or3A_402 = arith.ori %lt3A, %and3A_401 : vector<1x256xi1>
      %select_n3A_403 = arith.select %or3A_402, %broadcast_in_dim3A_388, %while3A_367 : vector<1x256xi1>, vector<1x256xf32>
      %select_n3A_404 = arith.select %or3A_402, %broadcast_in_dim3A_398, %while3A_368 : vector<1x256xi1>, vector<1x256xf32>
      scf.yield %select_n3A_403, %select_n3A_404 : vector<1x256xf32>, vector<1x256xf32>
    }
    %broadcast_in_dim3A_330 = arith.constant 0x7F800000 : f32
    %broadcast_in_dim3A_331 = vector.broadcast %broadcast_in_dim3A_330 : f32 to vector<1x256xf32>
    %broadcast_in_dim3A_332 = arith.constant 1.000000e+09 : f32
    %broadcast_in_dim3A_333 = vector.broadcast %broadcast_in_dim3A_332 : f32 to vector<1x256xf32>
    %while3A_334 = arith.constant 0 : i32
    %while3A_335 = arith.subi %get3A_2, %while3A_334 : i32
    %while3A_336 = arith.addi %while3A_334, %while3A_335 : i32
    %while3A_337 = arith.constant 1 : i32
    %while3A_338 = arith.divsi %while3A_335, %while3A_337 : i32
    %while3A_339 = arith.muli %while3A_338, %while3A_337 : i32
    %while3A_340 = arith.addi %while3A_334, %while3A_339 : i32
    %while3A_341 = arith.constant 1 : i32
    %while3A_342:2 = scf.for %while3A_366 = %while3A_334 to %while3A_340 step %while3A_341 iter_args(%while3A_367 = %broadcast_in_dim3A_331, %while3A_368 = %broadcast_in_dim3A_333) -> (vector<1x256xf32>, vector<1x256xf32>)  : i32 {
      %mul3A_369 = arith.constant 512 : i32
      %mul3A_370 = arith.muli %while3A_366, %mul3A_369 : i32
      %multiple_of3A_371 = tpu.assume_multiple %mul3A_370, 512 : i32
      %get3A_372 = arith.index_cast %multiple_of3A_371 : i32 to index
      %get3A_373 = arith.constant 0 : index
      %get3A_374 = vector.load %arg15[%get3A_372, %get3A_373] : memref<10240x256xf32, #tpu.memory_space<vmem>>, vector<512x256xf32>
      %mul3A_375 = arith.constant 512 : i32
      %mul3A_376 = arith.muli %while3A_366, %mul3A_375 : i32
      %add3A_377 = arith.addi %get3A_0, %mul3A_376 : i32
      %convert_element_type3A_378 = arith.sitofp %add3A_377 : i32 to f32
      %add3A_379 = vector.broadcast %convert_element_type3A_378 : f32 to vector<512x1xf32>
      %add3A_380 = arith.addf %add3A_379, %convert_element_type3A : vector<512x1xf32>
      %gt3A = vector.broadcast %while3A_329#0 : vector<1x256xf32> to vector<512x256xf32>
      %gt3A_381 = arith.cmpf ogt, %get3A_374, %gt3A : vector<512x256xf32>
      %eq3A = vector.broadcast %while3A_329#0 : vector<1x256xf32> to vector<512x256xf32>
      %eq3A_382 = arith.cmpf oeq, %get3A_374, %eq3A : vector<512x256xf32>
      %gt3A_383 = vector.broadcast %add3A_380 : vector<512x1xf32> to vector<512x256xf32>
      %gt3A_384 = vector.broadcast %while3A_329#1 : vector<1x256xf32> to vector<512x256xf32>
      %gt3A_385 = arith.cmpf ogt, %gt3A_383, %gt3A_384 : vector<512x256xf32>
      %and3A = arith.andi %eq3A_382, %gt3A_385 : vector<512x256xi1>
      %or3A = arith.ori %gt3A_381, %and3A : vector<512x256xi1>
      %jit3A = arith.constant 0x7F800000 : f32
      %broadcast_in_dim3A_386 = vector.broadcast %jit3A : f32 to vector<512x256xf32>
      %select_n3A = arith.select %or3A, %get3A_374, %broadcast_in_dim3A_386 : vector<512x256xi1>, vector<512x256xf32>
      %reduce_min3A = arith.constant dense<0x7F800000> : vector<256xf32>
      %reduce_min3A_387 = vector.multi_reduction <minimumf>, %select_n3A, %reduce_min3A [0] : vector<512x256xf32> to vector<256xf32>
      %broadcast_in_dim3A_388 = vector.shape_cast %reduce_min3A_387 : vector<256xf32> to vector<1x256xf32>
      %eq3A_389 = vector.broadcast %broadcast_in_dim3A_388 : vector<1x256xf32> to vector<512x256xf32>
      %eq3A_390 = arith.cmpf oeq, %select_n3A, %eq3A_389 : vector<512x256xf32>
      %jit3A_391 = arith.constant 1.000000e+09 : f32
      %broadcast_in_dim3A_392 = vector.shape_cast %add3A_380 : vector<512x1xf32> to vector<512x1xf32>
      %broadcast_in_dim3A_393 = vector.broadcast %broadcast_in_dim3A_392 : vector<512x1xf32> to vector<512x256xf32>
      %broadcast_in_dim3A_394 = vector.broadcast %jit3A_391 : f32 to vector<512x256xf32>
      %select_n3A_395 = arith.select %eq3A_390, %broadcast_in_dim3A_393, %broadcast_in_dim3A_394 : vector<512x256xi1>, vector<512x256xf32>
      %reduce_min3A_396 = arith.constant dense<0x7F800000> : vector<256xf32>
      %reduce_min3A_397 = vector.multi_reduction <minimumf>, %select_n3A_395, %reduce_min3A_396 [0] : vector<512x256xf32> to vector<256xf32>
      %broadcast_in_dim3A_398 = vector.shape_cast %reduce_min3A_397 : vector<256xf32> to vector<1x256xf32>
      %lt3A = arith.cmpf olt, %broadcast_in_dim3A_388, %while3A_367 : vector<1x256xf32>
      %eq3A_399 = arith.cmpf oeq, %broadcast_in_dim3A_388, %while3A_367 : vector<1x256xf32>
      %lt3A_400 = arith.cmpf olt, %broadcast_in_dim3A_398, %while3A_368 : vector<1x256xf32>
      %and3A_401 = arith.andi %eq3A_399, %lt3A_400 : vector<1x256xi1>
      %or3A_402 = arith.ori %lt3A, %and3A_401 : vector<1x256xi1>
      %select_n3A_403 = arith.select %or3A_402, %broadcast_in_dim3A_388, %while3A_367 : vector<1x256xi1>, vector<1x256xf32>
      %select_n3A_404 = arith.select %or3A_402, %broadcast_in_dim3A_398, %while3A_368 : vector<1x256xi1>, vector<1x256xf32>
      scf.yield %select_n3A_403, %select_n3A_404 : vector<1x256xf32>, vector<1x256xf32>
    }
    %while3A_343 = arith.constant 1 : i32
    %while3A_344:2 = scf.for %while3A_366 = %while3A_340 to %while3A_336 step %while3A_343 iter_args(%while3A_367 = %while3A_342#0, %while3A_368 = %while3A_342#1) -> (vector<1x256xf32>, vector<1x256xf32>)  : i32 {
      %mul3A_369 = arith.constant 512 : i32
      %mul3A_370 = arith.muli %while3A_366, %mul3A_369 : i32
      %multiple_of3A_371 = tpu.assume_multiple %mul3A_370, 512 : i32
      %get3A_372 = arith.index_cast %multiple_of3A_371 : i32 to index
      %get3A_373 = arith.constant 0 : index
      %get3A_374 = vector.load %arg15[%get3A_372, %get3A_373] : memref<10240x256xf32, #tpu.memory_space<vmem>>, vector<512x256xf32>
      %mul3A_375 = arith.constant 512 : i32
      %mul3A_376 = arith.muli %while3A_366, %mul3A_375 : i32
      %add3A_377 = arith.addi %get3A_0, %mul3A_376 : i32
      %convert_element_type3A_378 = arith.sitofp %add3A_377 : i32 to f32
      %add3A_379 = vector.broadcast %convert_element_type3A_378 : f32 to vector<512x1xf32>
      %add3A_380 = arith.addf %add3A_379, %convert_element_type3A : vector<512x1xf32>
      %gt3A = vector.broadcast %while3A_329#0 : vector<1x256xf32> to vector<512x256xf32>
      %gt3A_381 = arith.cmpf ogt, %get3A_374, %gt3A : vector<512x256xf32>
      %eq3A = vector.broadcast %while3A_329#0 : vector<1x256xf32> to vector<512x256xf32>
      %eq3A_382 = arith.cmpf oeq, %get3A_374, %eq3A : vector<512x256xf32>
      %gt3A_383 = vector.broadcast %add3A_380 : vector<512x1xf32> to vector<512x256xf32>
      %gt3A_384 = vector.broadcast %while3A_329#1 : vector<1x256xf32> to vector<512x256xf32>
      %gt3A_385 = arith.cmpf ogt, %gt3A_383, %gt3A_384 : vector<512x256xf32>
      %and3A = arith.andi %eq3A_382, %gt3A_385 : vector<512x256xi1>
      %or3A = arith.ori %gt3A_381, %and3A : vector<512x256xi1>
      %jit3A = arith.constant 0x7F800000 : f32
      %broadcast_in_dim3A_386 = vector.broadcast %jit3A : f32 to vector<512x256xf32>
      %select_n3A = arith.select %or3A, %get3A_374, %broadcast_in_dim3A_386 : vector<512x256xi1>, vector<512x256xf32>
      %reduce_min3A = arith.constant dense<0x7F800000> : vector<256xf32>
      %reduce_min3A_387 = vector.multi_reduction <minimumf>, %select_n3A, %reduce_min3A [0] : vector<512x256xf32> to vector<256xf32>
      %broadcast_in_dim3A_388 = vector.shape_cast %reduce_min3A_387 : vector<256xf32> to vector<1x256xf32>
      %eq3A_389 = vector.broadcast %broadcast_in_dim3A_388 : vector<1x256xf32> to vector<512x256xf32>
      %eq3A_390 = arith.cmpf oeq, %select_n3A, %eq3A_389 : vector<512x256xf32>
      %jit3A_391 = arith.constant 1.000000e+09 : f32
      %broadcast_in_dim3A_392 = vector.shape_cast %add3A_380 : vector<512x1xf32> to vector<512x1xf32>
      %broadcast_in_dim3A_393 = vector.broadcast %broadcast_in_dim3A_392 : vector<512x1xf32> to vector<512x256xf32>
      %broadcast_in_dim3A_394 = vector.broadcast %jit3A_391 : f32 to vector<512x256xf32>
      %select_n3A_395 = arith.select %eq3A_390, %broadcast_in_dim3A_393, %broadcast_in_dim3A_394 : vector<512x256xi1>, vector<512x256xf32>
      %reduce_min3A_396 = arith.constant dense<0x7F800000> : vector<256xf32>
      %reduce_min3A_397 = vector.multi_reduction <minimumf>, %select_n3A_395, %reduce_min3A_396 [0] : vector<512x256xf32> to vector<256xf32>
      %broadcast_in_dim3A_398 = vector.shape_cast %reduce_min3A_397 : vector<256xf32> to vector<1x256xf32>
      %lt3A = arith.cmpf olt, %broadcast_in_dim3A_388, %while3A_367 : vector<1x256xf32>
      %eq3A_399 = arith.cmpf oeq, %broadcast_in_dim3A_388, %while3A_367 : vector<1x256xf32>
      %lt3A_400 = arith.cmpf olt, %broadcast_in_dim3A_398, %while3A_368 : vector<1x256xf32>
      %and3A_401 = arith.andi %eq3A_399, %lt3A_400 : vector<1x256xi1>
      %or3A_402 = arith.ori %lt3A, %and3A_401 : vector<1x256xi1>
      %select_n3A_403 = arith.select %or3A_402, %broadcast_in_dim3A_388, %while3A_367 : vector<1x256xi1>, vector<1x256xf32>
      %select_n3A_404 = arith.select %or3A_402, %broadcast_in_dim3A_398, %while3A_368 : vector<1x256xi1>, vector<1x256xf32>
      scf.yield %select_n3A_403, %select_n3A_404 : vector<1x256xf32>, vector<1x256xf32>
    }
    %broadcast_in_dim3A_345 = arith.constant 0x7F800000 : f32
    %broadcast_in_dim3A_346 = vector.broadcast %broadcast_in_dim3A_345 : f32 to vector<1x256xf32>
    %broadcast_in_dim3A_347 = arith.constant 1.000000e+09 : f32
    %broadcast_in_dim3A_348 = vector.broadcast %broadcast_in_dim3A_347 : f32 to vector<1x256xf32>
    %while3A_349 = arith.constant 0 : i32
    %while3A_350 = arith.subi %get3A_2, %while3A_349 : i32
    %while3A_351 = arith.addi %while3A_349, %while3A_350 : i32
    %while3A_352 = arith.constant 1 : i32
    %while3A_353 = arith.divsi %while3A_350, %while3A_352 : i32
    %while3A_354 = arith.muli %while3A_353, %while3A_352 : i32
    %while3A_355 = arith.addi %while3A_349, %while3A_354 : i32
    %while3A_356 = arith.constant 1 : i32
    %while3A_357:2 = scf.for %while3A_366 = %while3A_349 to %while3A_355 step %while3A_356 iter_args(%while3A_367 = %broadcast_in_dim3A_346, %while3A_368 = %broadcast_in_dim3A_348) -> (vector<1x256xf32>, vector<1x256xf32>)  : i32 {
      %mul3A_369 = arith.constant 512 : i32
      %mul3A_370 = arith.muli %while3A_366, %mul3A_369 : i32
      %multiple_of3A_371 = tpu.assume_multiple %mul3A_370, 512 : i32
      %get3A_372 = arith.index_cast %multiple_of3A_371 : i32 to index
      %get3A_373 = arith.constant 0 : index
      %get3A_374 = vector.load %arg15[%get3A_372, %get3A_373] : memref<10240x256xf32, #tpu.memory_space<vmem>>, vector<512x256xf32>
      %mul3A_375 = arith.constant 512 : i32
      %mul3A_376 = arith.muli %while3A_366, %mul3A_375 : i32
      %add3A_377 = arith.addi %get3A_0, %mul3A_376 : i32
      %convert_element_type3A_378 = arith.sitofp %add3A_377 : i32 to f32
      %add3A_379 = vector.broadcast %convert_element_type3A_378 : f32 to vector<512x1xf32>
      %add3A_380 = arith.addf %add3A_379, %convert_element_type3A : vector<512x1xf32>
      %gt3A = vector.broadcast %while3A_344#0 : vector<1x256xf32> to vector<512x256xf32>
      %gt3A_381 = arith.cmpf ogt, %get3A_374, %gt3A : vector<512x256xf32>
      %eq3A = vector.broadcast %while3A_344#0 : vector<1x256xf32> to vector<512x256xf32>
      %eq3A_382 = arith.cmpf oeq, %get3A_374, %eq3A : vector<512x256xf32>
      %gt3A_383 = vector.broadcast %add3A_380 : vector<512x1xf32> to vector<512x256xf32>
      %gt3A_384 = vector.broadcast %while3A_344#1 : vector<1x256xf32> to vector<512x256xf32>
      %gt3A_385 = arith.cmpf ogt, %gt3A_383, %gt3A_384 : vector<512x256xf32>
      %and3A = arith.andi %eq3A_382, %gt3A_385 : vector<512x256xi1>
      %or3A = arith.ori %gt3A_381, %and3A : vector<512x256xi1>
      %jit3A = arith.constant 0x7F800000 : f32
      %broadcast_in_dim3A_386 = vector.broadcast %jit3A : f32 to vector<512x256xf32>
      %select_n3A = arith.select %or3A, %get3A_374, %broadcast_in_dim3A_386 : vector<512x256xi1>, vector<512x256xf32>
      %reduce_min3A = arith.constant dense<0x7F800000> : vector<256xf32>
      %reduce_min3A_387 = vector.multi_reduction <minimumf>, %select_n3A, %reduce_min3A [0] : vector<512x256xf32> to vector<256xf32>
      %broadcast_in_dim3A_388 = vector.shape_cast %reduce_min3A_387 : vector<256xf32> to vector<1x256xf32>
      %eq3A_389 = vector.broadcast %broadcast_in_dim3A_388 : vector<1x256xf32> to vector<512x256xf32>
      %eq3A_390 = arith.cmpf oeq, %select_n3A, %eq3A_389 : vector<512x256xf32>
      %jit3A_391 = arith.constant 1.000000e+09 : f32
      %broadcast_in_dim3A_392 = vector.shape_cast %add3A_380 : vector<512x1xf32> to vector<512x1xf32>
      %broadcast_in_dim3A_393 = vector.broadcast %broadcast_in_dim3A_392 : vector<512x1xf32> to vector<512x256xf32>
      %broadcast_in_dim3A_394 = vector.broadcast %jit3A_391 : f32 to vector<512x256xf32>
      %select_n3A_395 = arith.select %eq3A_390, %broadcast_in_dim3A_393, %broadcast_in_dim3A_394 : vector<512x256xi1>, vector<512x256xf32>
      %reduce_min3A_396 = arith.constant dense<0x7F800000> : vector<256xf32>
      %reduce_min3A_397 = vector.multi_reduction <minimumf>, %select_n3A_395, %reduce_min3A_396 [0] : vector<512x256xf32> to vector<256xf32>
      %broadcast_in_dim3A_398 = vector.shape_cast %reduce_min3A_397 : vector<256xf32> to vector<1x256xf32>
      %lt3A = arith.cmpf olt, %broadcast_in_dim3A_388, %while3A_367 : vector<1x256xf32>
      %eq3A_399 = arith.cmpf oeq, %broadcast_in_dim3A_388, %while3A_367 : vector<1x256xf32>
      %lt3A_400 = arith.cmpf olt, %broadcast_in_dim3A_398, %while3A_368 : vector<1x256xf32>
      %and3A_401 = arith.andi %eq3A_399, %lt3A_400 : vector<1x256xi1>
      %or3A_402 = arith.ori %lt3A, %and3A_401 : vector<1x256xi1>
      %select_n3A_403 = arith.select %or3A_402, %broadcast_in_dim3A_388, %while3A_367 : vector<1x256xi1>, vector<1x256xf32>
      %select_n3A_404 = arith.select %or3A_402, %broadcast_in_dim3A_398, %while3A_368 : vector<1x256xi1>, vector<1x256xf32>
      scf.yield %select_n3A_403, %select_n3A_404 : vector<1x256xf32>, vector<1x256xf32>
    }
    %while3A_358 = arith.constant 1 : i32
    %while3A_359:2 = scf.for %while3A_366 = %while3A_355 to %while3A_351 step %while3A_358 iter_args(%while3A_367 = %while3A_357#0, %while3A_368 = %while3A_357#1) -> (vector<1x256xf32>, vector<1x256xf32>)  : i32 {
      %mul3A_369 = arith.constant 512 : i32
      %mul3A_370 = arith.muli %while3A_366, %mul3A_369 : i32
      %multiple_of3A_371 = tpu.assume_multiple %mul3A_370, 512 : i32
      %get3A_372 = arith.index_cast %multiple_of3A_371 : i32 to index
      %get3A_373 = arith.constant 0 : index
      %get3A_374 = vector.load %arg15[%get3A_372, %get3A_373] : memref<10240x256xf32, #tpu.memory_space<vmem>>, vector<512x256xf32>
      %mul3A_375 = arith.constant 512 : i32
      %mul3A_376 = arith.muli %while3A_366, %mul3A_375 : i32
      %add3A_377 = arith.addi %get3A_0, %mul3A_376 : i32
      %convert_element_type3A_378 = arith.sitofp %add3A_377 : i32 to f32
      %add3A_379 = vector.broadcast %convert_element_type3A_378 : f32 to vector<512x1xf32>
      %add3A_380 = arith.addf %add3A_379, %convert_element_type3A : vector<512x1xf32>
      %gt3A = vector.broadcast %while3A_344#0 : vector<1x256xf32> to vector<512x256xf32>
      %gt3A_381 = arith.cmpf ogt, %get3A_374, %gt3A : vector<512x256xf32>
      %eq3A = vector.broadcast %while3A_344#0 : vector<1x256xf32> to vector<512x256xf32>
      %eq3A_382 = arith.cmpf oeq, %get3A_374, %eq3A : vector<512x256xf32>
      %gt3A_383 = vector.broadcast %add3A_380 : vector<512x1xf32> to vector<512x256xf32>
      %gt3A_384 = vector.broadcast %while3A_344#1 : vector<1x256xf32> to vector<512x256xf32>
      %gt3A_385 = arith.cmpf ogt, %gt3A_383, %gt3A_384 : vector<512x256xf32>
      %and3A = arith.andi %eq3A_382, %gt3A_385 : vector<512x256xi1>
      %or3A = arith.ori %gt3A_381, %and3A : vector<512x256xi1>
      %jit3A = arith.constant 0x7F800000 : f32
      %broadcast_in_dim3A_386 = vector.broadcast %jit3A : f32 to vector<512x256xf32>
      %select_n3A = arith.select %or3A, %get3A_374, %broadcast_in_dim3A_386 : vector<512x256xi1>, vector<512x256xf32>
      %reduce_min3A = arith.constant dense<0x7F800000> : vector<256xf32>
      %reduce_min3A_387 = vector.multi_reduction <minimumf>, %select_n3A, %reduce_min3A [0] : vector<512x256xf32> to vector<256xf32>
      %broadcast_in_dim3A_388 = vector.shape_cast %reduce_min3A_387 : vector<256xf32> to vector<1x256xf32>
      %eq3A_389 = vector.broadcast %broadcast_in_dim3A_388 : vector<1x256xf32> to vector<512x256xf32>
      %eq3A_390 = arith.cmpf oeq, %select_n3A, %eq3A_389 : vector<512x256xf32>
      %jit3A_391 = arith.constant 1.000000e+09 : f32
      %broadcast_in_dim3A_392 = vector.shape_cast %add3A_380 : vector<512x1xf32> to vector<512x1xf32>
      %broadcast_in_dim3A_393 = vector.broadcast %broadcast_in_dim3A_392 : vector<512x1xf32> to vector<512x256xf32>
      %broadcast_in_dim3A_394 = vector.broadcast %jit3A_391 : f32 to vector<512x256xf32>
      %select_n3A_395 = arith.select %eq3A_390, %broadcast_in_dim3A_393, %broadcast_in_dim3A_394 : vector<512x256xi1>, vector<512x256xf32>
      %reduce_min3A_396 = arith.constant dense<0x7F800000> : vector<256xf32>
      %reduce_min3A_397 = vector.multi_reduction <minimumf>, %select_n3A_395, %reduce_min3A_396 [0] : vector<512x256xf32> to vector<256xf32>
      %broadcast_in_dim3A_398 = vector.shape_cast %reduce_min3A_397 : vector<256xf32> to vector<1x256xf32>
      %lt3A = arith.cmpf olt, %broadcast_in_dim3A_388, %while3A_367 : vector<1x256xf32>
      %eq3A_399 = arith.cmpf oeq, %broadcast_in_dim3A_388, %while3A_367 : vector<1x256xf32>
      %lt3A_400 = arith.cmpf olt, %broadcast_in_dim3A_398, %while3A_368 : vector<1x256xf32>
      %and3A_401 = arith.andi %eq3A_399, %lt3A_400 : vector<1x256xi1>
      %or3A_402 = arith.ori %lt3A, %and3A_401 : vector<1x256xi1>
      %select_n3A_403 = arith.select %or3A_402, %broadcast_in_dim3A_388, %while3A_367 : vector<1x256xi1>, vector<1x256xf32>
      %select_n3A_404 = arith.select %or3A_402, %broadcast_in_dim3A_398, %while3A_368 : vector<1x256xi1>, vector<1x256xf32>
      scf.yield %select_n3A_403, %select_n3A_404 : vector<1x256xf32>, vector<1x256xf32>
    }
    %concatenate3A = tpu.concatenate %while3A_74#1, %while3A_89#1, %while3A_104#1, %while3A_119#1, %while3A_134#1, %while3A_149#1, %while3A_164#1, %while3A_179#1, %while3A_194#1, %while3A_209#1, %while3A_224#1, %while3A_239#1, %while3A_254#1, %while3A_269#1, %while3A_284#1, %while3A_299#1, %while3A_314#1, %while3A_329#1, %while3A_344#1, %while3A_359#1 in 1 : vector<1x256xf32>, vector<1x256xf32>, vector<1x256xf32>, vector<1x256xf32>, vector<1x256xf32>, vector<1x256xf32>, vector<1x256xf32>, vector<1x256xf32>, vector<1x256xf32>, vector<1x256xf32>, vector<1x256xf32>, vector<1x256xf32>, vector<1x256xf32>, vector<1x256xf32>, vector<1x256xf32>, vector<1x256xf32>, vector<1x256xf32>, vector<1x256xf32>, vector<1x256xf32>, vector<1x256xf32> -> vector<1x5120xf32>
    %swap3A_360 = arith.constant 0 : index
    %swap3A_361 = arith.constant 0 : index
    %swap3A_362 = arith.constant 0 : index
    %swap3A_363 = vector.load %arg12[%swap3A_360, %swap3A_361, %swap3A_362] : memref<1x8x5120xf32, #tpu.memory_space<vmem>>, vector<1x1x5120xf32>
    %swap3A_364 = vector.shape_cast %swap3A_363 : vector<1x1x5120xf32> to vector<1x5120xf32>
    %swap3A_365 = vector.shape_cast %concatenate3A : vector<1x5120xf32> to vector<1x1x5120xf32>
    tpu.vector_store %arg12[%swap3A_360, %swap3A_361, %swap3A_362], %swap3A_365 {strides = array<i32>} : memref<1x8x5120xf32, #tpu.memory_space<vmem>>, vector<1x1x5120xf32>,
    return
  }
  func.func @transform_0(%arg0: i32) -> i32 {
    %c0_i32 = arith.constant 0 : i32
    %c0_i32_0 = arith.constant 0 : i32
    return %c0_i32 : i32
  }
  func.func @transform_1(%arg0: i32) -> i32 {
    %c0_i32 = arith.constant 0 : i32
    %c0_i32_0 = arith.constant 0 : i32
    return %c0_i32 : i32
  }
  func.func @transform_2(%arg0: i32) -> (i32, i32) {
    %c0_i32 = arith.constant 0 : i32
    %c0_i32_0 = arith.constant 0 : i32
    %c0_i32_1 = arith.constant 0 : i32
    return %c0_i32, %c0_i32_0 : i32, i32
  }
  func.func @transform_3(%arg0: i32) -> (i32, i32) {
    %c0_i32 = arith.constant 0 : i32
    %c0_i32_0 = arith.constant 0 : i32
    %c0_i32_1 = arith.constant 0 : i32
    return %c0_i32, %c0_i32_0 : i32, i32
  }
  func.func @transform_4(%arg0: i32) -> (i32, i32) {
    %c0_i32 = arith.constant 0 : i32
    %c0_i32_0 = arith.constant 0 : i32
    %c0_i32_1 = arith.constant 0 : i32
    return %c0_i32, %c0_i32_0 : i32, i32
  }
  func.func @transform_5(%arg0: i32) -> (i32, i32, i32) {
    %c0_i32 = arith.constant 0 : i32
    %c0_i32_0 = arith.constant 0 : i32
    %c0_i32_1 = arith.constant 0 : i32
    return %arg0, %c0_i32, %c0_i32_0 : i32, i32, i32
  }
  func.func @transform_6(%arg0: i32) -> (i32, i32, i32) {
    %c0_i32 = arith.constant 0 : i32
    %c0_i32_0 = arith.constant 0 : i32
    %c0_i32_1 = arith.constant 0 : i32
    return %arg0, %c0_i32, %c0_i32_0 : i32, i32, i32
  }
  func.func @transform_7(%arg0: i32) -> (i32, i32, i32) {
    %c0_i32 = arith.constant 0 : i32
    %c0_i32_0 = arith.constant 0 : i32
    %c0_i32_1 = arith.constant 0 : i32
    return %arg0, %c0_i32, %c0_i32_0 : i32, i32, i32
  }
  func.func @transform_8(%arg0: i32) -> (i32, i32) {
    %c0_i32 = arith.constant 0 : i32
    %c0_i32_0 = arith.constant 0 : i32
    %c0_i32_1 = arith.constant 0 : i32
    return %c0_i32, %c0_i32_0 : i32, i32
  }
  func.func @transform_9(%arg0: i32) -> (i32, i32) {
    %c0_i32 = arith.constant 0 : i32
    %c0_i32_0 = arith.constant 0 : i32
    %c0_i32_1 = arith.constant 0 : i32
    return %c0_i32, %c0_i32_0 : i32, i32
  }
  func.func @transform_10(%arg0: i32) -> (i32, i32) {
    %c0_i32 = arith.constant 0 : i32
    %c0_i32_0 = arith.constant 0 : i32
    %c0_i32_1 = arith.constant 0 : i32
    return %c0_i32, %c0_i32_0 : i32, i32
  }
  func.func @transform_11(%arg0: i32) -> (i32, i32, i32) {
    %c0_i32 = arith.constant 0 : i32
    %c0_i32_0 = arith.constant 0 : i32
    %c0_i32_1 = arith.constant 0 : i32
    return %arg0, %c0_i32, %c0_i32_0 : i32, i32, i32
  }
  func.func @transform_12(%arg0: i32) -> (i32, i32) {
    %c0_i32 = arith.constant 0 : i32
    %c0_i32_0 = arith.constant 0 : i32
    return %arg0, %c0_i32 : i32, i32
  }
  func.func @transform_13(%arg0: i32) -> (i32, i32) {
    %c0_i32 = arith.constant 0 : i32
    %c0_i32_0 = arith.constant 0 : i32
    return %arg0, %c0_i32 : i32, i32
  }
}

module attributes {stable_mosaic.version = 14 : i64} {
  func.func @_edge_mlp_kernel(%arg0: i32, %arg1: memref<256x64xf32, #tpu.memory_space<vmem>>, %arg2: memref<5120x128xf32, #tpu.memory_space<vmem>>, %arg3: memref<64x128xf32, #tpu.memory_space<vmem>>, %arg4: memref<1x128xf32, #tpu.memory_space<vmem>>, %arg5: memref<256x128xf32, #tpu.memory_space<vmem>>) attributes {dimension_semantics = [#tpu.dimension_semantics<arbitrary>], iteration_bounds = array<i64: 40>, scalar_prefetch = 0 : i64, scratch_operands = 0 : i64, tpu.core_type = #tpu.core_type<tc>, window_params = [{transform_indices = @transform_0, window_bounds = array<i64: 256, 64>}, {transform_indices = @transform_1, window_bounds = array<i64: 5120, 128>}, {pipeline_mode = #tpu.pipeline_mode<synchronous>, transform_indices = @transform_2, window_bounds = array<i64: 64, 128>}, {pipeline_mode = #tpu.pipeline_mode<synchronous>, transform_indices = @transform_3, window_bounds = array<i64: 1, 128>}, {transform_indices = @transform_4, window_bounds = array<i64: 256, 128>}]} {
    %get3A = arith.constant 0 : index
    %get3A_0 = arith.constant 0 : index
    %get3A_1 = vector.load %arg1[%get3A, %get3A_0] : memref<256x64xf32, #tpu.memory_space<vmem>>, vector<256x64xf32>
    %concatenate3A = tpu.concatenate %get3A_1, %get3A_1, %get3A_1, %get3A_1, %get3A_1, %get3A_1, %get3A_1, %get3A_1, %get3A_1, %get3A_1, %get3A_1, %get3A_1, %get3A_1, %get3A_1, %get3A_1, %get3A_1, %get3A_1, %get3A_1, %get3A_1, %get3A_1 in 0 : vector<256x64xf32>, vector<256x64xf32>, vector<256x64xf32>, vector<256x64xf32>, vector<256x64xf32>, vector<256x64xf32>, vector<256x64xf32>, vector<256x64xf32>, vector<256x64xf32>, vector<256x64xf32>, vector<256x64xf32>, vector<256x64xf32>, vector<256x64xf32>, vector<256x64xf32>, vector<256x64xf32>, vector<256x64xf32>, vector<256x64xf32>, vector<256x64xf32>, vector<256x64xf32>, vector<256x64xf32> -> vector<5120x64xf32>
    %get3A_2 = arith.constant 0 : index
    %get3A_3 = arith.constant 0 : index
    %get3A_4 = vector.load %arg2[%get3A_2, %get3A_3] : memref<5120x128xf32, #tpu.memory_space<vmem>>, vector<5120x64xf32>
    %add3A = arith.addf %concatenate3A, %get3A_4 : vector<5120x64xf32>
    %max3A = arith.constant 0.000000e+00 : f32
    %max3A_5 = vector.broadcast %max3A : f32 to vector<5120x64xf32>
    %max3A_6 = arith.maximumf %add3A, %max3A_5 : vector<5120x64xf32>
    %get3A_7 = arith.constant 0 : index
    %get3A_8 = arith.constant 0 : index
    %get3A_9 = vector.load %arg3[%get3A_7, %get3A_8] : memref<64x128xf32, #tpu.memory_space<vmem>>, vector<64x128xf32>
    %dot_general3A = arith.constant dense<0.000000e+00> : vector<5120x128xf32>
    %dot_general3A_10 = tpu.matmul %max3A_6, %get3A_9, %dot_general3A {dimension_numbers = #tpu.dot_dimension_numbers<[1], [0], [0], [1], [0, 0, 1, 1], [], []>, precision = #tpu.contract_precision<fp32>, transpose_lhs_hint = false} : vector<5120x64xf32>, vector<64x128xf32>, vector<5120x128xf32> -> vector<5120x128xf32>
    %slice3A = vector.extract_strided_slice %dot_general3A_10 {offsets = [0, 0], sizes = [256, 128], strides = [1, 1]} : vector<5120x128xf32> to vector<256x128xf32>
    %slice3A_11 = vector.extract_strided_slice %dot_general3A_10 {offsets = [256, 0], sizes = [256, 128], strides = [1, 1]} : vector<5120x128xf32> to vector<256x128xf32>
    %max3A_12 = arith.maximumf %slice3A, %slice3A_11 : vector<256x128xf32>
    %slice3A_13 = vector.extract_strided_slice %dot_general3A_10 {offsets = [512, 0], sizes = [256, 128], strides = [1, 1]} : vector<5120x128xf32> to vector<256x128xf32>
    %max3A_14 = arith.maximumf %max3A_12, %slice3A_13 : vector<256x128xf32>
    %slice3A_15 = vector.extract_strided_slice %dot_general3A_10 {offsets = [768, 0], sizes = [256, 128], strides = [1, 1]} : vector<5120x128xf32> to vector<256x128xf32>
    %max3A_16 = arith.maximumf %max3A_14, %slice3A_15 : vector<256x128xf32>
    %slice3A_17 = vector.extract_strided_slice %dot_general3A_10 {offsets = [1024, 0], sizes = [256, 128], strides = [1, 1]} : vector<5120x128xf32> to vector<256x128xf32>
    %max3A_18 = arith.maximumf %max3A_16, %slice3A_17 : vector<256x128xf32>
    %slice3A_19 = vector.extract_strided_slice %dot_general3A_10 {offsets = [1280, 0], sizes = [256, 128], strides = [1, 1]} : vector<5120x128xf32> to vector<256x128xf32>
    %max3A_20 = arith.maximumf %max3A_18, %slice3A_19 : vector<256x128xf32>
    %slice3A_21 = vector.extract_strided_slice %dot_general3A_10 {offsets = [1536, 0], sizes = [256, 128], strides = [1, 1]} : vector<5120x128xf32> to vector<256x128xf32>
    %max3A_22 = arith.maximumf %max3A_20, %slice3A_21 : vector<256x128xf32>
    %slice3A_23 = vector.extract_strided_slice %dot_general3A_10 {offsets = [1792, 0], sizes = [256, 128], strides = [1, 1]} : vector<5120x128xf32> to vector<256x128xf32>
    %max3A_24 = arith.maximumf %max3A_22, %slice3A_23 : vector<256x128xf32>
    %slice3A_25 = vector.extract_strided_slice %dot_general3A_10 {offsets = [2048, 0], sizes = [256, 128], strides = [1, 1]} : vector<5120x128xf32> to vector<256x128xf32>
    %max3A_26 = arith.maximumf %max3A_24, %slice3A_25 : vector<256x128xf32>
    %slice3A_27 = vector.extract_strided_slice %dot_general3A_10 {offsets = [2304, 0], sizes = [256, 128], strides = [1, 1]} : vector<5120x128xf32> to vector<256x128xf32>
    %max3A_28 = arith.maximumf %max3A_26, %slice3A_27 : vector<256x128xf32>
    %slice3A_29 = vector.extract_strided_slice %dot_general3A_10 {offsets = [2560, 0], sizes = [256, 128], strides = [1, 1]} : vector<5120x128xf32> to vector<256x128xf32>
    %max3A_30 = arith.maximumf %max3A_28, %slice3A_29 : vector<256x128xf32>
    %slice3A_31 = vector.extract_strided_slice %dot_general3A_10 {offsets = [2816, 0], sizes = [256, 128], strides = [1, 1]} : vector<5120x128xf32> to vector<256x128xf32>
    %max3A_32 = arith.maximumf %max3A_30, %slice3A_31 : vector<256x128xf32>
    %slice3A_33 = vector.extract_strided_slice %dot_general3A_10 {offsets = [3072, 0], sizes = [256, 128], strides = [1, 1]} : vector<5120x128xf32> to vector<256x128xf32>
    %max3A_34 = arith.maximumf %max3A_32, %slice3A_33 : vector<256x128xf32>
    %slice3A_35 = vector.extract_strided_slice %dot_general3A_10 {offsets = [3328, 0], sizes = [256, 128], strides = [1, 1]} : vector<5120x128xf32> to vector<256x128xf32>
    %max3A_36 = arith.maximumf %max3A_34, %slice3A_35 : vector<256x128xf32>
    %slice3A_37 = vector.extract_strided_slice %dot_general3A_10 {offsets = [3584, 0], sizes = [256, 128], strides = [1, 1]} : vector<5120x128xf32> to vector<256x128xf32>
    %max3A_38 = arith.maximumf %max3A_36, %slice3A_37 : vector<256x128xf32>
    %slice3A_39 = vector.extract_strided_slice %dot_general3A_10 {offsets = [3840, 0], sizes = [256, 128], strides = [1, 1]} : vector<5120x128xf32> to vector<256x128xf32>
    %max3A_40 = arith.maximumf %max3A_38, %slice3A_39 : vector<256x128xf32>
    %slice3A_41 = vector.extract_strided_slice %dot_general3A_10 {offsets = [4096, 0], sizes = [256, 128], strides = [1, 1]} : vector<5120x128xf32> to vector<256x128xf32>
    %max3A_42 = arith.maximumf %max3A_40, %slice3A_41 : vector<256x128xf32>
    %slice3A_43 = vector.extract_strided_slice %dot_general3A_10 {offsets = [4352, 0], sizes = [256, 128], strides = [1, 1]} : vector<5120x128xf32> to vector<256x128xf32>
    %max3A_44 = arith.maximumf %max3A_42, %slice3A_43 : vector<256x128xf32>
    %slice3A_45 = vector.extract_strided_slice %dot_general3A_10 {offsets = [4608, 0], sizes = [256, 128], strides = [1, 1]} : vector<5120x128xf32> to vector<256x128xf32>
    %max3A_46 = arith.maximumf %max3A_44, %slice3A_45 : vector<256x128xf32>
    %slice3A_47 = vector.extract_strided_slice %dot_general3A_10 {offsets = [4864, 0], sizes = [256, 128], strides = [1, 1]} : vector<5120x128xf32> to vector<256x128xf32>
    %max3A_48 = arith.maximumf %max3A_46, %slice3A_47 : vector<256x128xf32>
    %get3A_49 = arith.constant 0 : index
    %get3A_50 = arith.constant 0 : index
    %get3A_51 = vector.load %arg4[%get3A_49, %get3A_50] : memref<1x128xf32, #tpu.memory_space<vmem>>, vector<1x128xf32>
    %add3A_52 = vector.broadcast %get3A_51 : vector<1x128xf32> to vector<256x128xf32>
    %add3A_53 = arith.addf %max3A_48, %add3A_52 : vector<256x128xf32>
    %swap3A = arith.constant 0 : index
    %swap3A_54 = arith.constant 0 : index
    %swap3A_55 = vector.load %arg5[%swap3A, %swap3A_54] : memref<256x128xf32, #tpu.memory_space<vmem>>, vector<256x128xf32>
    tpu.vector_store %arg5[%swap3A, %swap3A_54], %add3A_53 {strides = array<i32>} : memref<256x128xf32, #tpu.memory_space<vmem>>, vector<256x128xf32>,
    return
  }
  func.func @transform_0(%arg0: i32) -> (i32, i32) {
    %c0_i32 = arith.constant 0 : i32
    %c0_i32_0 = arith.constant 0 : i32
    return %arg0, %c0_i32 : i32, i32
  }
  func.func @transform_1(%arg0: i32) -> (i32, i32) {
    %c0_i32 = arith.constant 0 : i32
    %c0_i32_0 = arith.constant 0 : i32
    return %arg0, %c0_i32 : i32, i32
  }
  func.func @transform_2(%arg0: i32) -> (i32, i32) {
    %c0_i32 = arith.constant 0 : i32
    %c0_i32_0 = arith.constant 0 : i32
    %c0_i32_1 = arith.constant 0 : i32
    return %c0_i32, %c0_i32_0 : i32, i32
  }
  func.func @transform_3(%arg0: i32) -> (i32, i32) {
    %c0_i32 = arith.constant 0 : i32
    %c0_i32_0 = arith.constant 0 : i32
    %c0_i32_1 = arith.constant 0 : i32
    return %c0_i32, %c0_i32_0 : i32, i32
  }
  func.func @transform_4(%arg0: i32) -> (i32, i32) {
    %c0_i32 = arith.constant 0 : i32
    %c0_i32_0 = arith.constant 0 : i32
    return %arg0, %c0_i32 : i32, i32
  }
}

</mosaic_0001>

<sc_bundles>
// kernel: kernel.5.cloned.1.call-start
scs
__scs_entry_jumppad:
0x0: {  	(pc) =	sbr.rel $0x88, $3  }
0x1: {  	(tag) =	ssettag $0x0;
	lr =	simm.s32 $0x1  }
0x2: {  	[smem:$0x3F9B] =	sst lr;
	_ =	strace $0xD0000000  }
0x3: {  	_ = 	snop  }
0x4: {  	_ = 	snop  }
0x5: {  	_ = 	snop  }
0x6: {  	_ = 	snop  }
0x7: {  	_ = 	snop  }
__scs_overlays_trampoline_lowered:
0x8: {  	[smem:$0x3FAA] =	sst s0  }
0x9: {  	[smem:$0x3FAB] =	sst s1  }
0xa: {  	[smem:$0x3FAC] =	sst s2  }
0xb: {  	[smem:$0x3FAD] =	sst s3  }
0xc: {  	[smem:$0x3FAE] =	sst s4  }
0xd: {  	[smem:$0x3FAF] =	sst s5  }
0xe: {  	[smem:$0x3FB0] =	sst s6  }
0xf: {  	[smem:$0x3FB1] =	sst s7  }
0x10: {  	[smem:$0x3FB2] =	sst s8  }
0x11: {  	[smem:$0x3FB3] =	sst s9;
	s0 =	simm.s32 @!p0 $0x0  }
0x12: {  	s1 =	sld [smem:$0x3F99];
	s0 =	simm.s32 @p0 $0x1  }
0x13: {  	[smem:$0x3FB4] =	sst s0;
	s0 =	simm.s32 @!p1 $0x0  }
0x14: {  	s2 =	sld [smem:$0x3F98];
	s0 =	simm.s32 @p1 $0x1  }
0x15: {  	[smem:$0x3FB5] =	sst s0;
	s0 =	simm.s32 @!p2 $0x0  }
0x16: {  	s3 =	sld [smem:$0x3FDB];
	s0 =	simm.s32 @p2 $0x1  }
0x17: {  	s4 =	simm.s32 $0x1BF5;
	[smem:$0x3FB7] =	sst s0  }
0x18: {  	s0 =	sld [smem:$0x3F9A];
	_ =	swait.ge [sflag:s4], $0x0  }
0x19: {  	s7 =	sld [smem:$0x3F9B]  }
0x1a: {  	s8 =	sadd.s32 $0xFFFFE003, lr  }
0x1b: {  	s9 =	sadd.s32 $0xFFFFFEF7, lr;
	s5 =	simm.s32 $0xFFFFFFFF;
	p2 =	slt.u32 s8, $0xFFFFF086  }
0x1c: {  	p1 =	slt.u32 s9, $0xF7A;
	s5 =	simm.s32 @!p2 $0x0  }
0x1d: {  	s5 =	simm.s32 @p1 $0x1;
	p0 =	seq.s32 s7, s2  }
0x1e: {  	s7 =	smul.u32 @!p0 $0xF7A, s2;
	p2 =	seq.s32 @!p0 s5, $0x0  }
0x1f: {  	s9 =	smul.u32 $0xF7A, s1;
	s8 =	simm.s32 @!p0 $0x1BF5;
	p2 =	por !p2, p0  }
0x20: {  	[sflag:s8] =	ssyncset.s32 @!p0 $0xFFFFF086;
	s6 =	sadd.s32 @!p0 s3, s7;
	s7 =	simm.s32 @!p0 $0x108  }
0x21: {  	s3 =	sadd.s32 s3, s9;
	s6 =	sadd.s32 @!p0 $0x88, s6;
	s7 =	simm.s32 @p2 $0x1082  }
0x22: {  	[simem:s7], [sflag:s8] =	dma.local @!p0 [hbm:s6], $0xF7A  }
0x23: {  	s9 =	sor.u32 $0xD0000000, s2;
	s6 =	simm.s32 $0x108;
	_ =	swait.ge @!p0 [sflag:s8], $0x0  }
0x24: {  	s3 =	sadd.s32 $0x88, s3;
	s6 =	simm.s32 @!p1 $0x1082;
	[sflag:s4] =	ssyncset.s32 $0xFFFFF086  }
0x25: {  	[simem:s6], [sflag:s4] =	dma.local [hbm:s3], $0xF7A  }
0x26: {  	[smem:$0x3F9B] =	sst s1;
	(tag) =	ssettag s2;
	_ =	strace s9  }
0x27: {  	s1 =	sld [smem:$0x3FAB]  }
0x28: {  	s2 =	sld [smem:$0x3FAC]  }
0x29: {  	s4 =	sld [smem:$0x3FAE]  }
0x2a: {  	p0 =	seq.s32 s5, $0x0;
	s5 =	sld [smem:$0x3FAF]  }
0x2b: {  	s6 =	sld [smem:$0x3FB0]  }
0x2c: {  	s7 =	sld [smem:$0x3FB1]  }
0x2d: {  	s3 =	simm.s32 $0x108;
	s8 =	sld [smem:$0x3FB2]  }
0x2e: {  	s3 =	simm.s32 @!p0 $0x1082;
	s9 =	sld [smem:$0x3FB3]  }
0x2f: {  	lr =	sadd.s32 s0, s3;
	s0 =	sld [smem:$0x3FAA]  }
0x30: {  	s3 =	sld [smem:$0x3FAD]  }
0x31: {  	[smem:$0x3FB6] =	sst s10  }
0x32: {  	s10 =	sld [smem:$0x3FB4];
	_ =	sdelay $0x3  }
0x33: {  	p0 =	seq.s32 s10, $0x1;
	s10 =	sld [smem:$0x3FB6];
	_ =	sdelay $0x3  }
0x34: {  	[smem:$0x3FB6] =	sst s10  }
0x35: {  	s10 =	sld [smem:$0x3FB5];
	_ =	sdelay $0x3  }
0x36: {  	p1 =	seq.s32 s10, $0x1;
	s10 =	sld [smem:$0x3FB6];
	_ =	sdelay $0x3  }
0x37: {  	[smem:$0x3FB6] =	sst s10  }
0x38: {  	s10 =	sld [smem:$0x3FB7]  }
0x39: {  	_ = 	snop;
	(pc) =	sbr.ind lr, $3  }
0x3a: {  	_ = 	snop  }
0x3b: {  	_ = 	snop  }
0x3c: {  	p2 =	seq.s32 s10, $0x1;
	s10 =	sld [smem:$0x3FB6]  }
0x3d: {  	_ =	shalt  }
0x3e: {  	_ =	shalt  }
0x3f: {  	_ =	shalt  }
0x40: {  	_ =	shalt  }
0x41: {  	_ =	shalt  }
0x42: {  	_ =	shalt  }
0x43: {  	_ =	shalt  }
0x44: {  	_ =	shalt  }
0x45: {  	_ =	shalt  }
0x46: {  	_ =	shalt  }
0x47: {  	_ =	shalt  }
0x48: {  	_ =	shalt  }
0x49: {  	_ =	shalt  }
0x4a: {  	_ =	shalt  }
0x4b: {  	_ =	shalt  }
0x4c: {  	_ =	shalt  }
0x4d: {  	_ =	shalt  }
0x4e: {  	_ =	shalt  }
0x4f: {  	_ =	shalt  }
0x50: {  	_ =	shalt  }
0x51: {  	_ =	shalt  }
0x52: {  	_ =	shalt  }
0x53: {  	_ =	shalt  }
0x54: {  	_ =	shalt  }
0x55: {  	_ =	shalt  }
0x56: {  	_ =	shalt  }
0x57: {  	_ =	shalt  }
0x58: {  	_ =	shalt  }
0x59: {  	_ =	shalt  }
0x5a: {  	_ =	shalt  }
0x5b: {  	_ =	shalt  }
0x5c: {  	_ =	shalt  }
0x5d: {  	_ =	shalt  }
0x5e: {  	_ =	shalt  }
0x5f: {  	_ =	shalt  }
0x60: {  	_ =	shalt  }
0x61: {  	_ =	shalt  }
0x62: {  	_ =	shalt  }
0x63: {  	_ =	shalt  }
0x64: {  	_ =	shalt  }
0x65: {  	_ =	shalt  }
0x66: {  	_ =	shalt  }
0x67: {  	_ =	shalt  }
0x68: {  	_ =	shalt  }
0x69: {  	_ =	shalt  }
0x6a: {  	_ =	shalt  }
0x6b: {  	_ =	shalt  }
0x6c: {  	_ =	shalt  }
0x6d: {  	_ =	shalt  }
0x6e: {  	_ =	shalt  }
0x6f: {  	_ =	shalt  }
0x70: {  	_ =	shalt  }
0x71: {  	_ =	shalt  }
0x72: {  	_ =	shalt  }
0x73: {  	_ =	shalt  }
0x74: {  	_ =	shalt  }
0x75: {  	_ =	shalt  }
0x76: {  	_ =	shalt  }
0x77: {  	_ =	shalt  }
0x78: {  	_ =	shalt  }
0x79: {  	_ =	shalt  }
0x7a: {  	_ =	shalt  }
0x7b: {  	_ =	shalt  }
0x7c: {  	_ =	shalt  }
0x7d: {  	_ =	shalt  }
0x7e: {  	_ =	shalt  }
0x7f: {  	_ =	shalt  }
0x80: {  	_ =	shalt  }
0x81: {  	_ =	shalt  }
0x82: {  	_ =	shalt  }
0x83: {  	_ =	shalt  }
0x84: {  	_ =	shalt  }
0x85: {  	_ =	shalt  }
0x86: {  	_ =	shalt  }
0x87: {  	_ =	shalt  }
.Lfunc_end0:
.L_simem_size_0:
called_computation_lowered:
.L_overlay_start_0:
0x88: {  	s2 =	sld [smem:$0x3FD9]  }
0x89: {  	s3 =	sld [smem:$0x3FFE];
	_ =	sdelay $0x1  }
0x8a: {  	s1 =	srdreg.scid  }
0x8b: {  	s0 =	sand.u32 $0x1, s1  }
0x8c: {  	s17 =	sshll.u32 s0, $0xA;
	s2 =	sadd.s32 s3, s2  }
0x8d: {  	s2 =	sadd.s32 s2, s17  }
0x8e: {  	[smem:$0x3FC2] =	sst s2  }
0x8f: {  	_ = 	snop  }
0x90: {  	s2 =	sld [smem:$0x3FD0];
	(tm) =	ssettm $0x1  }
0x91: {  	s18 =	sld [smem:$0x3FFB];
	_ =	sdelay $0x3  }
0x92: {  	_ =	strace s18  }
0x93: {  	s3 =	sld [smem:$0x3FFC];
	_ =	sdelay $0x3  }
0x94: {  	_ =	strace s3  }
0x95: {  	s3 =	sld [smem:$0x3FFD];
	_ =	sdelay $0x3  }
0x96: {  	_ =	strace s3  }
0x97: {  	_ =	strace $0x8FFFFFFF  }
0x98: {  	s19 =	sld [smem:$0x3FDB];
	_ =	sdelay $0x1  }
0x99: {  	s4 =	simm.s32 $_scs_section_size  }
0x9a: {  	s5 =	simm.s32 $_size__tile_overlayer_lowered;
	s6 =	simm.s32 $_tile_overlayer_lowered  }
0x9b: {  	s22 =	simm.s32 $0x1BFF;
	s21 =	sshll.u32 s6, $0x1;
	s3 =	sadd.s32 s4, s19  }
0x9c: {  	s7 =	simm.s32 $0x0;
	s20 =	sshll.u32 s5, $0x1;
	s5 =	sadd.s32 s21, s3  }
0x9d: {  	[timem:s7], [sflag:s22] =	dma.local [hbm:s5], s20  }
0x9e: {  	_ =	swait.ge [sflag:s22], s20  }
0x9f: {  	s4 =	ssub.s32 $0x0, s20;
	[sflag:s22] =	ssyncset.done $0x0  }
0xa0: {  	[sflag:s22] =	ssyncadd.s32 s4;
	_ =	sdelay $0x1  }
0xa1: {  	s23 =	simm.s32 $0x1B8B  }
0xa2: {  	_ =	swait.ge [sflag:s23], $0x1  }
0xa3: {  	[sflag:s23] =	ssyncset.done $0x0  }
0xa4: {  	s25 =	simm.s32 $0x1B8E;
	s24 =	sld [smem:$0x3FFE];
	[sflag:s23] =	ssyncadd.s32 $0xFFFFFFFF  }
0xa5: {  	s26 =	simm.s32 $execute0_lowered;
	[smem:$0x3FD2] =	sst s25  }
0xa6: {  	s5 =	sshll.u32 s26, $0x1;
	_ =	strace $0x80000046;
	[dreg:$0x1] =	wrdreg $0xFFFFFFFF  }
0xa7: {  	s28 =	simm.s32 $_size_execute0_lowered;
	s3 =	sadd.s32 s3, s5;
	[dreg:$0x0] =	wrdreg $0x0  }
0xa8: {  	s5 =	sshll.u32 s28, $0x1;
	[dreg:$0x2] =	wrdreg s3  }
0xa9: {  	[dreg:$0x3] =	wrdreg s5  }
0xaa: {  	[dreg:$0x4] =	wrdreg $0xC0  }
0xab: {  	_ =	task [dreg:s7], $0x5FFFF  }
0xac: {  	[dreg:$0x1] =	wrdreg $0xFFFFFFFF  }
0xad: {  	[dreg:$0x0] =	wrdreg $0x60  }
0xae: {  	[dreg:$0x2] =	wrdreg s24  }
0xaf: {  	[dreg:$0x3] =	wrdreg s2  }
0xb0: {  	[dreg:$0x4] =	wrdreg $0x9  }
0xb1: {  	_ =	task.clear_ibuf [dreg:s7], $0x5FFFF;
	_ =	strace $0x90000046  }
0xb2: {  	s29 =	simm.s32 $0x9;
	_ =	strace $0x80000048  }
0xb3: {  	_ =	swait.ge [sflag:s29], $0x1  }
0xb4: {  	[sflag:s29] =	ssyncadd.s32 $0xFFFFFFFF  }
0xb5: {  	_ =	strace $0x90000048  }
0xb6: {  	_ =	sfence  }
0xb7: {  	s30 =	sld [smem:$0x0];
	_ =	sdelay $0x2  }
0xb8: {  	s31 =	sshll.u32 s1, $0xD;
	s1 =	sshrl.u32 s1, $0x2  }
0xb9: {  	s3 =	sand.u32 $0x4000, s31;
	s1 =	sadd.s32 s1, s30  }
0xba: {  	s0 =	sor.u32 s3, s0;
	s1 =	sshll.u32 s1, $0x11  }
0xbb: {  	s0 =	sor.u32 s1, s0  }
0xbc: {  	s0 =	sadd.s32 $0x8F2B, s0  }
0xbd: {  	[sflag:s0] =	ssyncadd.remote.s32 $0x1  }
0xbe: {  	_ =	sfence.sel $0xFFFF  }
0xbf: {  	[dreg:$0x0] =	wrdreg $0xFFFFFFFF;
	(pc) =	sbr.abs _section_cstart, $3  }
0xc0: {  	[dreg:$0x1] =	wrdreg $0xFFFFFFFF  }
0xc1: {  	_ =	task.clear_ibuf [dreg:s7], $0x2FFFF;
	_ =	strace $0x9FFFFFFF  }
0xc2: {  	(tm) =	ssettm $0x7FFFFFFF  }
0xc3: {  	_ =	shalt  }
tec
execute0_lowered:
.L_overlay_start_1:
0x0: {  	(tag) =	ssettag $0x1  }
0x1: {  	s0 =	stileid.u32;
	s2 =	rddreg [dreg:$0x0]  }
0x2: {  	s1 =	srdreg.scid;
	s6 =	rddreg [dreg:$0x1]  }
0x3: {  	s3 =	simm.s32 $0x0;
	s11 =	simm.s32 $0x0;
	s4 =	smul.u32 $0x32000, s0  }
0x4: {  	s5 =	sand.u32 $0x1, s1;
	s1 =	rddreg [dreg:$0x2];
	s8 =	smul.u32 $0x3200, s0  }
0x5: {  	[smem:$0x7FF] =	sst s3;
	s7 =	smul.u32 $0x19000, s5;
	s9 =	ssub.s32 $0x2, s5  }
0x6: {  	s5 =	smul.u32 $0x1900, s5;
	s4 =	sadd.s32 s4, s2;
	s10 =	sshrl.u32 s9, $0x1  }
0x7: {  	_ =	strace $0x80000047;
	s9 =	ssub.s32 s9, s10;
	s7 =	sadd.s32 s7, s4  }
0x8: {  	s8 =	sadd.s32 s5, s8;
	s10 =	simm.s32 $0x1;
	s4 =	smax.u32 s9, $0x1  }
0x9: {  	s5 =	sadd.s32 $0x28000, s7;
	s31 =	sshrl.u32 s8, $0x3;
	s7 =	simm.s32 $0x2  }
0xa: {  	s8 =	simm.s32 $0x140;
	s9 =	simm.s32 $0x180;
	s6 =	sadd.s32 s31, s6  }
.LBB2_1:
0xb: {  	s12 =	sadd.s32 $0x0, s6  }
0xc: {  	[tilespmem:s3], [sflag:$0x2] =	stream.linear.gather [hbm4b:s12+s3], $0x140, $0x38;
	[tilespmem:$0xA180] =	vst v63  }
0xd: {  	_ =	swait.ge [sflag:s7], $0x140  }
0xe: {  	[sflag:s7] =	ssyncset.done $0x0  }
0xf: {  	[sflag:s7] =	ssyncadd.s32 $0xFFFFFEC0  }
0x10: {  	[tilespmem:s9], [sflag:$0x1] =	stream.indirect.gather [hbm4b:s2+s8], $0x80, s3, s8, $0xb8;
	[tilespmem:$0xA180] =	vst v63  }
0x11: {  	_ =	swait.ge [sflag:s10], $0xA000  }
0x12: {  	[sflag:s10] =	ssyncset.done $0x0  }
0x13: {  	[sflag:s10] =	ssyncadd.s32 $0xFFFF6000  }
0x14: {  	[hbm4b:s5+s3] =	stream.linear.scatter [tilespmem:s9], [sflag:$0x2], $0xA000, $0x38;
	[tilespmem:$0xA180] =	vst v63  }
0x15: {  	s13 =	simm.s32 $0x28;
	_ =	swait.ge [sflag:s7], $0xA000  }
0x16: {  	s14 =	simm.s32 $0x50;
	s12 =	sadd.s32 $0x1400, s5;
	[sflag:s7] =	ssyncset.done $0x0  }
.LBB2_2:
0x17: {  	s15 =	sadd.s32 s13, s6  }
0x18: {  	[sflag:s7] =	ssyncadd.s32 $0xFFFF6000;
	s13 =	smov.u32 s14;
	s16 =	sadd.s32 $0x28, s14  }
0x19: {  	[tilespmem:s3], [sflag:$0x2] =	stream.linear.gather [hbm4b:s15+s3], $0x140, $0x38;
	[tilespmem:$0xA180] =	vst v63  }
0x1a: {  	p0 =	sne.s32 s14, $0x2F8;
	_ =	swait.ge [sflag:s7], $0x140  }
0x1b: {  	[sflag:s7] =	ssyncset.done $0x0  }
0x1c: {  	[sflag:s7] =	ssyncadd.s32 $0xFFFFFEC0  }
0x1d: {  	[tilespmem:s9], [sflag:$0x1] =	stream.indirect.gather [hbm4b:s2+s8], $0x80, s3, s8, $0xb8;
	[tilespmem:$0xA180] =	vst v63  }
0x1e: {  	_ =	swait.ge [sflag:s10], $0xA000  }
.Ltmp0:
0x1f: {  	[sflag:s10] =	ssyncset.done $0x0;
	(pc) =	sbr.rel @p0 .LBB2_2-.Ltmp0, $4  }
0x20: {  	[sflag:s10] =	ssyncadd.s32 $0xFFFF6000  }
0x21: {  	[hbm4b:s12+s3] =	stream.linear.scatter [tilespmem:s9], [sflag:$0x2], $0xA000, $0x38;
	[tilespmem:$0xA180] =	vst v63  }
0x22: {  	_ =	swait.ge [sflag:s7], $0xA000  }
0x23: {  	s14 =	smov.u32 s16;
	s12 =	sadd.s32 $0x1400, s12;
	[sflag:s7] =	ssyncset.done $0x0  }
0x24: {  	s13 =	sadd.s32 s13, s6;
	[sflag:s7] =	ssyncadd.s32 $0xFFFF6000  }
0x25: {  	[tilespmem:s3], [sflag:$0x2] =	stream.linear.gather [hbm4b:s13+s3], $0x140, $0x38;
	[tilespmem:$0xA180] =	vst v63  }
0x26: {  	_ =	swait.ge [sflag:s7], $0x140  }
0x27: {  	[sflag:s7] =	ssyncset.done $0x0  }
0x28: {  	[sflag:s7] =	ssyncadd.s32 $0xFFFFFEC0  }
0x29: {  	[tilespmem:s9], [sflag:$0x1] =	stream.indirect.gather [hbm4b:s2+s8], $0x80, s3, s8, $0xb8;
	[tilespmem:$0xA180] =	vst v63  }
0x2a: {  	s11 =	sadd.s32 $0x1, s11;
	_ =	swait.ge [sflag:s10], $0xA000  }
0x2b: {  	p0 =	sne.s32 s11, s4;
	[sflag:s10] =	ssyncset.done $0x0  }
.Ltmp1:
0x2c: {  	[sflag:s10] =	ssyncadd.s32 $0xFFFF6000;
	(pc) =	sbr.rel @p0 .LBB2_1-.Ltmp1, $4  }
0x2d: {  	[hbm4b:s12+s3] =	stream.linear.scatter [tilespmem:s9], [sflag:$0x2], $0xA000, $0x38;
	[tilespmem:$0xA180] =	vst v63  }
0x2e: {  	_ =	swait.ge [sflag:s7], $0xA000  }
0x2f: {  	[sflag:s7] =	ssyncset.done $0x0  }
0x30: {  	[sflag:s7] =	ssyncadd.s32 $0xFFFF6000  }
0x31: {  	_ =	sfence.sel $0x180000  }
0x32: {  	[bflag:$0x0] =	sbarrier.arrive $0xFFFF  }
0x33: {  	p0 =	sne.s32 s0, $0x0;
	_ =	strace $0x90000047  }
0x34: {  	s0 =	sadd.s32 @!p0 $0x100000, s1;
	[bflag:$0x2] =	sbarrier.arrive $0xFFFF  }
0x35: {  	[sflag:s0] =	ssyncadd.tile.s32 @!p0 $0x1;
	_ =	shalt  }
.Lfunc_end2:
_tile_overlayer_lowered:
.L_overlay_start_2:
0x36: {  	(tag) =	ssettag $0x2  }
0x37: {  	s0 =	rddreg [dreg:$0x0];
	s2 =	stileid.u32  }
0x38: {  	s1 =	rddreg [dreg:$0x1];
	p0 =	sne.s32 s2, $0x0  }
0x39: {  	s3 =	rddreg [dreg:$0x2];
	[bflag:$0x3] =	sbarrier.arrive $0xFFFF;
	s2 =	simm.s32 @!p0 $0x1C02  }
0x3a: {  	[timem:s3], [sflag:s2] =	dma.local @!p0 [hbm:s0], s1  }
0x3b: {  	s0 =	simm.s32 @!p0 $0x2  }
0x3c: {  	_ =	swait.ge @!p0 [sflag:s0], s1  }
0x3d: {  	s1 =	ssub.s32 @!p0 $0x0, s1;
	[sflag:s0] =	ssyncset.done @!p0 $0x0  }
0x3e: {  	[sflag:s0] =	ssyncadd.s32 @!p0 s1  }
0x3f: {  	[bflag:$0x3] =	sbarrier.arrive $0xFFFF  }
0x40: {  	_ =	shalt  }

</sc_bundles>
